<compile_context>
chip_gen: v7x
topology: tpu7x:2x2x1
jax: 0.10.2.dev20260603
libtpu: 0.0.44.dev20260713+nightly
codegen_flags: <defaults>
</compile_context>

<pallas_src>
import jax
import jax.numpy as jnp
from jax import lax
from jax.experimental import pallas as pl
from jax.experimental.pallas import tpu as pltpu
from jax.experimental.pallas import tpu_sc as plsc

NC = 2
NS = 16
LANES = 16
NW = NC * NS
CHUNK = 128


def _round_up(v, m):
    return (v + m - 1) // m * m




def _sc_degree(cols2d, ones_hbm, zeros_hbm, npad, nch):
    mesh = plsc.VectorSubcoreMesh(core_axis_name="c", subcore_axis_name="s")
    rows_per_sub = npad // NS

    def body(cols_hbm, ones_h, zeros_h, out_hbm, colidx, buf, acc, sem):
        cid = lax.axis_index("c")
        sid = lax.axis_index("s")
        wid = sid * NC + cid
        pltpu.sync_copy(cols_hbm.at[wid], colidx)
        pltpu.sync_copy(ones_h, buf)
        base = sid * rows_per_sub
        pltpu.sync_copy(zeros_h, acc.at[pl.ds(base, rows_per_sub)])
        plsc.subcore_barrier()

        def fire_body(j, carry):
            pltpu.async_copy(buf, acc.at[colidx.at[j]], sem, add=True)
            return carry

        lax.fori_loop(0, nch, fire_body, 0)

        def drain_body(j, carry):
            pltpu.make_async_copy(buf, acc.at[colidx.at[0]], sem).wait()
            return carry

        lax.fori_loop(0, nch, drain_body, 0)
        plsc.subcore_barrier()
        pltpu.sync_copy(acc.at[pl.ds(base, rows_per_sub)],
                        out_hbm.at[cid, pl.ds(base, rows_per_sub)])

    return pl.kernel(
        body,
        out_type=jax.ShapeDtypeStruct((NC, npad, LANES), jnp.float32),
        mesh=mesh,
        compiler_params=pltpu.CompilerParams(use_tc_tiling_on_sc=False),
        scratch_types=[
            pltpu.VMEM((nch, CHUNK), jnp.int32),
            pltpu.VMEM((CHUNK, LANES), jnp.float32),
            pltpu.VMEM_SHARED((npad, LANES), jnp.float32),
            pltpu.SemaphoreType.DMA,
        ],
    )(cols2d, ones_hbm, zeros_hbm)


def _sc_propagate(g_stack, rows4d, cols3d, npad, nchp, dh):
    mesh = plsc.VectorSubcoreMesh(core_axis_name="c", subcore_axis_name="s")
    rows_per_sub = npad // NS
    K = 6
    PD = 5
    m_blocks = nchp // K

    def body(g_hbm, rows_hbm, cols_hbm, zeros_hbm, out_hbm,
             rowidx, colidx, *rest):
        rbuf = rest[:K]
        sem_g = rest[K:2 * K]
        sem_s = rest[2 * K:3 * K]
        acc = rest[3 * K]
        cid = lax.axis_index("c")
        sid = lax.axis_index("s")
        pltpu.sync_copy(rows_hbm.at[cid, sid], rowidx)
        pltpu.sync_copy(cols_hbm.at[sid], colidx)
        base = sid * rows_per_sub
        pltpu.sync_copy(zeros_hbm, acc.at[pl.ds(base, rows_per_sub)])
        plsc.subcore_barrier()

        def start_gather(u, j):
            pltpu.async_copy(g_hbm.at[rowidx.at[j]], rbuf[u], sem_g[u])

        def wait_gather(u):
            pltpu.make_async_copy(
                g_hbm.at[rowidx.at[0]], rbuf[u], sem_g[u]).wait()

        def start_scatter(u, j):
            pltpu.async_copy(rbuf[u], acc.at[colidx.at[j]], sem_s[u],
                             add=True)

        def wait_scatter(u):
            pltpu.make_async_copy(
                rbuf[u], acc.at[colidx.at[0]], sem_s[u]).wait()

        for u in range(PD):
            start_gather(u, u)

        def visit(u, j, prefetch, fresh_slot):
            wait_gather(u)
            start_scatter(u, j)
            if prefetch:
                up = (u + PD) % K
                if not fresh_slot:
                    wait_scatter(up)
                start_gather(up, j + PD)

        for u in range(K):
            visit(u, u, prefetch=True, fresh_slot=(u < K - PD))

        def mid_block(m, carry):
            j0 = m * K
            for u in range(K):
                visit(u, j0 + u, prefetch=True, fresh_slot=False)
            return carry

        lax.fori_loop(1, m_blocks - 1, mid_block, 0)

        jlast = (m_blocks - 1) * K
        for u in range(K):
            visit(u, jlast + u, prefetch=(u < K - PD), fresh_slot=False)
        for u in range(K):
            wait_scatter(u)
        plsc.subcore_barrier()

        pltpu.sync_copy(acc.at[pl.ds(base, rows_per_sub)],
                        out_hbm.at[pl.ds(base, rows_per_sub),
                                   pl.ds(cid * dh, dh)])

    return pl.kernel(
        body,
        out_type=jax.ShapeDtypeStruct((npad, 128), jnp.float32),
        mesh=mesh,
        compiler_params=pltpu.CompilerParams(use_tc_tiling_on_sc=False),
        scratch_types=(
            [pltpu.VMEM((nchp, CHUNK), jnp.int32)] * 2
            + [pltpu.VMEM((CHUNK, dh), jnp.float32)] * K
            + [pltpu.SemaphoreType.DMA] * (2 * K)
            + [pltpu.VMEM_SHARED((npad, dh), jnp.float32)]
        ),
    )(g_stack, rows4d, cols3d,
      jnp.zeros((rows_per_sub, dh), jnp.float32))




def _deg_to_dinv(d_ref, blk, n_valid, i):
    deg = d_ref[0, :, 0:1] + d_ref[1, :, 0:1]
    row = lax.broadcasted_iota(jnp.int32, (blk, 1), 0) + i * blk
    return jnp.where(row < n_valid,
                     lax.rsqrt(jnp.maximum(deg, 1.0)), 0.0)


def _tc1(x, w_fc, b_fc2d, deg128, n_valid, npad, blk=1024):
    _, d_in = x.shape
    d_h = w_fc.shape[0]

    def body(x_ref, w_ref, b_ref, d_ref, g_ref, dinv_ref):
        i = pl.program_id(0)
        dinv = _deg_to_dinv(d_ref, blk, n_valid, i)
        h = lax.dot_general(x_ref[...], w_ref[...],
                            (((1,), (1,)), ((), ())),
                            preferred_element_type=jnp.float32) + b_ref[...]
        g = jnp.where(dinv > 0.0, h * dinv, 0.0)
        dhh = d_h // 2
        g_ref[0] = g[:, :dhh]
        g_ref[1] = g[:, dhh:]
        dinv_ref[...] = dinv

    return pl.pallas_call(
        body,
        grid=(pl.cdiv(npad, blk),),
        in_specs=[
            pl.BlockSpec((blk, d_in), lambda i: (i, 0)),
            pl.BlockSpec((d_h, d_in), lambda i: (0, 0)),
            pl.BlockSpec((1, d_h), lambda i: (0, 0)),
            pl.BlockSpec((NC, blk, LANES), lambda i: (0, i, 0)),
        ],
        out_specs=[
            pl.BlockSpec((NC, blk, d_h // 2), lambda i: (0, i, 0)),
            pl.BlockSpec((blk, 1), lambda i: (i, 0)),
        ],
        out_shape=[
            jax.ShapeDtypeStruct((NC, npad, d_h // 2), jnp.float32),
            jax.ShapeDtypeStruct((npad, 1), jnp.float32),
        ],
    )(x, w_fc, b_fc2d, deg128)


def _tc2(s1, dinv2d, w2, d_h, blk=1024):
    npad = s1.shape[0]
    d_out = w2.shape[0]

    def body(s_ref, d_ref, w_ref, g_ref):
        dinv = d_ref[...]
        t = s_ref[:, :d_h] * dinv
        t = 1.0507009873554805 * jnp.where(
            t > 0.0, t, 1.6732632423543772 * (jnp.exp(t) - 1.0))
        h2 = lax.dot_general(t, w_ref[...], (((1,), (1,)), ((), ())),
                             preferred_element_type=jnp.float32)
        g2 = h2 * dinv
        doh = d_out // 2
        g_ref[0] = g2[:, :doh]
        g_ref[1] = g2[:, doh:]

    return pl.pallas_call(
        body,
        grid=(pl.cdiv(npad, blk),),
        in_specs=[
            pl.BlockSpec((blk, 128), lambda i: (i, 0)),
            pl.BlockSpec((blk, 1), lambda i: (i, 0)),
            pl.BlockSpec((d_out, d_h), lambda i: (0, 0)),
        ],
        out_specs=pl.BlockSpec((NC, blk, d_out // 2), lambda i: (0, i, 0)),
        out_shape=jax.ShapeDtypeStruct((NC, npad, d_out // 2), jnp.float32),
    )(s1, dinv2d, w2)


def _tc3(s2, dinv2d, b2_2d, n, d_out, blk=1000):
    def body(s_ref, d_ref, b_ref, o_ref):
        z = s_ref[:, :d_out] * d_ref[...] + b_ref[...]
        m = jnp.max(z, axis=1, keepdims=True)
        lse = jnp.log(jnp.sum(jnp.exp(z - m), axis=1, keepdims=True))
        o_ref[...] = z - m - lse

    return pl.pallas_call(
        body,
        grid=(n // blk,),
        in_specs=[
            pl.BlockSpec((blk, 128), lambda i: (i, 0)),
            pl.BlockSpec((blk, 1), lambda i: (i, 0)),
            pl.BlockSpec((1, d_out), lambda i: (0, 0)),
        ],
        out_specs=pl.BlockSpec((blk, d_out), lambda i: (i, 0)),
        out_shape=jax.ShapeDtypeStruct((n, d_out), jnp.float32),
    )(s2, dinv2d, b2_2d)




def kernel(x, edge_index, W_fc, b_fc, W2, b2):
    n, d_in = x.shape
    d_h = W_fc.shape[0]
    d_out = W2.shape[0]
    e = edge_index.shape[1]

    npad = _round_up(n + 8, CHUNK)
    total = e + n
    nchp = _round_up(-(-total // (NS * CHUNK)), 6)
    epad = NS * nchp * CHUNK
    nchd = nchp // NC

    loop = jnp.arange(n, dtype=jnp.int32)
    fill = jnp.full((epad - total,), n, jnp.int32)
    rows_flat = jnp.concatenate([edge_index[0], loop, fill])
    cols_flat = jnp.concatenate([edge_index[1], loop, fill])
    rows3d = rows_flat.reshape(NS, nchp, CHUNK)
    rows4d = jnp.stack([rows3d, rows3d + npad])
    cols3d = cols_flat.reshape(NS, nchp, CHUNK)

    deg128 = _sc_degree(
        cols_flat.reshape(NW, nchd, CHUNK),
        jnp.ones((CHUNK, LANES), jnp.float32),
        jnp.zeros((npad // NS, LANES), jnp.float32),
        npad, nchd)
    g1, dinv = _tc1(x, W_fc, b_fc.reshape(1, -1), deg128, n, npad)
    s1 = _sc_propagate(g1.reshape(NC * npad, d_h // NC), rows4d, cols3d,
                       npad, nchp, d_h // NC)
    g2 = _tc2(s1, dinv, W2, d_h)
    s2 = _sc_propagate(g2.reshape(NC * npad, d_out // NC), rows4d, cols3d,
                       npad, nchp, d_out // NC)
    return _tc3(s2, dinv, b2.reshape(1, -1), n, d_out)

# --- scband reference (transcript-rebuilt; emitter-appended) ---
"""Pipeline reference for scband-gcn-42838003810368 (READ-ONLY COPY).

The authoritative reference and input builder live on the scoring server;
editing this copy changes nothing except your own understanding.
"""

import jax, jax.numpy as jnp
import numpy as np

N = 10000
E = 320000
D_IN = 128
D_H = 128
D_OUT = 64


def setup_inputs(seed: int = 0) -> dict:
    key = jax.random.key(seed)
    k1, k2, k3, k4, k5, k6 = jax.random.split(key, 6)
    x = jax.random.normal(k1, (N, D_IN), dtype=jnp.float32)
    edge_index = jax.random.randint(k2, (2, E), 0, N, dtype=jnp.int32)
    W_fc = jax.random.normal(k3, (D_H, D_IN), dtype=jnp.float32) * (1.0 / np.sqrt(D_IN))
    b_fc = jnp.zeros((D_H,), dtype=jnp.float32)
    W2 = jax.random.normal(k4, (D_OUT, D_H), dtype=jnp.float32) * (1.0 / np.sqrt(D_H))
    b2 = jnp.zeros((D_OUT,), dtype=jnp.float32)
    return {"x": x, "edge_index": edge_index, "W_fc": W_fc, "b_fc": b_fc, "W2": W2, "b2": b2}


def gcn_norm(edge_index, num_nodes):
    # add self loops with fill value 1.0, then symmetric normalization
    loop = jnp.arange(num_nodes, dtype=edge_index.dtype)
    ei = jnp.concatenate([edge_index, jnp.stack([loop, loop], axis=0)], axis=1)
    ew = jnp.ones((ei.shape[1],), dtype=jnp.float32)
    row, col = ei[0], ei[1]
    deg = jnp.zeros((num_nodes,), dtype=jnp.float32).at[col].add(ew)
    deg_inv_sqrt = jnp.where(deg > 0, deg ** -0.5, 0.0)
    norm = deg_inv_sqrt[row] * ew * deg_inv_sqrt[col]
    return ei, norm


def propagate_add(ei, norm, h, num_nodes):
    msg = norm[:, None] * jnp.take(h, ei[0], axis=0)
    return jnp.zeros((num_nodes, h.shape[1]), dtype=h.dtype).at[ei[1]].add(msg)


def reference(x, edge_index, W_fc, b_fc, W2, b2):
    # fc
    h = x @ W_fc.T + b_fc
    # KProp (K=1, gcn aggr, add_self_loops=True)
    ei, norm = gcn_norm(edge_index, N)
    h = propagate_add(ei, norm, h, N)
    # selu + dropout (p=0.0 / eval -> identity)
    h = jax.nn.selu(h)
    # GCNConv: linear then normalized aggregation + bias
    h2 = h @ W2.T
    ei2, norm2 = gcn_norm(edge_index, N)
    out = propagate_add(ei2, norm2, h2, N) + b2
    return jax.nn.log_softmax(out, axis=1)

if __name__ == "__main__":
    import jax
    _d = setup_inputs()
    print(jax.jit(kernel)(*tuple(_d.values())))

</pallas_src>

<mosaic_0001>
#map = affine_map<(d0, d1) -> (0, 0)>
#map1 = affine_map<(d0, d1) -> (0, 0, 0, 0)>
#map2 = affine_map<(d0, d1) -> (0, 0, 0)>
module attributes {stable_mosaic.version = 14 : i64} {
  func.func @body(%arg0: i32, %arg1: i32, %arg2: memref<20224x64xf32, #tpu.memory_space<hbm>>, %arg3: memref<2x16x162x128xi32, #tpu.memory_space<hbm>>, %arg4: memref<16x162x128xi32, #tpu.memory_space<hbm>>, %arg5: memref<632x64xf32, #tpu.memory_space<hbm>>, %arg6: memref<10112x128xf32, #tpu.memory_space<hbm>>, %arg7: memref<162x128xi32, #tpu.memory_space<vmem>>, %arg8: memref<162x128xi32, #tpu.memory_space<vmem>>, %arg9: memref<128x64xf32, #tpu.memory_space<vmem>>, %arg10: memref<128x64xf32, #tpu.memory_space<vmem>>, %arg11: memref<128x64xf32, #tpu.memory_space<vmem>>, %arg12: memref<128x64xf32, #tpu.memory_space<vmem>>, %arg13: memref<128x64xf32, #tpu.memory_space<vmem>>, %arg14: memref<128x64xf32, #tpu.memory_space<vmem>>, %arg15: memref<!tpu.dma_semaphore, #tpu.memory_space<semaphore_mem>>, %arg16: memref<!tpu.dma_semaphore, #tpu.memory_space<semaphore_mem>>, %arg17: memref<!tpu.dma_semaphore, #tpu.memory_space<semaphore_mem>>, %arg18: memref<!tpu.dma_semaphore, #tpu.memory_space<semaphore_mem>>, %arg19: memref<!tpu.dma_semaphore, #tpu.memory_space<semaphore_mem>>, %arg20: memref<!tpu.dma_semaphore, #tpu.memory_space<semaphore_mem>>, %arg21: memref<!tpu.dma_semaphore, #tpu.memory_space<semaphore_mem>>, %arg22: memref<!tpu.dma_semaphore, #tpu.memory_space<semaphore_mem>>, %arg23: memref<!tpu.dma_semaphore, #tpu.memory_space<semaphore_mem>>, %arg24: memref<!tpu.dma_semaphore, #tpu.memory_space<semaphore_mem>>, %arg25: memref<!tpu.dma_semaphore, #tpu.memory_space<semaphore_mem>>, %arg26: memref<!tpu.dma_semaphore, #tpu.memory_space<semaphore_mem>>, %arg27: memref<10112x64xf32, #tpu.memory_space<vmem_shared>>) attributes {dimension_semantics = [#tpu.dimension_semantics<core_parallel>, #tpu.dimension_semantics<subcore_parallel>], iteration_bounds = array<i64: 2, 16>, scalar_prefetch = 0 : i64, scratch_operands = 21 : i64, tpu.core_type = #tpu.core_type<sc_vector_subcore>, window_params = [{transform_indices = #map}, {transform_indices = #map1}, {transform_indices = #map2}, {transform_indices = #map}, {transform_indices = #map}]} {
    "tpu.region"() ({
      %run_scoped3A = tpu.sem_alloc : memref<!tpu.dma_semaphore, #tpu.memory_space<semaphore_mem>>
      %dma_start3A_343 = arith.constant 0 : i32
      %dma_start3A_344 = arith.constant 0 : i32
      %dma_start3A_345 = tpu.memref_slice %arg3[%arg0, %arg1, %dma_start3A_343, %dma_start3A_344] : memref<2x16x162x128xi32, #tpu.memory_space<hbm>> -> memref<1x1x162x128xi32, #tpu.memory_space<hbm>>
      %dma_start3A_346 = tpu.memref_squeeze %dma_start3A_345 : memref<1x1x162x128xi32, #tpu.memory_space<hbm>> -> memref<162x128xi32, #tpu.memory_space<hbm>>
      %dma_start3A_347 = arith.constant 0 : i32
      %dma_start3A_348 = arith.constant 0 : i32
      %dma_start3A_349 = tpu.memref_slice %arg3[%arg0, %arg1, %dma_start3A_347, %dma_start3A_348] : memref<2x16x162x128xi32, #tpu.memory_space<hbm>> -> memref<1x1x162x128xi32, #tpu.memory_space<hbm>>
      %dma_start3A_350 = tpu.memref_squeeze %dma_start3A_349 : memref<1x1x162x128xi32, #tpu.memory_space<hbm>> -> memref<162x128xi32, #tpu.memory_space<hbm>>
      tpu.enqueue_dma source(%dma_start3A_350 : memref<162x128xi32, #tpu.memory_space<hbm>>) target(%arg7 : memref<162x128xi32, #tpu.memory_space<vmem>>) target_semaphore(%run_scoped3A : memref<!tpu.dma_semaphore, #tpu.memory_space<semaphore_mem>>)
      %dma_wait3A_351 = arith.constant 0 : i32
      %dma_wait3A_352 = arith.constant 0 : i32
      %dma_wait3A_353 = tpu.memref_slice %arg3[%arg0, %arg1, %dma_wait3A_351, %dma_wait3A_352] : memref<2x16x162x128xi32, #tpu.memory_space<hbm>> -> memref<1x1x162x128xi32, #tpu.memory_space<hbm>>
      %dma_wait3A_354 = tpu.memref_squeeze %dma_wait3A_353 : memref<1x1x162x128xi32, #tpu.memory_space<hbm>> -> memref<162x128xi32, #tpu.memory_space<hbm>>
      %dma_wait3A_355 = arith.constant 0 : i32
      %dma_wait3A_356 = arith.constant 0 : i32
      %dma_wait3A_357 = tpu.memref_slice %arg3[%arg0, %arg1, %dma_wait3A_355, %dma_wait3A_356] : memref<2x16x162x128xi32, #tpu.memory_space<hbm>> -> memref<1x1x162x128xi32, #tpu.memory_space<hbm>>
      %dma_wait3A_358 = tpu.memref_squeeze %dma_wait3A_357 : memref<1x1x162x128xi32, #tpu.memory_space<hbm>> -> memref<162x128xi32, #tpu.memory_space<hbm>>
      tpu.wait_dma2 semaphore(%run_scoped3A : memref<!tpu.dma_semaphore, #tpu.memory_space<semaphore_mem>>) src(%dma_wait3A_358 : memref<162x128xi32, #tpu.memory_space<hbm>>) dst(%arg7 : memref<162x128xi32, #tpu.memory_space<vmem>>)
      tpu.yield
    }) : () -> ()
    "tpu.region"() ({
      %run_scoped3A = tpu.sem_alloc : memref<!tpu.dma_semaphore, #tpu.memory_space<semaphore_mem>>
      %dma_start3A_343 = arith.constant 0 : i32
      %dma_start3A_344 = arith.constant 0 : i32
      %dma_start3A_345 = tpu.memref_slice %arg4[%arg1, %dma_start3A_343, %dma_start3A_344] : memref<16x162x128xi32, #tpu.memory_space<hbm>> -> memref<1x162x128xi32, #tpu.memory_space<hbm>>
      %dma_start3A_346 = tpu.memref_squeeze %dma_start3A_345 : memref<1x162x128xi32, #tpu.memory_space<hbm>> -> memref<162x128xi32, #tpu.memory_space<hbm>>
      %dma_start3A_347 = arith.constant 0 : i32
      %dma_start3A_348 = arith.constant 0 : i32
      %dma_start3A_349 = tpu.memref_slice %arg4[%arg1, %dma_start3A_347, %dma_start3A_348] : memref<16x162x128xi32, #tpu.memory_space<hbm>> -> memref<1x162x128xi32, #tpu.memory_space<hbm>>
      %dma_start3A_350 = tpu.memref_squeeze %dma_start3A_349 : memref<1x162x128xi32, #tpu.memory_space<hbm>> -> memref<162x128xi32, #tpu.memory_space<hbm>>
      tpu.enqueue_dma source(%dma_start3A_350 : memref<162x128xi32, #tpu.memory_space<hbm>>) target(%arg8 : memref<162x128xi32, #tpu.memory_space<vmem>>) target_semaphore(%run_scoped3A : memref<!tpu.dma_semaphore, #tpu.memory_space<semaphore_mem>>)
      %dma_wait3A_351 = arith.constant 0 : i32
      %dma_wait3A_352 = arith.constant 0 : i32
      %dma_wait3A_353 = tpu.memref_slice %arg4[%arg1, %dma_wait3A_351, %dma_wait3A_352] : memref<16x162x128xi32, #tpu.memory_space<hbm>> -> memref<1x162x128xi32, #tpu.memory_space<hbm>>
      %dma_wait3A_354 = tpu.memref_squeeze %dma_wait3A_353 : memref<1x162x128xi32, #tpu.memory_space<hbm>> -> memref<162x128xi32, #tpu.memory_space<hbm>>
      %dma_wait3A_355 = arith.constant 0 : i32
      %dma_wait3A_356 = arith.constant 0 : i32
      %dma_wait3A_357 = tpu.memref_slice %arg4[%arg1, %dma_wait3A_355, %dma_wait3A_356] : memref<16x162x128xi32, #tpu.memory_space<hbm>> -> memref<1x162x128xi32, #tpu.memory_space<hbm>>
      %dma_wait3A_358 = tpu.memref_squeeze %dma_wait3A_357 : memref<1x162x128xi32, #tpu.memory_space<hbm>> -> memref<162x128xi32, #tpu.memory_space<hbm>>
      tpu.wait_dma2 semaphore(%run_scoped3A : memref<!tpu.dma_semaphore, #tpu.memory_space<semaphore_mem>>) src(%dma_wait3A_358 : memref<162x128xi32, #tpu.memory_space<hbm>>) dst(%arg8 : memref<162x128xi32, #tpu.memory_space<vmem>>)
      tpu.yield
    }) : () -> ()
    %mul3A = arith.constant 632 : i32
    %mul3A_0 = arith.muli %arg1, %mul3A : i32
    "tpu.region"() ({
      %run_scoped3A = tpu.sem_alloc : memref<!tpu.dma_semaphore, #tpu.memory_space<semaphore_mem>>
      %dma_start3A_343 = arith.constant 0 : i32
      %dma_start3A_344 = tpu.memref_slice %arg27[%mul3A_0, %dma_start3A_343] : memref<10112x64xf32, #tpu.memory_space<vmem_shared>> -> memref<632x64xf32, #tpu.memory_space<vmem_shared>>
      tpu.enqueue_dma source(%arg5 : memref<632x64xf32, #tpu.memory_space<hbm>>) target(%dma_start3A_344 : memref<632x64xf32, #tpu.memory_space<vmem_shared>>) target_semaphore(%run_scoped3A : memref<!tpu.dma_semaphore, #tpu.memory_space<semaphore_mem>>)
      %dma_wait3A_345 = arith.constant 0 : i32
      %dma_wait3A_346 = tpu.memref_slice %arg27[%mul3A_0, %dma_wait3A_345] : memref<10112x64xf32, #tpu.memory_space<vmem_shared>> -> memref<632x64xf32, #tpu.memory_space<vmem_shared>>
      tpu.wait_dma2 semaphore(%run_scoped3A : memref<!tpu.dma_semaphore, #tpu.memory_space<semaphore_mem>>) src(%arg5 : memref<632x64xf32, #tpu.memory_space<hbm>>) dst(%dma_wait3A_346 : memref<632x64xf32, #tpu.memory_space<vmem_shared>>)
      tpu.yield
    }) : () -> ()
    %barrier3A = arith.constant 0 : index
    tpu.barrier barrier_id(%barrier3A)
    %dma_start3A = arith.constant 0 : i32
    %dma_start3A_1 = arith.constant 0 : i32
    %dma_start3A_2 = tpu.memref_slice %arg7[%dma_start3A, %dma_start3A_1] : memref<162x128xi32, #tpu.memory_space<vmem>> -> memref<1x128xi32, #tpu.memory_space<vmem>>
    %dma_start3A_3 = tpu.memref_squeeze %dma_start3A_2 : memref<1x128xi32, #tpu.memory_space<vmem>> -> memref<128xi32, #tpu.memory_space<vmem>>
    %dma_start3A_4 = arith.constant 0 : i32
    %dma_start3A_5 = arith.constant 0 : i32
    %dma_start3A_6 = tpu.memref_slice %arg2[%dma_start3A_4, %dma_start3A_5] : memref<20224x64xf32, #tpu.memory_space<hbm>> -> memref<20224x64xf32, #tpu.memory_space<hbm>>
    tpu.enqueue_indirect_dma source(%dma_start3A_6 : memref<20224x64xf32, #tpu.memory_space<hbm>>) target(%arg9 : memref<128x64xf32, #tpu.memory_space<vmem>>) offsets(%dma_start3A_3 : memref<128xi32, #tpu.memory_space<vmem>>) semaphore(%arg15 : memref<!tpu.dma_semaphore, #tpu.memory_space<semaphore_mem>>)
    %dma_start3A_7 = arith.constant 1 : i32
    %dma_start3A_8 = arith.constant 0 : i32
    %dma_start3A_9 = tpu.memref_slice %arg7[%dma_start3A_7, %dma_start3A_8] : memref<162x128xi32, #tpu.memory_space<vmem>> -> memref<1x128xi32, #tpu.memory_space<vmem>>
    %dma_start3A_10 = tpu.memref_squeeze %dma_start3A_9 : memref<1x128xi32, #tpu.memory_space<vmem>> -> memref<128xi32, #tpu.memory_space<vmem>>
    %dma_start3A_11 = arith.constant 0 : i32
    %dma_start3A_12 = arith.constant 0 : i32
    %dma_start3A_13 = tpu.memref_slice %arg2[%dma_start3A_11, %dma_start3A_12] : memref<20224x64xf32, #tpu.memory_space<hbm>> -> memref<20224x64xf32, #tpu.memory_space<hbm>>
    tpu.enqueue_indirect_dma source(%dma_start3A_13 : memref<20224x64xf32, #tpu.memory_space<hbm>>) target(%arg10 : memref<128x64xf32, #tpu.memory_space<vmem>>) offsets(%dma_start3A_10 : memref<128xi32, #tpu.memory_space<vmem>>) semaphore(%arg16 : memref<!tpu.dma_semaphore, #tpu.memory_space<semaphore_mem>>)
    %dma_start3A_14 = arith.constant 2 : i32
    %dma_start3A_15 = arith.constant 0 : i32
    %dma_start3A_16 = tpu.memref_slice %arg7[%dma_start3A_14, %dma_start3A_15] : memref<162x128xi32, #tpu.memory_space<vmem>> -> memref<1x128xi32, #tpu.memory_space<vmem>>
    %dma_start3A_17 = tpu.memref_squeeze %dma_start3A_16 : memref<1x128xi32, #tpu.memory_space<vmem>> -> memref<128xi32, #tpu.memory_space<vmem>>
    %dma_start3A_18 = arith.constant 0 : i32
    %dma_start3A_19 = arith.constant 0 : i32
    %dma_start3A_20 = tpu.memref_slice %arg2[%dma_start3A_18, %dma_start3A_19] : memref<20224x64xf32, #tpu.memory_space<hbm>> -> memref<20224x64xf32, #tpu.memory_space<hbm>>
    tpu.enqueue_indirect_dma source(%dma_start3A_20 : memref<20224x64xf32, #tpu.memory_space<hbm>>) target(%arg11 : memref<128x64xf32, #tpu.memory_space<vmem>>) offsets(%dma_start3A_17 : memref<128xi32, #tpu.memory_space<vmem>>) semaphore(%arg17 : memref<!tpu.dma_semaphore, #tpu.memory_space<semaphore_mem>>)
    %dma_start3A_21 = arith.constant 3 : i32
    %dma_start3A_22 = arith.constant 0 : i32
    %dma_start3A_23 = tpu.memref_slice %arg7[%dma_start3A_21, %dma_start3A_22] : memref<162x128xi32, #tpu.memory_space<vmem>> -> memref<1x128xi32, #tpu.memory_space<vmem>>
    %dma_start3A_24 = tpu.memref_squeeze %dma_start3A_23 : memref<1x128xi32, #tpu.memory_space<vmem>> -> memref<128xi32, #tpu.memory_space<vmem>>
    %dma_start3A_25 = arith.constant 0 : i32
    %dma_start3A_26 = arith.constant 0 : i32
    %dma_start3A_27 = tpu.memref_slice %arg2[%dma_start3A_25, %dma_start3A_26] : memref<20224x64xf32, #tpu.memory_space<hbm>> -> memref<20224x64xf32, #tpu.memory_space<hbm>>
    tpu.enqueue_indirect_dma source(%dma_start3A_27 : memref<20224x64xf32, #tpu.memory_space<hbm>>) target(%arg12 : memref<128x64xf32, #tpu.memory_space<vmem>>) offsets(%dma_start3A_24 : memref<128xi32, #tpu.memory_space<vmem>>) semaphore(%arg18 : memref<!tpu.dma_semaphore, #tpu.memory_space<semaphore_mem>>)
    %dma_start3A_28 = arith.constant 4 : i32
    %dma_start3A_29 = arith.constant 0 : i32
    %dma_start3A_30 = tpu.memref_slice %arg7[%dma_start3A_28, %dma_start3A_29] : memref<162x128xi32, #tpu.memory_space<vmem>> -> memref<1x128xi32, #tpu.memory_space<vmem>>
    %dma_start3A_31 = tpu.memref_squeeze %dma_start3A_30 : memref<1x128xi32, #tpu.memory_space<vmem>> -> memref<128xi32, #tpu.memory_space<vmem>>
    %dma_start3A_32 = arith.constant 0 : i32
    %dma_start3A_33 = arith.constant 0 : i32
    %dma_start3A_34 = tpu.memref_slice %arg2[%dma_start3A_32, %dma_start3A_33] : memref<20224x64xf32, #tpu.memory_space<hbm>> -> memref<20224x64xf32, #tpu.memory_space<hbm>>
    tpu.enqueue_indirect_dma source(%dma_start3A_34 : memref<20224x64xf32, #tpu.memory_space<hbm>>) target(%arg13 : memref<128x64xf32, #tpu.memory_space<vmem>>) offsets(%dma_start3A_31 : memref<128xi32, #tpu.memory_space<vmem>>) semaphore(%arg19 : memref<!tpu.dma_semaphore, #tpu.memory_space<semaphore_mem>>)
    %dma_wait3A = arith.constant 0 : i32
    %dma_wait3A_35 = arith.constant 0 : i32
    %dma_wait3A_36 = tpu.memref_slice %arg7[%dma_wait3A, %dma_wait3A_35] : memref<162x128xi32, #tpu.memory_space<vmem>> -> memref<1x128xi32, #tpu.memory_space<vmem>>
    %dma_wait3A_37 = tpu.memref_squeeze %dma_wait3A_36 : memref<1x128xi32, #tpu.memory_space<vmem>> -> memref<128xi32, #tpu.memory_space<vmem>>
    %dma_wait3A_38 = arith.constant 0 : i32
    %dma_wait3A_39 = arith.constant 0 : i32
    %dma_wait3A_40 = tpu.memref_slice %arg2[%dma_wait3A_38, %dma_wait3A_39] : memref<20224x64xf32, #tpu.memory_space<hbm>> -> memref<20224x64xf32, #tpu.memory_space<hbm>>
    tpu.wait_indirect_dma semaphore(%arg15 : memref<!tpu.dma_semaphore, #tpu.memory_space<semaphore_mem>>) src(%dma_wait3A_40 : memref<20224x64xf32, #tpu.memory_space<hbm>>) dst(%arg9 : memref<128x64xf32, #tpu.memory_space<vmem>>)
    %dma_start3A_41 = arith.constant 0 : i32
    %dma_start3A_42 = arith.constant 0 : i32
    %dma_start3A_43 = tpu.memref_slice %arg8[%dma_start3A_41, %dma_start3A_42] : memref<162x128xi32, #tpu.memory_space<vmem>> -> memref<1x128xi32, #tpu.memory_space<vmem>>
    %dma_start3A_44 = tpu.memref_squeeze %dma_start3A_43 : memref<1x128xi32, #tpu.memory_space<vmem>> -> memref<128xi32, #tpu.memory_space<vmem>>
    %dma_start3A_45 = arith.constant 0 : i32
    %dma_start3A_46 = arith.constant 0 : i32
    %dma_start3A_47 = tpu.memref_slice %arg27[%dma_start3A_45, %dma_start3A_46] : memref<10112x64xf32, #tpu.memory_space<vmem_shared>> -> memref<10112x64xf32, #tpu.memory_space<vmem_shared>>
    tpu.enqueue_indirect_dma source(%arg9 : memref<128x64xf32, #tpu.memory_space<vmem>>) target(%dma_start3A_47 : memref<10112x64xf32, #tpu.memory_space<vmem_shared>>) offsets(%dma_start3A_44 : memref<128xi32, #tpu.memory_space<vmem>>) semaphore(%arg21 : memref<!tpu.dma_semaphore, #tpu.memory_space<semaphore_mem>>) {add = true}
    %dma_start3A_48 = arith.constant 5 : i32
    %dma_start3A_49 = arith.constant 0 : i32
    %dma_start3A_50 = tpu.memref_slice %arg7[%dma_start3A_48, %dma_start3A_49] : memref<162x128xi32, #tpu.memory_space<vmem>> -> memref<1x128xi32, #tpu.memory_space<vmem>>
    %dma_start3A_51 = tpu.memref_squeeze %dma_start3A_50 : memref<1x128xi32, #tpu.memory_space<vmem>> -> memref<128xi32, #tpu.memory_space<vmem>>
    %dma_start3A_52 = arith.constant 0 : i32
    %dma_start3A_53 = arith.constant 0 : i32
    %dma_start3A_54 = tpu.memref_slice %arg2[%dma_start3A_52, %dma_start3A_53] : memref<20224x64xf32, #tpu.memory_space<hbm>> -> memref<20224x64xf32, #tpu.memory_space<hbm>>
    tpu.enqueue_indirect_dma source(%dma_start3A_54 : memref<20224x64xf32, #tpu.memory_space<hbm>>) target(%arg14 : memref<128x64xf32, #tpu.memory_space<vmem>>) offsets(%dma_start3A_51 : memref<128xi32, #tpu.memory_space<vmem>>) semaphore(%arg20 : memref<!tpu.dma_semaphore, #tpu.memory_space<semaphore_mem>>)
    %dma_wait3A_55 = arith.constant 0 : i32
    %dma_wait3A_56 = arith.constant 0 : i32
    %dma_wait3A_57 = tpu.memref_slice %arg7[%dma_wait3A_55, %dma_wait3A_56] : memref<162x128xi32, #tpu.memory_space<vmem>> -> memref<1x128xi32, #tpu.memory_space<vmem>>
    %dma_wait3A_58 = tpu.memref_squeeze %dma_wait3A_57 : memref<1x128xi32, #tpu.memory_space<vmem>> -> memref<128xi32, #tpu.memory_space<vmem>>
    %dma_wait3A_59 = arith.constant 0 : i32
    %dma_wait3A_60 = arith.constant 0 : i32
    %dma_wait3A_61 = tpu.memref_slice %arg2[%dma_wait3A_59, %dma_wait3A_60] : memref<20224x64xf32, #tpu.memory_space<hbm>> -> memref<20224x64xf32, #tpu.memory_space<hbm>>
    tpu.wait_indirect_dma semaphore(%arg16 : memref<!tpu.dma_semaphore, #tpu.memory_space<semaphore_mem>>) src(%dma_wait3A_61 : memref<20224x64xf32, #tpu.memory_space<hbm>>) dst(%arg10 : memref<128x64xf32, #tpu.memory_space<vmem>>)
    %dma_start3A_62 = arith.constant 1 : i32
    %dma_start3A_63 = arith.constant 0 : i32
    %dma_start3A_64 = tpu.memref_slice %arg8[%dma_start3A_62, %dma_start3A_63] : memref<162x128xi32, #tpu.memory_space<vmem>> -> memref<1x128xi32, #tpu.memory_space<vmem>>
    %dma_start3A_65 = tpu.memref_squeeze %dma_start3A_64 : memref<1x128xi32, #tpu.memory_space<vmem>> -> memref<128xi32, #tpu.memory_space<vmem>>
    %dma_start3A_66 = arith.constant 0 : i32
    %dma_start3A_67 = arith.constant 0 : i32
    %dma_start3A_68 = tpu.memref_slice %arg27[%dma_start3A_66, %dma_start3A_67] : memref<10112x64xf32, #tpu.memory_space<vmem_shared>> -> memref<10112x64xf32, #tpu.memory_space<vmem_shared>>
    tpu.enqueue_indirect_dma source(%arg10 : memref<128x64xf32, #tpu.memory_space<vmem>>) target(%dma_start3A_68 : memref<10112x64xf32, #tpu.memory_space<vmem_shared>>) offsets(%dma_start3A_65 : memref<128xi32, #tpu.memory_space<vmem>>) semaphore(%arg22 : memref<!tpu.dma_semaphore, #tpu.memory_space<semaphore_mem>>) {add = true}
    %dma_wait3A_69 = arith.constant 0 : i32
    %dma_wait3A_70 = arith.constant 0 : i32
    %dma_wait3A_71 = tpu.memref_slice %arg8[%dma_wait3A_69, %dma_wait3A_70] : memref<162x128xi32, #tpu.memory_space<vmem>> -> memref<1x128xi32, #tpu.memory_space<vmem>>
    %dma_wait3A_72 = tpu.memref_squeeze %dma_wait3A_71 : memref<1x128xi32, #tpu.memory_space<vmem>> -> memref<128xi32, #tpu.memory_space<vmem>>
    %dma_wait3A_73 = arith.constant 0 : i32
    %dma_wait3A_74 = arith.constant 0 : i32
    %dma_wait3A_75 = tpu.memref_slice %arg27[%dma_wait3A_73, %dma_wait3A_74] : memref<10112x64xf32, #tpu.memory_space<vmem_shared>> -> memref<10112x64xf32, #tpu.memory_space<vmem_shared>>
    tpu.wait_indirect_dma semaphore(%arg21 : memref<!tpu.dma_semaphore, #tpu.memory_space<semaphore_mem>>) src(%arg9 : memref<128x64xf32, #tpu.memory_space<vmem>>) dst(%dma_wait3A_75 : memref<10112x64xf32, #tpu.memory_space<vmem_shared>>)
    %dma_start3A_76 = arith.constant 6 : i32
    %dma_start3A_77 = arith.constant 0 : i32
    %dma_start3A_78 = tpu.memref_slice %arg7[%dma_start3A_76, %dma_start3A_77] : memref<162x128xi32, #tpu.memory_space<vmem>> -> memref<1x128xi32, #tpu.memory_space<vmem>>
    %dma_start3A_79 = tpu.memref_squeeze %dma_start3A_78 : memref<1x128xi32, #tpu.memory_space<vmem>> -> memref<128xi32, #tpu.memory_space<vmem>>
    %dma_start3A_80 = arith.constant 0 : i32
    %dma_start3A_81 = arith.constant 0 : i32
    %dma_start3A_82 = tpu.memref_slice %arg2[%dma_start3A_80, %dma_start3A_81] : memref<20224x64xf32, #tpu.memory_space<hbm>> -> memref<20224x64xf32, #tpu.memory_space<hbm>>
    tpu.enqueue_indirect_dma source(%dma_start3A_82 : memref<20224x64xf32, #tpu.memory_space<hbm>>) target(%arg9 : memref<128x64xf32, #tpu.memory_space<vmem>>) offsets(%dma_start3A_79 : memref<128xi32, #tpu.memory_space<vmem>>) semaphore(%arg15 : memref<!tpu.dma_semaphore, #tpu.memory_space<semaphore_mem>>)
    %dma_wait3A_83 = arith.constant 0 : i32
    %dma_wait3A_84 = arith.constant 0 : i32
    %dma_wait3A_85 = tpu.memref_slice %arg7[%dma_wait3A_83, %dma_wait3A_84] : memref<162x128xi32, #tpu.memory_space<vmem>> -> memref<1x128xi32, #tpu.memory_space<vmem>>
    %dma_wait3A_86 = tpu.memref_squeeze %dma_wait3A_85 : memref<1x128xi32, #tpu.memory_space<vmem>> -> memref<128xi32, #tpu.memory_space<vmem>>
    %dma_wait3A_87 = arith.constant 0 : i32
    %dma_wait3A_88 = arith.constant 0 : i32
    %dma_wait3A_89 = tpu.memref_slice %arg2[%dma_wait3A_87, %dma_wait3A_88] : memref<20224x64xf32, #tpu.memory_space<hbm>> -> memref<20224x64xf32, #tpu.memory_space<hbm>>
    tpu.wait_indirect_dma semaphore(%arg17 : memref<!tpu.dma_semaphore, #tpu.memory_space<semaphore_mem>>) src(%dma_wait3A_89 : memref<20224x64xf32, #tpu.memory_space<hbm>>) dst(%arg11 : memref<128x64xf32, #tpu.memory_space<vmem>>)
    %dma_start3A_90 = arith.constant 2 : i32
    %dma_start3A_91 = arith.constant 0 : i32
    %dma_start3A_92 = tpu.memref_slice %arg8[%dma_start3A_90, %dma_start3A_91] : memref<162x128xi32, #tpu.memory_space<vmem>> -> memref<1x128xi32, #tpu.memory_space<vmem>>
    %dma_start3A_93 = tpu.memref_squeeze %dma_start3A_92 : memref<1x128xi32, #tpu.memory_space<vmem>> -> memref<128xi32, #tpu.memory_space<vmem>>
    %dma_start3A_94 = arith.constant 0 : i32
    %dma_start3A_95 = arith.constant 0 : i32
    %dma_start3A_96 = tpu.memref_slice %arg27[%dma_start3A_94, %dma_start3A_95] : memref<10112x64xf32, #tpu.memory_space<vmem_shared>> -> memref<10112x64xf32, #tpu.memory_space<vmem_shared>>
    tpu.enqueue_indirect_dma source(%arg11 : memref<128x64xf32, #tpu.memory_space<vmem>>) target(%dma_start3A_96 : memref<10112x64xf32, #tpu.memory_space<vmem_shared>>) offsets(%dma_start3A_93 : memref<128xi32, #tpu.memory_space<vmem>>) semaphore(%arg23 : memref<!tpu.dma_semaphore, #tpu.memory_space<semaphore_mem>>) {add = true}
    %dma_wait3A_97 = arith.constant 0 : i32
    %dma_wait3A_98 = arith.constant 0 : i32
    %dma_wait3A_99 = tpu.memref_slice %arg8[%dma_wait3A_97, %dma_wait3A_98] : memref<162x128xi32, #tpu.memory_space<vmem>> -> memref<1x128xi32, #tpu.memory_space<vmem>>
    %dma_wait3A_100 = tpu.memref_squeeze %dma_wait3A_99 : memref<1x128xi32, #tpu.memory_space<vmem>> -> memref<128xi32, #tpu.memory_space<vmem>>
    %dma_wait3A_101 = arith.constant 0 : i32
    %dma_wait3A_102 = arith.constant 0 : i32
    %dma_wait3A_103 = tpu.memref_slice %arg27[%dma_wait3A_101, %dma_wait3A_102] : memref<10112x64xf32, #tpu.memory_space<vmem_shared>> -> memref<10112x64xf32, #tpu.memory_space<vmem_shared>>
    tpu.wait_indirect_dma semaphore(%arg22 : memref<!tpu.dma_semaphore, #tpu.memory_space<semaphore_mem>>) src(%arg10 : memref<128x64xf32, #tpu.memory_space<vmem>>) dst(%dma_wait3A_103 : memref<10112x64xf32, #tpu.memory_space<vmem_shared>>)
    %dma_start3A_104 = arith.constant 7 : i32
    %dma_start3A_105 = arith.constant 0 : i32
    %dma_start3A_106 = tpu.memref_slice %arg7[%dma_start3A_104, %dma_start3A_105] : memref<162x128xi32, #tpu.memory_space<vmem>> -> memref<1x128xi32, #tpu.memory_space<vmem>>
    %dma_start3A_107 = tpu.memref_squeeze %dma_start3A_106 : memref<1x128xi32, #tpu.memory_space<vmem>> -> memref<128xi32, #tpu.memory_space<vmem>>
    %dma_start3A_108 = arith.constant 0 : i32
    %dma_start3A_109 = arith.constant 0 : i32
    %dma_start3A_110 = tpu.memref_slice %arg2[%dma_start3A_108, %dma_start3A_109] : memref<20224x64xf32, #tpu.memory_space<hbm>> -> memref<20224x64xf32, #tpu.memory_space<hbm>>
    tpu.enqueue_indirect_dma source(%dma_start3A_110 : memref<20224x64xf32, #tpu.memory_space<hbm>>) target(%arg10 : memref<128x64xf32, #tpu.memory_space<vmem>>) offsets(%dma_start3A_107 : memref<128xi32, #tpu.memory_space<vmem>>) semaphore(%arg16 : memref<!tpu.dma_semaphore, #tpu.memory_space<semaphore_mem>>)
    %dma_wait3A_111 = arith.constant 0 : i32
    %dma_wait3A_112 = arith.constant 0 : i32
    %dma_wait3A_113 = tpu.memref_slice %arg7[%dma_wait3A_111, %dma_wait3A_112] : memref<162x128xi32, #tpu.memory_space<vmem>> -> memref<1x128xi32, #tpu.memory_space<vmem>>
    %dma_wait3A_114 = tpu.memref_squeeze %dma_wait3A_113 : memref<1x128xi32, #tpu.memory_space<vmem>> -> memref<128xi32, #tpu.memory_space<vmem>>
    %dma_wait3A_115 = arith.constant 0 : i32
    %dma_wait3A_116 = arith.constant 0 : i32
    %dma_wait3A_117 = tpu.memref_slice %arg2[%dma_wait3A_115, %dma_wait3A_116] : memref<20224x64xf32, #tpu.memory_space<hbm>> -> memref<20224x64xf32, #tpu.memory_space<hbm>>
    tpu.wait_indirect_dma semaphore(%arg18 : memref<!tpu.dma_semaphore, #tpu.memory_space<semaphore_mem>>) src(%dma_wait3A_117 : memref<20224x64xf32, #tpu.memory_space<hbm>>) dst(%arg12 : memref<128x64xf32, #tpu.memory_space<vmem>>)
    %dma_start3A_118 = arith.constant 3 : i32
    %dma_start3A_119 = arith.constant 0 : i32
    %dma_start3A_120 = tpu.memref_slice %arg8[%dma_start3A_118, %dma_start3A_119] : memref<162x128xi32, #tpu.memory_space<vmem>> -> memref<1x128xi32, #tpu.memory_space<vmem>>
    %dma_start3A_121 = tpu.memref_squeeze %dma_start3A_120 : memref<1x128xi32, #tpu.memory_space<vmem>> -> memref<128xi32, #tpu.memory_space<vmem>>
    %dma_start3A_122 = arith.constant 0 : i32
    %dma_start3A_123 = arith.constant 0 : i32
    %dma_start3A_124 = tpu.memref_slice %arg27[%dma_start3A_122, %dma_start3A_123] : memref<10112x64xf32, #tpu.memory_space<vmem_shared>> -> memref<10112x64xf32, #tpu.memory_space<vmem_shared>>
    tpu.enqueue_indirect_dma source(%arg12 : memref<128x64xf32, #tpu.memory_space<vmem>>) target(%dma_start3A_124 : memref<10112x64xf32, #tpu.memory_space<vmem_shared>>) offsets(%dma_start3A_121 : memref<128xi32, #tpu.memory_space<vmem>>) semaphore(%arg24 : memref<!tpu.dma_semaphore, #tpu.memory_space<semaphore_mem>>) {add = true}
    %dma_wait3A_125 = arith.constant 0 : i32
    %dma_wait3A_126 = arith.constant 0 : i32
    %dma_wait3A_127 = tpu.memref_slice %arg8[%dma_wait3A_125, %dma_wait3A_126] : memref<162x128xi32, #tpu.memory_space<vmem>> -> memref<1x128xi32, #tpu.memory_space<vmem>>
    %dma_wait3A_128 = tpu.memref_squeeze %dma_wait3A_127 : memref<1x128xi32, #tpu.memory_space<vmem>> -> memref<128xi32, #tpu.memory_space<vmem>>
    %dma_wait3A_129 = arith.constant 0 : i32
    %dma_wait3A_130 = arith.constant 0 : i32
    %dma_wait3A_131 = tpu.memref_slice %arg27[%dma_wait3A_129, %dma_wait3A_130] : memref<10112x64xf32, #tpu.memory_space<vmem_shared>> -> memref<10112x64xf32, #tpu.memory_space<vmem_shared>>
    tpu.wait_indirect_dma semaphore(%arg23 : memref<!tpu.dma_semaphore, #tpu.memory_space<semaphore_mem>>) src(%arg11 : memref<128x64xf32, #tpu.memory_space<vmem>>) dst(%dma_wait3A_131 : memref<10112x64xf32, #tpu.memory_space<vmem_shared>>)
    %dma_start3A_132 = arith.constant 8 : i32
    %dma_start3A_133 = arith.constant 0 : i32
    %dma_start3A_134 = tpu.memref_slice %arg7[%dma_start3A_132, %dma_start3A_133] : memref<162x128xi32, #tpu.memory_space<vmem>> -> memref<1x128xi32, #tpu.memory_space<vmem>>
    %dma_start3A_135 = tpu.memref_squeeze %dma_start3A_134 : memref<1x128xi32, #tpu.memory_space<vmem>> -> memref<128xi32, #tpu.memory_space<vmem>>
    %dma_start3A_136 = arith.constant 0 : i32
    %dma_start3A_137 = arith.constant 0 : i32
    %dma_start3A_138 = tpu.memref_slice %arg2[%dma_start3A_136, %dma_start3A_137] : memref<20224x64xf32, #tpu.memory_space<hbm>> -> memref<20224x64xf32, #tpu.memory_space<hbm>>
    tpu.enqueue_indirect_dma source(%dma_start3A_138 : memref<20224x64xf32, #tpu.memory_space<hbm>>) target(%arg11 : memref<128x64xf32, #tpu.memory_space<vmem>>) offsets(%dma_start3A_135 : memref<128xi32, #tpu.memory_space<vmem>>) semaphore(%arg17 : memref<!tpu.dma_semaphore, #tpu.memory_space<semaphore_mem>>)
    %dma_wait3A_139 = arith.constant 0 : i32
    %dma_wait3A_140 = arith.constant 0 : i32
    %dma_wait3A_141 = tpu.memref_slice %arg7[%dma_wait3A_139, %dma_wait3A_140] : memref<162x128xi32, #tpu.memory_space<vmem>> -> memref<1x128xi32, #tpu.memory_space<vmem>>
    %dma_wait3A_142 = tpu.memref_squeeze %dma_wait3A_141 : memref<1x128xi32, #tpu.memory_space<vmem>> -> memref<128xi32, #tpu.memory_space<vmem>>
    %dma_wait3A_143 = arith.constant 0 : i32
    %dma_wait3A_144 = arith.constant 0 : i32
    %dma_wait3A_145 = tpu.memref_slice %arg2[%dma_wait3A_143, %dma_wait3A_144] : memref<20224x64xf32, #tpu.memory_space<hbm>> -> memref<20224x64xf32, #tpu.memory_space<hbm>>
    tpu.wait_indirect_dma semaphore(%arg19 : memref<!tpu.dma_semaphore, #tpu.memory_space<semaphore_mem>>) src(%dma_wait3A_145 : memref<20224x64xf32, #tpu.memory_space<hbm>>) dst(%arg13 : memref<128x64xf32, #tpu.memory_space<vmem>>)
    %dma_start3A_146 = arith.constant 4 : i32
    %dma_start3A_147 = arith.constant 0 : i32
    %dma_start3A_148 = tpu.memref_slice %arg8[%dma_start3A_146, %dma_start3A_147] : memref<162x128xi32, #tpu.memory_space<vmem>> -> memref<1x128xi32, #tpu.memory_space<vmem>>
    %dma_start3A_149 = tpu.memref_squeeze %dma_start3A_148 : memref<1x128xi32, #tpu.memory_space<vmem>> -> memref<128xi32, #tpu.memory_space<vmem>>
    %dma_start3A_150 = arith.constant 0 : i32
    %dma_start3A_151 = arith.constant 0 : i32
    %dma_start3A_152 = tpu.memref_slice %arg27[%dma_start3A_150, %dma_start3A_151] : memref<10112x64xf32, #tpu.memory_space<vmem_shared>> -> memref<10112x64xf32, #tpu.memory_space<vmem_shared>>
    tpu.enqueue_indirect_dma source(%arg13 : memref<128x64xf32, #tpu.memory_space<vmem>>) target(%dma_start3A_152 : memref<10112x64xf32, #tpu.memory_space<vmem_shared>>) offsets(%dma_start3A_149 : memref<128xi32, #tpu.memory_space<vmem>>) semaphore(%arg25 : memref<!tpu.dma_semaphore, #tpu.memory_space<semaphore_mem>>) {add = true}
    %dma_wait3A_153 = arith.constant 0 : i32
    %dma_wait3A_154 = arith.constant 0 : i32
    %dma_wait3A_155 = tpu.memref_slice %arg8[%dma_wait3A_153, %dma_wait3A_154] : memref<162x128xi32, #tpu.memory_space<vmem>> -> memref<1x128xi32, #tpu.memory_space<vmem>>
    %dma_wait3A_156 = tpu.memref_squeeze %dma_wait3A_155 : memref<1x128xi32, #tpu.memory_space<vmem>> -> memref<128xi32, #tpu.memory_space<vmem>>
    %dma_wait3A_157 = arith.constant 0 : i32
    %dma_wait3A_158 = arith.constant 0 : i32
    %dma_wait3A_159 = tpu.memref_slice %arg27[%dma_wait3A_157, %dma_wait3A_158] : memref<10112x64xf32, #tpu.memory_space<vmem_shared>> -> memref<10112x64xf32, #tpu.memory_space<vmem_shared>>
    tpu.wait_indirect_dma semaphore(%arg24 : memref<!tpu.dma_semaphore, #tpu.memory_space<semaphore_mem>>) src(%arg12 : memref<128x64xf32, #tpu.memory_space<vmem>>) dst(%dma_wait3A_159 : memref<10112x64xf32, #tpu.memory_space<vmem_shared>>)
    %dma_start3A_160 = arith.constant 9 : i32
    %dma_start3A_161 = arith.constant 0 : i32
    %dma_start3A_162 = tpu.memref_slice %arg7[%dma_start3A_160, %dma_start3A_161] : memref<162x128xi32, #tpu.memory_space<vmem>> -> memref<1x128xi32, #tpu.memory_space<vmem>>
    %dma_start3A_163 = tpu.memref_squeeze %dma_start3A_162 : memref<1x128xi32, #tpu.memory_space<vmem>> -> memref<128xi32, #tpu.memory_space<vmem>>
    %dma_start3A_164 = arith.constant 0 : i32
    %dma_start3A_165 = arith.constant 0 : i32
    %dma_start3A_166 = tpu.memref_slice %arg2[%dma_start3A_164, %dma_start3A_165] : memref<20224x64xf32, #tpu.memory_space<hbm>> -> memref<20224x64xf32, #tpu.memory_space<hbm>>
    tpu.enqueue_indirect_dma source(%dma_start3A_166 : memref<20224x64xf32, #tpu.memory_space<hbm>>) target(%arg12 : memref<128x64xf32, #tpu.memory_space<vmem>>) offsets(%dma_start3A_163 : memref<128xi32, #tpu.memory_space<vmem>>) semaphore(%arg18 : memref<!tpu.dma_semaphore, #tpu.memory_space<semaphore_mem>>)
    %dma_wait3A_167 = arith.constant 0 : i32
    %dma_wait3A_168 = arith.constant 0 : i32
    %dma_wait3A_169 = tpu.memref_slice %arg7[%dma_wait3A_167, %dma_wait3A_168] : memref<162x128xi32, #tpu.memory_space<vmem>> -> memref<1x128xi32, #tpu.memory_space<vmem>>
    %dma_wait3A_170 = tpu.memref_squeeze %dma_wait3A_169 : memref<1x128xi32, #tpu.memory_space<vmem>> -> memref<128xi32, #tpu.memory_space<vmem>>
    %dma_wait3A_171 = arith.constant 0 : i32
    %dma_wait3A_172 = arith.constant 0 : i32
    %dma_wait3A_173 = tpu.memref_slice %arg2[%dma_wait3A_171, %dma_wait3A_172] : memref<20224x64xf32, #tpu.memory_space<hbm>> -> memref<20224x64xf32, #tpu.memory_space<hbm>>
    tpu.wait_indirect_dma semaphore(%arg20 : memref<!tpu.dma_semaphore, #tpu.memory_space<semaphore_mem>>) src(%dma_wait3A_173 : memref<20224x64xf32, #tpu.memory_space<hbm>>) dst(%arg14 : memref<128x64xf32, #tpu.memory_space<vmem>>)
    %dma_start3A_174 = arith.constant 5 : i32
    %dma_start3A_175 = arith.constant 0 : i32
    %dma_start3A_176 = tpu.memref_slice %arg8[%dma_start3A_174, %dma_start3A_175] : memref<162x128xi32, #tpu.memory_space<vmem>> -> memref<1x128xi32, #tpu.memory_space<vmem>>
    %dma_start3A_177 = tpu.memref_squeeze %dma_start3A_176 : memref<1x128xi32, #tpu.memory_space<vmem>> -> memref<128xi32, #tpu.memory_space<vmem>>
    %dma_start3A_178 = arith.constant 0 : i32
    %dma_start3A_179 = arith.constant 0 : i32
    %dma_start3A_180 = tpu.memref_slice %arg27[%dma_start3A_178, %dma_start3A_179] : memref<10112x64xf32, #tpu.memory_space<vmem_shared>> -> memref<10112x64xf32, #tpu.memory_space<vmem_shared>>
    tpu.enqueue_indirect_dma source(%arg14 : memref<128x64xf32, #tpu.memory_space<vmem>>) target(%dma_start3A_180 : memref<10112x64xf32, #tpu.memory_space<vmem_shared>>) offsets(%dma_start3A_177 : memref<128xi32, #tpu.memory_space<vmem>>) semaphore(%arg26 : memref<!tpu.dma_semaphore, #tpu.memory_space<semaphore_mem>>) {add = true}
    %dma_wait3A_181 = arith.constant 0 : i32
    %dma_wait3A_182 = arith.constant 0 : i32
    %dma_wait3A_183 = tpu.memref_slice %arg8[%dma_wait3A_181, %dma_wait3A_182] : memref<162x128xi32, #tpu.memory_space<vmem>> -> memref<1x128xi32, #tpu.memory_space<vmem>>
    %dma_wait3A_184 = tpu.memref_squeeze %dma_wait3A_183 : memref<1x128xi32, #tpu.memory_space<vmem>> -> memref<128xi32, #tpu.memory_space<vmem>>
    %dma_wait3A_185 = arith.constant 0 : i32
    %dma_wait3A_186 = arith.constant 0 : i32
    %dma_wait3A_187 = tpu.memref_slice %arg27[%dma_wait3A_185, %dma_wait3A_186] : memref<10112x64xf32, #tpu.memory_space<vmem_shared>> -> memref<10112x64xf32, #tpu.memory_space<vmem_shared>>
    tpu.wait_indirect_dma semaphore(%arg25 : memref<!tpu.dma_semaphore, #tpu.memory_space<semaphore_mem>>) src(%arg13 : memref<128x64xf32, #tpu.memory_space<vmem>>) dst(%dma_wait3A_187 : memref<10112x64xf32, #tpu.memory_space<vmem_shared>>)
    %dma_start3A_188 = arith.constant 10 : i32
    %dma_start3A_189 = arith.constant 0 : i32
    %dma_start3A_190 = tpu.memref_slice %arg7[%dma_start3A_188, %dma_start3A_189] : memref<162x128xi32, #tpu.memory_space<vmem>> -> memref<1x128xi32, #tpu.memory_space<vmem>>
    %dma_start3A_191 = tpu.memref_squeeze %dma_start3A_190 : memref<1x128xi32, #tpu.memory_space<vmem>> -> memref<128xi32, #tpu.memory_space<vmem>>
    %dma_start3A_192 = arith.constant 0 : i32
    %dma_start3A_193 = arith.constant 0 : i32
    %dma_start3A_194 = tpu.memref_slice %arg2[%dma_start3A_192, %dma_start3A_193] : memref<20224x64xf32, #tpu.memory_space<hbm>> -> memref<20224x64xf32, #tpu.memory_space<hbm>>
    tpu.enqueue_indirect_dma source(%dma_start3A_194 : memref<20224x64xf32, #tpu.memory_space<hbm>>) target(%arg13 : memref<128x64xf32, #tpu.memory_space<vmem>>) offsets(%dma_start3A_191 : memref<128xi32, #tpu.memory_space<vmem>>) semaphore(%arg19 : memref<!tpu.dma_semaphore, #tpu.memory_space<semaphore_mem>>)
    %scan3A = arith.constant 0 : i32
    %scan3A_195 = arith.constant 1 : i32
    %scan3A_196 = arith.constant 25 : i32
    %scan3A_197 = arith.addi %scan3A_195, %scan3A_196 : i32
    %scan3A_198 = arith.constant 1 : i32
    scf.for %scan3A_343 = %scan3A_195 to %scan3A_197 step %scan3A_198  : i32 {
      %mul3A_344 = arith.constant 6 : i32
      %mul3A_345 = arith.muli %scan3A_343, %mul3A_344 : i32
      %add3A = arith.constant 0 : i32
      %add3A_346 = arith.addi %mul3A_345, %add3A : i32
      %dma_wait3A_347 = arith.constant 0 : i32
      %dma_wait3A_348 = arith.constant 0 : i32
      %dma_wait3A_349 = tpu.memref_slice %arg7[%dma_wait3A_347, %dma_wait3A_348] : memref<162x128xi32, #tpu.memory_space<vmem>> -> memref<1x128xi32, #tpu.memory_space<vmem>>
      %dma_wait3A_350 = tpu.memref_squeeze %dma_wait3A_349 : memref<1x128xi32, #tpu.memory_space<vmem>> -> memref<128xi32, #tpu.memory_space<vmem>>
      %dma_wait3A_351 = arith.constant 0 : i32
      %dma_wait3A_352 = arith.constant 0 : i32
      %dma_wait3A_353 = tpu.memref_slice %arg2[%dma_wait3A_351, %dma_wait3A_352] : memref<20224x64xf32, #tpu.memory_space<hbm>> -> memref<20224x64xf32, #tpu.memory_space<hbm>>
      tpu.wait_indirect_dma semaphore(%arg15 : memref<!tpu.dma_semaphore, #tpu.memory_space<semaphore_mem>>) src(%dma_wait3A_353 : memref<20224x64xf32, #tpu.memory_space<hbm>>) dst(%arg9 : memref<128x64xf32, #tpu.memory_space<vmem>>)
      %dma_start3A_354 = arith.constant 0 : i32
      %dma_start3A_355 = tpu.memref_slice %arg8[%add3A_346, %dma_start3A_354] : memref<162x128xi32, #tpu.memory_space<vmem>> -> memref<1x128xi32, #tpu.memory_space<vmem>>
      %dma_start3A_356 = tpu.memref_squeeze %dma_start3A_355 : memref<1x128xi32, #tpu.memory_space<vmem>> -> memref<128xi32, #tpu.memory_space<vmem>>
      %dma_start3A_357 = arith.constant 0 : i32
      %dma_start3A_358 = arith.constant 0 : i32
      %dma_start3A_359 = tpu.memref_slice %arg27[%dma_start3A_357, %dma_start3A_358] : memref<10112x64xf32, #tpu.memory_space<vmem_shared>> -> memref<10112x64xf32, #tpu.memory_space<vmem_shared>>
      tpu.enqueue_indirect_dma source(%arg9 : memref<128x64xf32, #tpu.memory_space<vmem>>) target(%dma_start3A_359 : memref<10112x64xf32, #tpu.memory_space<vmem_shared>>) offsets(%dma_start3A_356 : memref<128xi32, #tpu.memory_space<vmem>>) semaphore(%arg21 : memref<!tpu.dma_semaphore, #tpu.memory_space<semaphore_mem>>) {add = true}
      %dma_wait3A_360 = arith.constant 0 : i32
      %dma_wait3A_361 = arith.constant 0 : i32
      %dma_wait3A_362 = tpu.memref_slice %arg8[%dma_wait3A_360, %dma_wait3A_361] : memref<162x128xi32, #tpu.memory_space<vmem>> -> memref<1x128xi32, #tpu.memory_space<vmem>>
      %dma_wait3A_363 = tpu.memref_squeeze %dma_wait3A_362 : memref<1x128xi32, #tpu.memory_space<vmem>> -> memref<128xi32, #tpu.memory_space<vmem>>
      %dma_wait3A_364 = arith.constant 0 : i32
      %dma_wait3A_365 = arith.constant 0 : i32
      %dma_wait3A_366 = tpu.memref_slice %arg27[%dma_wait3A_364, %dma_wait3A_365] : memref<10112x64xf32, #tpu.memory_space<vmem_shared>> -> memref<10112x64xf32, #tpu.memory_space<vmem_shared>>
      tpu.wait_indirect_dma semaphore(%arg26 : memref<!tpu.dma_semaphore, #tpu.memory_space<semaphore_mem>>) src(%arg14 : memref<128x64xf32, #tpu.memory_space<vmem>>) dst(%dma_wait3A_366 : memref<10112x64xf32, #tpu.memory_space<vmem_shared>>)
      %add3A_367 = arith.constant 5 : i32
      %add3A_368 = arith.addi %add3A_346, %add3A_367 : i32
      %dma_start3A_369 = arith.constant 0 : i32
      %dma_start3A_370 = tpu.memref_slice %arg7[%add3A_368, %dma_start3A_369] : memref<162x128xi32, #tpu.memory_space<vmem>> -> memref<1x128xi32, #tpu.memory_space<vmem>>
      %dma_start3A_371 = tpu.memref_squeeze %dma_start3A_370 : memref<1x128xi32, #tpu.memory_space<vmem>> -> memref<128xi32, #tpu.memory_space<vmem>>
      %dma_start3A_372 = arith.constant 0 : i32
      %dma_start3A_373 = arith.constant 0 : i32
      %dma_start3A_374 = tpu.memref_slice %arg2[%dma_start3A_372, %dma_start3A_373] : memref<20224x64xf32, #tpu.memory_space<hbm>> -> memref<20224x64xf32, #tpu.memory_space<hbm>>
      tpu.enqueue_indirect_dma source(%dma_start3A_374 : memref<20224x64xf32, #tpu.memory_space<hbm>>) target(%arg14 : memref<128x64xf32, #tpu.memory_space<vmem>>) offsets(%dma_start3A_371 : memref<128xi32, #tpu.memory_space<vmem>>) semaphore(%arg20 : memref<!tpu.dma_semaphore, #tpu.memory_space<semaphore_mem>>)
      %add3A_375 = arith.constant 1 : i32
      %add3A_376 = arith.addi %mul3A_345, %add3A_375 : i32
      %dma_wait3A_377 = arith.constant 0 : i32
      %dma_wait3A_378 = arith.constant 0 : i32
      %dma_wait3A_379 = tpu.memref_slice %arg7[%dma_wait3A_377, %dma_wait3A_378] : memref<162x128xi32, #tpu.memory_space<vmem>> -> memref<1x128xi32, #tpu.memory_space<vmem>>
      %dma_wait3A_380 = tpu.memref_squeeze %dma_wait3A_379 : memref<1x128xi32, #tpu.memory_space<vmem>> -> memref<128xi32, #tpu.memory_space<vmem>>
      %dma_wait3A_381 = arith.constant 0 : i32
      %dma_wait3A_382 = arith.constant 0 : i32
      %dma_wait3A_383 = tpu.memref_slice %arg2[%dma_wait3A_381, %dma_wait3A_382] : memref<20224x64xf32, #tpu.memory_space<hbm>> -> memref<20224x64xf32, #tpu.memory_space<hbm>>
      tpu.wait_indirect_dma semaphore(%arg16 : memref<!tpu.dma_semaphore, #tpu.memory_space<semaphore_mem>>) src(%dma_wait3A_383 : memref<20224x64xf32, #tpu.memory_space<hbm>>) dst(%arg10 : memref<128x64xf32, #tpu.memory_space<vmem>>)
      %dma_start3A_384 = arith.constant 0 : i32
      %dma_start3A_385 = tpu.memref_slice %arg8[%add3A_376, %dma_start3A_384] : memref<162x128xi32, #tpu.memory_space<vmem>> -> memref<1x128xi32, #tpu.memory_space<vmem>>
      %dma_start3A_386 = tpu.memref_squeeze %dma_start3A_385 : memref<1x128xi32, #tpu.memory_space<vmem>> -> memref<128xi32, #tpu.memory_space<vmem>>
      %dma_start3A_387 = arith.constant 0 : i32
      %dma_start3A_388 = arith.constant 0 : i32
      %dma_start3A_389 = tpu.memref_slice %arg27[%dma_start3A_387, %dma_start3A_388] : memref<10112x64xf32, #tpu.memory_space<vmem_shared>> -> memref<10112x64xf32, #tpu.memory_space<vmem_shared>>
      tpu.enqueue_indirect_dma source(%arg10 : memref<128x64xf32, #tpu.memory_space<vmem>>) target(%dma_start3A_389 : memref<10112x64xf32, #tpu.memory_space<vmem_shared>>) offsets(%dma_start3A_386 : memref<128xi32, #tpu.memory_space<vmem>>) semaphore(%arg22 : memref<!tpu.dma_semaphore, #tpu.memory_space<semaphore_mem>>) {add = true}
      %dma_wait3A_390 = arith.constant 0 : i32
      %dma_wait3A_391 = arith.constant 0 : i32
      %dma_wait3A_392 = tpu.memref_slice %arg8[%dma_wait3A_390, %dma_wait3A_391] : memref<162x128xi32, #tpu.memory_space<vmem>> -> memref<1x128xi32, #tpu.memory_space<vmem>>
      %dma_wait3A_393 = tpu.memref_squeeze %dma_wait3A_392 : memref<1x128xi32, #tpu.memory_space<vmem>> -> memref<128xi32, #tpu.memory_space<vmem>>
      %dma_wait3A_394 = arith.constant 0 : i32
      %dma_wait3A_395 = arith.constant 0 : i32
      %dma_wait3A_396 = tpu.memref_slice %arg27[%dma_wait3A_394, %dma_wait3A_395] : memref<10112x64xf32, #tpu.memory_space<vmem_shared>> -> memref<10112x64xf32, #tpu.memory_space<vmem_shared>>
      tpu.wait_indirect_dma semaphore(%arg21 : memref<!tpu.dma_semaphore, #tpu.memory_space<semaphore_mem>>) src(%arg9 : memref<128x64xf32, #tpu.memory_space<vmem>>) dst(%dma_wait3A_396 : memref<10112x64xf32, #tpu.memory_space<vmem_shared>>)
      %add3A_397 = arith.constant 5 : i32
      %add3A_398 = arith.addi %add3A_376, %add3A_397 : i32
      %dma_start3A_399 = arith.constant 0 : i32
      %dma_start3A_400 = tpu.memref_slice %arg7[%add3A_398, %dma_start3A_399] : memref<162x128xi32, #tpu.memory_space<vmem>> -> memref<1x128xi32, #tpu.memory_space<vmem>>
      %dma_start3A_401 = tpu.memref_squeeze %dma_start3A_400 : memref<1x128xi32, #tpu.memory_space<vmem>> -> memref<128xi32, #tpu.memory_space<vmem>>
      %dma_start3A_402 = arith.constant 0 : i32
      %dma_start3A_403 = arith.constant 0 : i32
      %dma_start3A_404 = tpu.memref_slice %arg2[%dma_start3A_402, %dma_start3A_403] : memref<20224x64xf32, #tpu.memory_space<hbm>> -> memref<20224x64xf32, #tpu.memory_space<hbm>>
      tpu.enqueue_indirect_dma source(%dma_start3A_404 : memref<20224x64xf32, #tpu.memory_space<hbm>>) target(%arg9 : memref<128x64xf32, #tpu.memory_space<vmem>>) offsets(%dma_start3A_401 : memref<128xi32, #tpu.memory_space<vmem>>) semaphore(%arg15 : memref<!tpu.dma_semaphore, #tpu.memory_space<semaphore_mem>>)
      %add3A_405 = arith.constant 2 : i32
      %add3A_406 = arith.addi %mul3A_345, %add3A_405 : i32
      %dma_wait3A_407 = arith.constant 0 : i32
      %dma_wait3A_408 = arith.constant 0 : i32
      %dma_wait3A_409 = tpu.memref_slice %arg7[%dma_wait3A_407, %dma_wait3A_408] : memref<162x128xi32, #tpu.memory_space<vmem>> -> memref<1x128xi32, #tpu.memory_space<vmem>>
      %dma_wait3A_410 = tpu.memref_squeeze %dma_wait3A_409 : memref<1x128xi32, #tpu.memory_space<vmem>> -> memref<128xi32, #tpu.memory_space<vmem>>
      %dma_wait3A_411 = arith.constant 0 : i32
      %dma_wait3A_412 = arith.constant 0 : i32
      %dma_wait3A_413 = tpu.memref_slice %arg2[%dma_wait3A_411, %dma_wait3A_412] : memref<20224x64xf32, #tpu.memory_space<hbm>> -> memref<20224x64xf32, #tpu.memory_space<hbm>>
      tpu.wait_indirect_dma semaphore(%arg17 : memref<!tpu.dma_semaphore, #tpu.memory_space<semaphore_mem>>) src(%dma_wait3A_413 : memref<20224x64xf32, #tpu.memory_space<hbm>>) dst(%arg11 : memref<128x64xf32, #tpu.memory_space<vmem>>)
      %dma_start3A_414 = arith.constant 0 : i32
      %dma_start3A_415 = tpu.memref_slice %arg8[%add3A_406, %dma_start3A_414] : memref<162x128xi32, #tpu.memory_space<vmem>> -> memref<1x128xi32, #tpu.memory_space<vmem>>
      %dma_start3A_416 = tpu.memref_squeeze %dma_start3A_415 : memref<1x128xi32, #tpu.memory_space<vmem>> -> memref<128xi32, #tpu.memory_space<vmem>>
      %dma_start3A_417 = arith.constant 0 : i32
      %dma_start3A_418 = arith.constant 0 : i32
      %dma_start3A_419 = tpu.memref_slice %arg27[%dma_start3A_417, %dma_start3A_418] : memref<10112x64xf32, #tpu.memory_space<vmem_shared>> -> memref<10112x64xf32, #tpu.memory_space<vmem_shared>>
      tpu.enqueue_indirect_dma source(%arg11 : memref<128x64xf32, #tpu.memory_space<vmem>>) target(%dma_start3A_419 : memref<10112x64xf32, #tpu.memory_space<vmem_shared>>) offsets(%dma_start3A_416 : memref<128xi32, #tpu.memory_space<vmem>>) semaphore(%arg23 : memref<!tpu.dma_semaphore, #tpu.memory_space<semaphore_mem>>) {add = true}
      %dma_wait3A_420 = arith.constant 0 : i32
      %dma_wait3A_421 = arith.constant 0 : i32
      %dma_wait3A_422 = tpu.memref_slice %arg8[%dma_wait3A_420, %dma_wait3A_421] : memref<162x128xi32, #tpu.memory_space<vmem>> -> memref<1x128xi32, #tpu.memory_space<vmem>>
      %dma_wait3A_423 = tpu.memref_squeeze %dma_wait3A_422 : memref<1x128xi32, #tpu.memory_space<vmem>> -> memref<128xi32, #tpu.memory_space<vmem>>
      %dma_wait3A_424 = arith.constant 0 : i32
      %dma_wait3A_425 = arith.constant 0 : i32
      %dma_wait3A_426 = tpu.memref_slice %arg27[%dma_wait3A_424, %dma_wait3A_425] : memref<10112x64xf32, #tpu.memory_space<vmem_shared>> -> memref<10112x64xf32, #tpu.memory_space<vmem_shared>>
      tpu.wait_indirect_dma semaphore(%arg22 : memref<!tpu.dma_semaphore, #tpu.memory_space<semaphore_mem>>) src(%arg10 : memref<128x64xf32, #tpu.memory_space<vmem>>) dst(%dma_wait3A_426 : memref<10112x64xf32, #tpu.memory_space<vmem_shared>>)
      %add3A_427 = arith.constant 5 : i32
      %add3A_428 = arith.addi %add3A_406, %add3A_427 : i32
      %dma_start3A_429 = arith.constant 0 : i32
      %dma_start3A_430 = tpu.memref_slice %arg7[%add3A_428, %dma_start3A_429] : memref<162x128xi32, #tpu.memory_space<vmem>> -> memref<1x128xi32, #tpu.memory_space<vmem>>
      %dma_start3A_431 = tpu.memref_squeeze %dma_start3A_430 : memref<1x128xi32, #tpu.memory_space<vmem>> -> memref<128xi32, #tpu.memory_space<vmem>>
      %dma_start3A_432 = arith.constant 0 : i32
      %dma_start3A_433 = arith.constant 0 : i32
      %dma_start3A_434 = tpu.memref_slice %arg2[%dma_start3A_432, %dma_start3A_433] : memref<20224x64xf32, #tpu.memory_space<hbm>> -> memref<20224x64xf32, #tpu.memory_space<hbm>>
      tpu.enqueue_indirect_dma source(%dma_start3A_434 : memref<20224x64xf32, #tpu.memory_space<hbm>>) target(%arg10 : memref<128x64xf32, #tpu.memory_space<vmem>>) offsets(%dma_start3A_431 : memref<128xi32, #tpu.memory_space<vmem>>) semaphore(%arg16 : memref<!tpu.dma_semaphore, #tpu.memory_space<semaphore_mem>>)
      %add3A_435 = arith.constant 3 : i32
      %add3A_436 = arith.addi %mul3A_345, %add3A_435 : i32
      %dma_wait3A_437 = arith.constant 0 : i32
      %dma_wait3A_438 = arith.constant 0 : i32
      %dma_wait3A_439 = tpu.memref_slice %arg7[%dma_wait3A_437, %dma_wait3A_438] : memref<162x128xi32, #tpu.memory_space<vmem>> -> memref<1x128xi32, #tpu.memory_space<vmem>>
      %dma_wait3A_440 = tpu.memref_squeeze %dma_wait3A_439 : memref<1x128xi32, #tpu.memory_space<vmem>> -> memref<128xi32, #tpu.memory_space<vmem>>
      %dma_wait3A_441 = arith.constant 0 : i32
      %dma_wait3A_442 = arith.constant 0 : i32
      %dma_wait3A_443 = tpu.memref_slice %arg2[%dma_wait3A_441, %dma_wait3A_442] : memref<20224x64xf32, #tpu.memory_space<hbm>> -> memref<20224x64xf32, #tpu.memory_space<hbm>>
      tpu.wait_indirect_dma semaphore(%arg18 : memref<!tpu.dma_semaphore, #tpu.memory_space<semaphore_mem>>) src(%dma_wait3A_443 : memref<20224x64xf32, #tpu.memory_space<hbm>>) dst(%arg12 : memref<128x64xf32, #tpu.memory_space<vmem>>)
      %dma_start3A_444 = arith.constant 0 : i32
      %dma_start3A_445 = tpu.memref_slice %arg8[%add3A_436, %dma_start3A_444] : memref<162x128xi32, #tpu.memory_space<vmem>> -> memref<1x128xi32, #tpu.memory_space<vmem>>
      %dma_start3A_446 = tpu.memref_squeeze %dma_start3A_445 : memref<1x128xi32, #tpu.memory_space<vmem>> -> memref<128xi32, #tpu.memory_space<vmem>>
      %dma_start3A_447 = arith.constant 0 : i32
      %dma_start3A_448 = arith.constant 0 : i32
      %dma_start3A_449 = tpu.memref_slice %arg27[%dma_start3A_447, %dma_start3A_448] : memref<10112x64xf32, #tpu.memory_space<vmem_shared>> -> memref<10112x64xf32, #tpu.memory_space<vmem_shared>>
      tpu.enqueue_indirect_dma source(%arg12 : memref<128x64xf32, #tpu.memory_space<vmem>>) target(%dma_start3A_449 : memref<10112x64xf32, #tpu.memory_space<vmem_shared>>) offsets(%dma_start3A_446 : memref<128xi32, #tpu.memory_space<vmem>>) semaphore(%arg24 : memref<!tpu.dma_semaphore, #tpu.memory_space<semaphore_mem>>) {add = true}
      %dma_wait3A_450 = arith.constant 0 : i32
      %dma_wait3A_451 = arith.constant 0 : i32
      %dma_wait3A_452 = tpu.memref_slice %arg8[%dma_wait3A_450, %dma_wait3A_451] : memref<162x128xi32, #tpu.memory_space<vmem>> -> memref<1x128xi32, #tpu.memory_space<vmem>>
      %dma_wait3A_453 = tpu.memref_squeeze %dma_wait3A_452 : memref<1x128xi32, #tpu.memory_space<vmem>> -> memref<128xi32, #tpu.memory_space<vmem>>
      %dma_wait3A_454 = arith.constant 0 : i32
      %dma_wait3A_455 = arith.constant 0 : i32
      %dma_wait3A_456 = tpu.memref_slice %arg27[%dma_wait3A_454, %dma_wait3A_455] : memref<10112x64xf32, #tpu.memory_space<vmem_shared>> -> memref<10112x64xf32, #tpu.memory_space<vmem_shared>>
      tpu.wait_indirect_dma semaphore(%arg23 : memref<!tpu.dma_semaphore, #tpu.memory_space<semaphore_mem>>) src(%arg11 : memref<128x64xf32, #tpu.memory_space<vmem>>) dst(%dma_wait3A_456 : memref<10112x64xf32, #tpu.memory_space<vmem_shared>>)
      %add3A_457 = arith.constant 5 : i32
      %add3A_458 = arith.addi %add3A_436, %add3A_457 : i32
      %dma_start3A_459 = arith.constant 0 : i32
      %dma_start3A_460 = tpu.memref_slice %arg7[%add3A_458, %dma_start3A_459] : memref<162x128xi32, #tpu.memory_space<vmem>> -> memref<1x128xi32, #tpu.memory_space<vmem>>
      %dma_start3A_461 = tpu.memref_squeeze %dma_start3A_460 : memref<1x128xi32, #tpu.memory_space<vmem>> -> memref<128xi32, #tpu.memory_space<vmem>>
      %dma_start3A_462 = arith.constant 0 : i32
      %dma_start3A_463 = arith.constant 0 : i32
      %dma_start3A_464 = tpu.memref_slice %arg2[%dma_start3A_462, %dma_start3A_463] : memref<20224x64xf32, #tpu.memory_space<hbm>> -> memref<20224x64xf32, #tpu.memory_space<hbm>>
      tpu.enqueue_indirect_dma source(%dma_start3A_464 : memref<20224x64xf32, #tpu.memory_space<hbm>>) target(%arg11 : memref<128x64xf32, #tpu.memory_space<vmem>>) offsets(%dma_start3A_461 : memref<128xi32, #tpu.memory_space<vmem>>) semaphore(%arg17 : memref<!tpu.dma_semaphore, #tpu.memory_space<semaphore_mem>>)
      %add3A_465 = arith.constant 4 : i32
      %add3A_466 = arith.addi %mul3A_345, %add3A_465 : i32
      %dma_wait3A_467 = arith.constant 0 : i32
      %dma_wait3A_468 = arith.constant 0 : i32
      %dma_wait3A_469 = tpu.memref_slice %arg7[%dma_wait3A_467, %dma_wait3A_468] : memref<162x128xi32, #tpu.memory_space<vmem>> -> memref<1x128xi32, #tpu.memory_space<vmem>>
      %dma_wait3A_470 = tpu.memref_squeeze %dma_wait3A_469 : memref<1x128xi32, #tpu.memory_space<vmem>> -> memref<128xi32, #tpu.memory_space<vmem>>
      %dma_wait3A_471 = arith.constant 0 : i32
      %dma_wait3A_472 = arith.constant 0 : i32
      %dma_wait3A_473 = tpu.memref_slice %arg2[%dma_wait3A_471, %dma_wait3A_472] : memref<20224x64xf32, #tpu.memory_space<hbm>> -> memref<20224x64xf32, #tpu.memory_space<hbm>>
      tpu.wait_indirect_dma semaphore(%arg19 : memref<!tpu.dma_semaphore, #tpu.memory_space<semaphore_mem>>) src(%dma_wait3A_473 : memref<20224x64xf32, #tpu.memory_space<hbm>>) dst(%arg13 : memref<128x64xf32, #tpu.memory_space<vmem>>)
      %dma_start3A_474 = arith.constant 0 : i32
      %dma_start3A_475 = tpu.memref_slice %arg8[%add3A_466, %dma_start3A_474] : memref<162x128xi32, #tpu.memory_space<vmem>> -> memref<1x128xi32, #tpu.memory_space<vmem>>
      %dma_start3A_476 = tpu.memref_squeeze %dma_start3A_475 : memref<1x128xi32, #tpu.memory_space<vmem>> -> memref<128xi32, #tpu.memory_space<vmem>>
      %dma_start3A_477 = arith.constant 0 : i32
      %dma_start3A_478 = arith.constant 0 : i32
      %dma_start3A_479 = tpu.memref_slice %arg27[%dma_start3A_477, %dma_start3A_478] : memref<10112x64xf32, #tpu.memory_space<vmem_shared>> -> memref<10112x64xf32, #tpu.memory_space<vmem_shared>>
      tpu.enqueue_indirect_dma source(%arg13 : memref<128x64xf32, #tpu.memory_space<vmem>>) target(%dma_start3A_479 : memref<10112x64xf32, #tpu.memory_space<vmem_shared>>) offsets(%dma_start3A_476 : memref<128xi32, #tpu.memory_space<vmem>>) semaphore(%arg25 : memref<!tpu.dma_semaphore, #tpu.memory_space<semaphore_mem>>) {add = true}
      %dma_wait3A_480 = arith.constant 0 : i32
      %dma_wait3A_481 = arith.constant 0 : i32
      %dma_wait3A_482 = tpu.memref_slice %arg8[%dma_wait3A_480, %dma_wait3A_481] : memref<162x128xi32, #tpu.memory_space<vmem>> -> memref<1x128xi32, #tpu.memory_space<vmem>>
      %dma_wait3A_483 = tpu.memref_squeeze %dma_wait3A_482 : memref<1x128xi32, #tpu.memory_space<vmem>> -> memref<128xi32, #tpu.memory_space<vmem>>
      %dma_wait3A_484 = arith.constant 0 : i32
      %dma_wait3A_485 = arith.constant 0 : i32
      %dma_wait3A_486 = tpu.memref_slice %arg27[%dma_wait3A_484, %dma_wait3A_485] : memref<10112x64xf32, #tpu.memory_space<vmem_shared>> -> memref<10112x64xf32, #tpu.memory_space<vmem_shared>>
      tpu.wait_indirect_dma semaphore(%arg24 : memref<!tpu.dma_semaphore, #tpu.memory_space<semaphore_mem>>) src(%arg12 : memref<128x64xf32, #tpu.memory_space<vmem>>) dst(%dma_wait3A_486 : memref<10112x64xf32, #tpu.memory_space<vmem_shared>>)
      %add3A_487 = arith.constant 5 : i32
      %add3A_488 = arith.addi %add3A_466, %add3A_487 : i32
      %dma_start3A_489 = arith.constant 0 : i32
      %dma_start3A_490 = tpu.memref_slice %arg7[%add3A_488, %dma_start3A_489] : memref<162x128xi32, #tpu.memory_space<vmem>> -> memref<1x128xi32, #tpu.memory_space<vmem>>
      %dma_start3A_491 = tpu.memref_squeeze %dma_start3A_490 : memref<1x128xi32, #tpu.memory_space<vmem>> -> memref<128xi32, #tpu.memory_space<vmem>>
      %dma_start3A_492 = arith.constant 0 : i32
      %dma_start3A_493 = arith.constant 0 : i32
      %dma_start3A_494 = tpu.memref_slice %arg2[%dma_start3A_492, %dma_start3A_493] : memref<20224x64xf32, #tpu.memory_space<hbm>> -> memref<20224x64xf32, #tpu.memory_space<hbm>>
      tpu.enqueue_indirect_dma source(%dma_start3A_494 : memref<20224x64xf32, #tpu.memory_space<hbm>>) target(%arg12 : memref<128x64xf32, #tpu.memory_space<vmem>>) offsets(%dma_start3A_491 : memref<128xi32, #tpu.memory_space<vmem>>) semaphore(%arg18 : memref<!tpu.dma_semaphore, #tpu.memory_space<semaphore_mem>>)
      %add3A_495 = arith.constant 5 : i32
      %add3A_496 = arith.addi %mul3A_345, %add3A_495 : i32
      %dma_wait3A_497 = arith.constant 0 : i32
      %dma_wait3A_498 = arith.constant 0 : i32
      %dma_wait3A_499 = tpu.memref_slice %arg7[%dma_wait3A_497, %dma_wait3A_498] : memref<162x128xi32, #tpu.memory_space<vmem>> -> memref<1x128xi32, #tpu.memory_space<vmem>>
      %dma_wait3A_500 = tpu.memref_squeeze %dma_wait3A_499 : memref<1x128xi32, #tpu.memory_space<vmem>> -> memref<128xi32, #tpu.memory_space<vmem>>
      %dma_wait3A_501 = arith.constant 0 : i32
      %dma_wait3A_502 = arith.constant 0 : i32
      %dma_wait3A_503 = tpu.memref_slice %arg2[%dma_wait3A_501, %dma_wait3A_502] : memref<20224x64xf32, #tpu.memory_space<hbm>> -> memref<20224x64xf32, #tpu.memory_space<hbm>>
      tpu.wait_indirect_dma semaphore(%arg20 : memref<!tpu.dma_semaphore, #tpu.memory_space<semaphore_mem>>) src(%dma_wait3A_503 : memref<20224x64xf32, #tpu.memory_space<hbm>>) dst(%arg14 : memref<128x64xf32, #tpu.memory_space<vmem>>)
      %dma_start3A_504 = arith.constant 0 : i32
      %dma_start3A_505 = tpu.memref_slice %arg8[%add3A_496, %dma_start3A_504] : memref<162x128xi32, #tpu.memory_space<vmem>> -> memref<1x128xi32, #tpu.memory_space<vmem>>
      %dma_start3A_506 = tpu.memref_squeeze %dma_start3A_505 : memref<1x128xi32, #tpu.memory_space<vmem>> -> memref<128xi32, #tpu.memory_space<vmem>>
      %dma_start3A_507 = arith.constant 0 : i32
      %dma_start3A_508 = arith.constant 0 : i32
      %dma_start3A_509 = tpu.memref_slice %arg27[%dma_start3A_507, %dma_start3A_508] : memref<10112x64xf32, #tpu.memory_space<vmem_shared>> -> memref<10112x64xf32, #tpu.memory_space<vmem_shared>>
      tpu.enqueue_indirect_dma source(%arg14 : memref<128x64xf32, #tpu.memory_space<vmem>>) target(%dma_start3A_509 : memref<10112x64xf32, #tpu.memory_space<vmem_shared>>) offsets(%dma_start3A_506 : memref<128xi32, #tpu.memory_space<vmem>>) semaphore(%arg26 : memref<!tpu.dma_semaphore, #tpu.memory_space<semaphore_mem>>) {add = true}
      %dma_wait3A_510 = arith.constant 0 : i32
      %dma_wait3A_511 = arith.constant 0 : i32
      %dma_wait3A_512 = tpu.memref_slice %arg8[%dma_wait3A_510, %dma_wait3A_511] : memref<162x128xi32, #tpu.memory_space<vmem>> -> memref<1x128xi32, #tpu.memory_space<vmem>>
      %dma_wait3A_513 = tpu.memref_squeeze %dma_wait3A_512 : memref<1x128xi32, #tpu.memory_space<vmem>> -> memref<128xi32, #tpu.memory_space<vmem>>
      %dma_wait3A_514 = arith.constant 0 : i32
      %dma_wait3A_515 = arith.constant 0 : i32
      %dma_wait3A_516 = tpu.memref_slice %arg27[%dma_wait3A_514, %dma_wait3A_515] : memref<10112x64xf32, #tpu.memory_space<vmem_shared>> -> memref<10112x64xf32, #tpu.memory_space<vmem_shared>>
      tpu.wait_indirect_dma semaphore(%arg25 : memref<!tpu.dma_semaphore, #tpu.memory_space<semaphore_mem>>) src(%arg13 : memref<128x64xf32, #tpu.memory_space<vmem>>) dst(%dma_wait3A_516 : memref<10112x64xf32, #tpu.memory_space<vmem_shared>>)
      %add3A_517 = arith.constant 5 : i32
      %add3A_518 = arith.addi %add3A_496, %add3A_517 : i32
      %dma_start3A_519 = arith.constant 0 : i32
      %dma_start3A_520 = tpu.memref_slice %arg7[%add3A_518, %dma_start3A_519] : memref<162x128xi32, #tpu.memory_space<vmem>> -> memref<1x128xi32, #tpu.memory_space<vmem>>
      %dma_start3A_521 = tpu.memref_squeeze %dma_start3A_520 : memref<1x128xi32, #tpu.memory_space<vmem>> -> memref<128xi32, #tpu.memory_space<vmem>>
      %dma_start3A_522 = arith.constant 0 : i32
      %dma_start3A_523 = arith.constant 0 : i32
      %dma_start3A_524 = tpu.memref_slice %arg2[%dma_start3A_522, %dma_start3A_523] : memref<20224x64xf32, #tpu.memory_space<hbm>> -> memref<20224x64xf32, #tpu.memory_space<hbm>>
      tpu.enqueue_indirect_dma source(%dma_start3A_524 : memref<20224x64xf32, #tpu.memory_space<hbm>>) target(%arg13 : memref<128x64xf32, #tpu.memory_space<vmem>>) offsets(%dma_start3A_521 : memref<128xi32, #tpu.memory_space<vmem>>) semaphore(%arg19 : memref<!tpu.dma_semaphore, #tpu.memory_space<semaphore_mem>>)
    }
    %scan3A_199 = arith.constant 25 : i32
    %dma_wait3A_200 = arith.constant 0 : i32
    %dma_wait3A_201 = arith.constant 0 : i32
    %dma_wait3A_202 = tpu.memref_slice %arg7[%dma_wait3A_200, %dma_wait3A_201] : memref<162x128xi32, #tpu.memory_space<vmem>> -> memref<1x128xi32, #tpu.memory_space<vmem>>
    %dma_wait3A_203 = tpu.memref_squeeze %dma_wait3A_202 : memref<1x128xi32, #tpu.memory_space<vmem>> -> memref<128xi32, #tpu.memory_space<vmem>>
    %dma_wait3A_204 = arith.constant 0 : i32
    %dma_wait3A_205 = arith.constant 0 : i32
    %dma_wait3A_206 = tpu.memref_slice %arg2[%dma_wait3A_204, %dma_wait3A_205] : memref<20224x64xf32, #tpu.memory_space<hbm>> -> memref<20224x64xf32, #tpu.memory_space<hbm>>
    tpu.wait_indirect_dma semaphore(%arg15 : memref<!tpu.dma_semaphore, #tpu.memory_space<semaphore_mem>>) src(%dma_wait3A_206 : memref<20224x64xf32, #tpu.memory_space<hbm>>) dst(%arg9 : memref<128x64xf32, #tpu.memory_space<vmem>>)
    %dma_start3A_207 = arith.constant 156 : i32
    %dma_start3A_208 = arith.constant 0 : i32
    %dma_start3A_209 = tpu.memref_slice %arg8[%dma_start3A_207, %dma_start3A_208] : memref<162x128xi32, #tpu.memory_space<vmem>> -> memref<1x128xi32, #tpu.memory_space<vmem>>
    %dma_start3A_210 = tpu.memref_squeeze %dma_start3A_209 : memref<1x128xi32, #tpu.memory_space<vmem>> -> memref<128xi32, #tpu.memory_space<vmem>>
    %dma_start3A_211 = arith.constant 0 : i32
    %dma_start3A_212 = arith.constant 0 : i32
    %dma_start3A_213 = tpu.memref_slice %arg27[%dma_start3A_211, %dma_start3A_212] : memref<10112x64xf32, #tpu.memory_space<vmem_shared>> -> memref<10112x64xf32, #tpu.memory_space<vmem_shared>>
    tpu.enqueue_indirect_dma source(%arg9 : memref<128x64xf32, #tpu.memory_space<vmem>>) target(%dma_start3A_213 : memref<10112x64xf32, #tpu.memory_space<vmem_shared>>) offsets(%dma_start3A_210 : memref<128xi32, #tpu.memory_space<vmem>>) semaphore(%arg21 : memref<!tpu.dma_semaphore, #tpu.memory_space<semaphore_mem>>) {add = true}
    %dma_wait3A_214 = arith.constant 0 : i32
    %dma_wait3A_215 = arith.constant 0 : i32
    %dma_wait3A_216 = tpu.memref_slice %arg8[%dma_wait3A_214, %dma_wait3A_215] : memref<162x128xi32, #tpu.memory_space<vmem>> -> memref<1x128xi32, #tpu.memory_space<vmem>>
    %dma_wait3A_217 = tpu.memref_squeeze %dma_wait3A_216 : memref<1x128xi32, #tpu.memory_space<vmem>> -> memref<128xi32, #tpu.memory_space<vmem>>
    %dma_wait3A_218 = arith.constant 0 : i32
    %dma_wait3A_219 = arith.constant 0 : i32
    %dma_wait3A_220 = tpu.memref_slice %arg27[%dma_wait3A_218, %dma_wait3A_219] : memref<10112x64xf32, #tpu.memory_space<vmem_shared>> -> memref<10112x64xf32, #tpu.memory_space<vmem_shared>>
    tpu.wait_indirect_dma semaphore(%arg26 : memref<!tpu.dma_semaphore, #tpu.memory_space<semaphore_mem>>) src(%arg14 : memref<128x64xf32, #tpu.memory_space<vmem>>) dst(%dma_wait3A_220 : memref<10112x64xf32, #tpu.memory_space<vmem_shared>>)
    %dma_start3A_221 = arith.constant 161 : i32
    %dma_start3A_222 = arith.constant 0 : i32
    %dma_start3A_223 = tpu.memref_slice %arg7[%dma_start3A_221, %dma_start3A_222] : memref<162x128xi32, #tpu.memory_space<vmem>> -> memref<1x128xi32, #tpu.memory_space<vmem>>
    %dma_start3A_224 = tpu.memref_squeeze %dma_start3A_223 : memref<1x128xi32, #tpu.memory_space<vmem>> -> memref<128xi32, #tpu.memory_space<vmem>>
    %dma_start3A_225 = arith.constant 0 : i32
    %dma_start3A_226 = arith.constant 0 : i32
    %dma_start3A_227 = tpu.memref_slice %arg2[%dma_start3A_225, %dma_start3A_226] : memref<20224x64xf32, #tpu.memory_space<hbm>> -> memref<20224x64xf32, #tpu.memory_space<hbm>>
    tpu.enqueue_indirect_dma source(%dma_start3A_227 : memref<20224x64xf32, #tpu.memory_space<hbm>>) target(%arg14 : memref<128x64xf32, #tpu.memory_space<vmem>>) offsets(%dma_start3A_224 : memref<128xi32, #tpu.memory_space<vmem>>) semaphore(%arg20 : memref<!tpu.dma_semaphore, #tpu.memory_space<semaphore_mem>>)
    %dma_wait3A_228 = arith.constant 0 : i32
    %dma_wait3A_229 = arith.constant 0 : i32
    %dma_wait3A_230 = tpu.memref_slice %arg7[%dma_wait3A_228, %dma_wait3A_229] : memref<162x128xi32, #tpu.memory_space<vmem>> -> memref<1x128xi32, #tpu.memory_space<vmem>>
    %dma_wait3A_231 = tpu.memref_squeeze %dma_wait3A_230 : memref<1x128xi32, #tpu.memory_space<vmem>> -> memref<128xi32, #tpu.memory_space<vmem>>
    %dma_wait3A_232 = arith.constant 0 : i32
    %dma_wait3A_233 = arith.constant 0 : i32
    %dma_wait3A_234 = tpu.memref_slice %arg2[%dma_wait3A_232, %dma_wait3A_233] : memref<20224x64xf32, #tpu.memory_space<hbm>> -> memref<20224x64xf32, #tpu.memory_space<hbm>>
    tpu.wait_indirect_dma semaphore(%arg16 : memref<!tpu.dma_semaphore, #tpu.memory_space<semaphore_mem>>) src(%dma_wait3A_234 : memref<20224x64xf32, #tpu.memory_space<hbm>>) dst(%arg10 : memref<128x64xf32, #tpu.memory_space<vmem>>)
    %dma_start3A_235 = arith.constant 157 : i32
    %dma_start3A_236 = arith.constant 0 : i32
    %dma_start3A_237 = tpu.memref_slice %arg8[%dma_start3A_235, %dma_start3A_236] : memref<162x128xi32, #tpu.memory_space<vmem>> -> memref<1x128xi32, #tpu.memory_space<vmem>>
    %dma_start3A_238 = tpu.memref_squeeze %dma_start3A_237 : memref<1x128xi32, #tpu.memory_space<vmem>> -> memref<128xi32, #tpu.memory_space<vmem>>
    %dma_start3A_239 = arith.constant 0 : i32
    %dma_start3A_240 = arith.constant 0 : i32
    %dma_start3A_241 = tpu.memref_slice %arg27[%dma_start3A_239, %dma_start3A_240] : memref<10112x64xf32, #tpu.memory_space<vmem_shared>> -> memref<10112x64xf32, #tpu.memory_space<vmem_shared>>
    tpu.enqueue_indirect_dma source(%arg10 : memref<128x64xf32, #tpu.memory_space<vmem>>) target(%dma_start3A_241 : memref<10112x64xf32, #tpu.memory_space<vmem_shared>>) offsets(%dma_start3A_238 : memref<128xi32, #tpu.memory_space<vmem>>) semaphore(%arg22 : memref<!tpu.dma_semaphore, #tpu.memory_space<semaphore_mem>>) {add = true}
    %dma_wait3A_242 = arith.constant 0 : i32
    %dma_wait3A_243 = arith.constant 0 : i32
    %dma_wait3A_244 = tpu.memref_slice %arg7[%dma_wait3A_242, %dma_wait3A_243] : memref<162x128xi32, #tpu.memory_space<vmem>> -> memref<1x128xi32, #tpu.memory_space<vmem>>
    %dma_wait3A_245 = tpu.memref_squeeze %dma_wait3A_244 : memref<1x128xi32, #tpu.memory_space<vmem>> -> memref<128xi32, #tpu.memory_space<vmem>>
    %dma_wait3A_246 = arith.constant 0 : i32
    %dma_wait3A_247 = arith.constant 0 : i32
    %dma_wait3A_248 = tpu.memref_slice %arg2[%dma_wait3A_246, %dma_wait3A_247] : memref<20224x64xf32, #tpu.memory_space<hbm>> -> memref<20224x64xf32, #tpu.memory_space<hbm>>
    tpu.wait_indirect_dma semaphore(%arg17 : memref<!tpu.dma_semaphore, #tpu.memory_space<semaphore_mem>>) src(%dma_wait3A_248 : memref<20224x64xf32, #tpu.memory_space<hbm>>) dst(%arg11 : memref<128x64xf32, #tpu.memory_space<vmem>>)
    %dma_start3A_249 = arith.constant 158 : i32
    %dma_start3A_250 = arith.constant 0 : i32
    %dma_start3A_251 = tpu.memref_slice %arg8[%dma_start3A_249, %dma_start3A_250] : memref<162x128xi32, #tpu.memory_space<vmem>> -> memref<1x128xi32, #tpu.memory_space<vmem>>
    %dma_start3A_252 = tpu.memref_squeeze %dma_start3A_251 : memref<1x128xi32, #tpu.memory_space<vmem>> -> memref<128xi32, #tpu.memory_space<vmem>>
    %dma_start3A_253 = arith.constant 0 : i32
    %dma_start3A_254 = arith.constant 0 : i32
    %dma_start3A_255 = tpu.memref_slice %arg27[%dma_start3A_253, %dma_start3A_254] : memref<10112x64xf32, #tpu.memory_space<vmem_shared>> -> memref<10112x64xf32, #tpu.memory_space<vmem_shared>>
    tpu.enqueue_indirect_dma source(%arg11 : memref<128x64xf32, #tpu.memory_space<vmem>>) target(%dma_start3A_255 : memref<10112x64xf32, #tpu.memory_space<vmem_shared>>) offsets(%dma_start3A_252 : memref<128xi32, #tpu.memory_space<vmem>>) semaphore(%arg23 : memref<!tpu.dma_semaphore, #tpu.memory_space<semaphore_mem>>) {add = true}
    %dma_wait3A_256 = arith.constant 0 : i32
    %dma_wait3A_257 = arith.constant 0 : i32
    %dma_wait3A_258 = tpu.memref_slice %arg7[%dma_wait3A_256, %dma_wait3A_257] : memref<162x128xi32, #tpu.memory_space<vmem>> -> memref<1x128xi32, #tpu.memory_space<vmem>>
    %dma_wait3A_259 = tpu.memref_squeeze %dma_wait3A_258 : memref<1x128xi32, #tpu.memory_space<vmem>> -> memref<128xi32, #tpu.memory_space<vmem>>
    %dma_wait3A_260 = arith.constant 0 : i32
    %dma_wait3A_261 = arith.constant 0 : i32
    %dma_wait3A_262 = tpu.memref_slice %arg2[%dma_wait3A_260, %dma_wait3A_261] : memref<20224x64xf32, #tpu.memory_space<hbm>> -> memref<20224x64xf32, #tpu.memory_space<hbm>>
    tpu.wait_indirect_dma semaphore(%arg18 : memref<!tpu.dma_semaphore, #tpu.memory_space<semaphore_mem>>) src(%dma_wait3A_262 : memref<20224x64xf32, #tpu.memory_space<hbm>>) dst(%arg12 : memref<128x64xf32, #tpu.memory_space<vmem>>)
    %dma_start3A_263 = arith.constant 159 : i32
    %dma_start3A_264 = arith.constant 0 : i32
    %dma_start3A_265 = tpu.memref_slice %arg8[%dma_start3A_263, %dma_start3A_264] : memref<162x128xi32, #tpu.memory_space<vmem>> -> memref<1x128xi32, #tpu.memory_space<vmem>>
    %dma_start3A_266 = tpu.memref_squeeze %dma_start3A_265 : memref<1x128xi32, #tpu.memory_space<vmem>> -> memref<128xi32, #tpu.memory_space<vmem>>
    %dma_start3A_267 = arith.constant 0 : i32
    %dma_start3A_268 = arith.constant 0 : i32
    %dma_start3A_269 = tpu.memref_slice %arg27[%dma_start3A_267, %dma_start3A_268] : memref<10112x64xf32, #tpu.memory_space<vmem_shared>> -> memref<10112x64xf32, #tpu.memory_space<vmem_shared>>
    tpu.enqueue_indirect_dma source(%arg12 : memref<128x64xf32, #tpu.memory_space<vmem>>) target(%dma_start3A_269 : memref<10112x64xf32, #tpu.memory_space<vmem_shared>>) offsets(%dma_start3A_266 : memref<128xi32, #tpu.memory_space<vmem>>) semaphore(%arg24 : memref<!tpu.dma_semaphore, #tpu.memory_space<semaphore_mem>>) {add = true}
    %dma_wait3A_270 = arith.constant 0 : i32
    %dma_wait3A_271 = arith.constant 0 : i32
    %dma_wait3A_272 = tpu.memref_slice %arg7[%dma_wait3A_270, %dma_wait3A_271] : memref<162x128xi32, #tpu.memory_space<vmem>> -> memref<1x128xi32, #tpu.memory_space<vmem>>
    %dma_wait3A_273 = tpu.memref_squeeze %dma_wait3A_272 : memref<1x128xi32, #tpu.memory_space<vmem>> -> memref<128xi32, #tpu.memory_space<vmem>>
    %dma_wait3A_274 = arith.constant 0 : i32
    %dma_wait3A_275 = arith.constant 0 : i32
    %dma_wait3A_276 = tpu.memref_slice %arg2[%dma_wait3A_274, %dma_wait3A_275] : memref<20224x64xf32, #tpu.memory_space<hbm>> -> memref<20224x64xf32, #tpu.memory_space<hbm>>
    tpu.wait_indirect_dma semaphore(%arg19 : memref<!tpu.dma_semaphore, #tpu.memory_space<semaphore_mem>>) src(%dma_wait3A_276 : memref<20224x64xf32, #tpu.memory_space<hbm>>) dst(%arg13 : memref<128x64xf32, #tpu.memory_space<vmem>>)
    %dma_start3A_277 = arith.constant 160 : i32
    %dma_start3A_278 = arith.constant 0 : i32
    %dma_start3A_279 = tpu.memref_slice %arg8[%dma_start3A_277, %dma_start3A_278] : memref<162x128xi32, #tpu.memory_space<vmem>> -> memref<1x128xi32, #tpu.memory_space<vmem>>
    %dma_start3A_280 = tpu.memref_squeeze %dma_start3A_279 : memref<1x128xi32, #tpu.memory_space<vmem>> -> memref<128xi32, #tpu.memory_space<vmem>>
    %dma_start3A_281 = arith.constant 0 : i32
    %dma_start3A_282 = arith.constant 0 : i32
    %dma_start3A_283 = tpu.memref_slice %arg27[%dma_start3A_281, %dma_start3A_282] : memref<10112x64xf32, #tpu.memory_space<vmem_shared>> -> memref<10112x64xf32, #tpu.memory_space<vmem_shared>>
    tpu.enqueue_indirect_dma source(%arg13 : memref<128x64xf32, #tpu.memory_space<vmem>>) target(%dma_start3A_283 : memref<10112x64xf32, #tpu.memory_space<vmem_shared>>) offsets(%dma_start3A_280 : memref<128xi32, #tpu.memory_space<vmem>>) semaphore(%arg25 : memref<!tpu.dma_semaphore, #tpu.memory_space<semaphore_mem>>) {add = true}
    %dma_wait3A_284 = arith.constant 0 : i32
    %dma_wait3A_285 = arith.constant 0 : i32
    %dma_wait3A_286 = tpu.memref_slice %arg7[%dma_wait3A_284, %dma_wait3A_285] : memref<162x128xi32, #tpu.memory_space<vmem>> -> memref<1x128xi32, #tpu.memory_space<vmem>>
    %dma_wait3A_287 = tpu.memref_squeeze %dma_wait3A_286 : memref<1x128xi32, #tpu.memory_space<vmem>> -> memref<128xi32, #tpu.memory_space<vmem>>
    %dma_wait3A_288 = arith.constant 0 : i32
    %dma_wait3A_289 = arith.constant 0 : i32
    %dma_wait3A_290 = tpu.memref_slice %arg2[%dma_wait3A_288, %dma_wait3A_289] : memref<20224x64xf32, #tpu.memory_space<hbm>> -> memref<20224x64xf32, #tpu.memory_space<hbm>>
    tpu.wait_indirect_dma semaphore(%arg20 : memref<!tpu.dma_semaphore, #tpu.memory_space<semaphore_mem>>) src(%dma_wait3A_290 : memref<20224x64xf32, #tpu.memory_space<hbm>>) dst(%arg14 : memref<128x64xf32, #tpu.memory_space<vmem>>)
    %dma_start3A_291 = arith.constant 161 : i32
    %dma_start3A_292 = arith.constant 0 : i32
    %dma_start3A_293 = tpu.memref_slice %arg8[%dma_start3A_291, %dma_start3A_292] : memref<162x128xi32, #tpu.memory_space<vmem>> -> memref<1x128xi32, #tpu.memory_space<vmem>>
    %dma_start3A_294 = tpu.memref_squeeze %dma_start3A_293 : memref<1x128xi32, #tpu.memory_space<vmem>> -> memref<128xi32, #tpu.memory_space<vmem>>
    %dma_start3A_295 = arith.constant 0 : i32
    %dma_start3A_296 = arith.constant 0 : i32
    %dma_start3A_297 = tpu.memref_slice %arg27[%dma_start3A_295, %dma_start3A_296] : memref<10112x64xf32, #tpu.memory_space<vmem_shared>> -> memref<10112x64xf32, #tpu.memory_space<vmem_shared>>
    tpu.enqueue_indirect_dma source(%arg14 : memref<128x64xf32, #tpu.memory_space<vmem>>) target(%dma_start3A_297 : memref<10112x64xf32, #tpu.memory_space<vmem_shared>>) offsets(%dma_start3A_294 : memref<128xi32, #tpu.memory_space<vmem>>) semaphore(%arg26 : memref<!tpu.dma_semaphore, #tpu.memory_space<semaphore_mem>>) {add = true}
    %dma_wait3A_298 = arith.constant 0 : i32
    %dma_wait3A_299 = arith.constant 0 : i32
    %dma_wait3A_300 = tpu.memref_slice %arg8[%dma_wait3A_298, %dma_wait3A_299] : memref<162x128xi32, #tpu.memory_space<vmem>> -> memref<1x128xi32, #tpu.memory_space<vmem>>
    %dma_wait3A_301 = tpu.memref_squeeze %dma_wait3A_300 : memref<1x128xi32, #tpu.memory_space<vmem>> -> memref<128xi32, #tpu.memory_space<vmem>>
    %dma_wait3A_302 = arith.constant 0 : i32
    %dma_wait3A_303 = arith.constant 0 : i32
    %dma_wait3A_304 = tpu.memref_slice %arg27[%dma_wait3A_302, %dma_wait3A_303] : memref<10112x64xf32, #tpu.memory_space<vmem_shared>> -> memref<10112x64xf32, #tpu.memory_space<vmem_shared>>
    tpu.wait_indirect_dma semaphore(%arg21 : memref<!tpu.dma_semaphore, #tpu.memory_space<semaphore_mem>>) src(%arg9 : memref<128x64xf32, #tpu.memory_space<vmem>>) dst(%dma_wait3A_304 : memref<10112x64xf32, #tpu.memory_space<vmem_shared>>)
    %dma_wait3A_305 = arith.constant 0 : i32
    %dma_wait3A_306 = arith.constant 0 : i32
    %dma_wait3A_307 = tpu.memref_slice %arg8[%dma_wait3A_305, %dma_wait3A_306] : memref<162x128xi32, #tpu.memory_space<vmem>> -> memref<1x128xi32, #tpu.memory_space<vmem>>
    %dma_wait3A_308 = tpu.memref_squeeze %dma_wait3A_307 : memref<1x128xi32, #tpu.memory_space<vmem>> -> memref<128xi32, #tpu.memory_space<vmem>>
    %dma_wait3A_309 = arith.constant 0 : i32
    %dma_wait3A_310 = arith.constant 0 : i32
    %dma_wait3A_311 = tpu.memref_slice %arg27[%dma_wait3A_309, %dma_wait3A_310] : memref<10112x64xf32, #tpu.memory_space<vmem_shared>> -> memref<10112x64xf32, #tpu.memory_space<vmem_shared>>
    tpu.wait_indirect_dma semaphore(%arg22 : memref<!tpu.dma_semaphore, #tpu.memory_space<semaphore_mem>>) src(%arg10 : memref<128x64xf32, #tpu.memory_space<vmem>>) dst(%dma_wait3A_311 : memref<10112x64xf32, #tpu.memory_space<vmem_shared>>)
    %dma_wait3A_312 = arith.constant 0 : i32
    %dma_wait3A_313 = arith.constant 0 : i32
    %dma_wait3A_314 = tpu.memref_slice %arg8[%dma_wait3A_312, %dma_wait3A_313] : memref<162x128xi32, #tpu.memory_space<vmem>> -> memref<1x128xi32, #tpu.memory_space<vmem>>
    %dma_wait3A_315 = tpu.memref_squeeze %dma_wait3A_314 : memref<1x128xi32, #tpu.memory_space<vmem>> -> memref<128xi32, #tpu.memory_space<vmem>>
    %dma_wait3A_316 = arith.constant 0 : i32
    %dma_wait3A_317 = arith.constant 0 : i32
    %dma_wait3A_318 = tpu.memref_slice %arg27[%dma_wait3A_316, %dma_wait3A_317] : memref<10112x64xf32, #tpu.memory_space<vmem_shared>> -> memref<10112x64xf32, #tpu.memory_space<vmem_shared>>
    tpu.wait_indirect_dma semaphore(%arg23 : memref<!tpu.dma_semaphore, #tpu.memory_space<semaphore_mem>>) src(%arg11 : memref<128x64xf32, #tpu.memory_space<vmem>>) dst(%dma_wait3A_318 : memref<10112x64xf32, #tpu.memory_space<vmem_shared>>)
    %dma_wait3A_319 = arith.constant 0 : i32
    %dma_wait3A_320 = arith.constant 0 : i32
    %dma_wait3A_321 = tpu.memref_slice %arg8[%dma_wait3A_319, %dma_wait3A_320] : memref<162x128xi32, #tpu.memory_space<vmem>> -> memref<1x128xi32, #tpu.memory_space<vmem>>
    %dma_wait3A_322 = tpu.memref_squeeze %dma_wait3A_321 : memref<1x128xi32, #tpu.memory_space<vmem>> -> memref<128xi32, #tpu.memory_space<vmem>>
    %dma_wait3A_323 = arith.constant 0 : i32
    %dma_wait3A_324 = arith.constant 0 : i32
    %dma_wait3A_325 = tpu.memref_slice %arg27[%dma_wait3A_323, %dma_wait3A_324] : memref<10112x64xf32, #tpu.memory_space<vmem_shared>> -> memref<10112x64xf32, #tpu.memory_space<vmem_shared>>
    tpu.wait_indirect_dma semaphore(%arg24 : memref<!tpu.dma_semaphore, #tpu.memory_space<semaphore_mem>>) src(%arg12 : memref<128x64xf32, #tpu.memory_space<vmem>>) dst(%dma_wait3A_325 : memref<10112x64xf32, #tpu.memory_space<vmem_shared>>)
    %dma_wait3A_326 = arith.constant 0 : i32
    %dma_wait3A_327 = arith.constant 0 : i32
    %dma_wait3A_328 = tpu.memref_slice %arg8[%dma_wait3A_326, %dma_wait3A_327] : memref<162x128xi32, #tpu.memory_space<vmem>> -> memref<1x128xi32, #tpu.memory_space<vmem>>
    %dma_wait3A_329 = tpu.memref_squeeze %dma_wait3A_328 : memref<1x128xi32, #tpu.memory_space<vmem>> -> memref<128xi32, #tpu.memory_space<vmem>>
    %dma_wait3A_330 = arith.constant 0 : i32
    %dma_wait3A_331 = arith.constant 0 : i32
    %dma_wait3A_332 = tpu.memref_slice %arg27[%dma_wait3A_330, %dma_wait3A_331] : memref<10112x64xf32, #tpu.memory_space<vmem_shared>> -> memref<10112x64xf32, #tpu.memory_space<vmem_shared>>
    tpu.wait_indirect_dma semaphore(%arg25 : memref<!tpu.dma_semaphore, #tpu.memory_space<semaphore_mem>>) src(%arg13 : memref<128x64xf32, #tpu.memory_space<vmem>>) dst(%dma_wait3A_332 : memref<10112x64xf32, #tpu.memory_space<vmem_shared>>)
    %dma_wait3A_333 = arith.constant 0 : i32
    %dma_wait3A_334 = arith.constant 0 : i32
    %dma_wait3A_335 = tpu.memref_slice %arg8[%dma_wait3A_333, %dma_wait3A_334] : memref<162x128xi32, #tpu.memory_space<vmem>> -> memref<1x128xi32, #tpu.memory_space<vmem>>
    %dma_wait3A_336 = tpu.memref_squeeze %dma_wait3A_335 : memref<1x128xi32, #tpu.memory_space<vmem>> -> memref<128xi32, #tpu.memory_space<vmem>>
    %dma_wait3A_337 = arith.constant 0 : i32
    %dma_wait3A_338 = arith.constant 0 : i32
    %dma_wait3A_339 = tpu.memref_slice %arg27[%dma_wait3A_337, %dma_wait3A_338] : memref<10112x64xf32, #tpu.memory_space<vmem_shared>> -> memref<10112x64xf32, #tpu.memory_space<vmem_shared>>
    tpu.wait_indirect_dma semaphore(%arg26 : memref<!tpu.dma_semaphore, #tpu.memory_space<semaphore_mem>>) src(%arg14 : memref<128x64xf32, #tpu.memory_space<vmem>>) dst(%dma_wait3A_339 : memref<10112x64xf32, #tpu.memory_space<vmem_shared>>)
    %barrier3A_340 = arith.constant 0 : index
    tpu.barrier barrier_id(%barrier3A_340)
    %mul3A_341 = arith.constant 64 : i32
    %mul3A_342 = arith.muli %arg0, %mul3A_341 : i32
    "tpu.region"() ({
      %run_scoped3A = tpu.sem_alloc : memref<!tpu.dma_semaphore, #tpu.memory_space<semaphore_mem>>
      %dma_start3A_343 = tpu.memref_slice %arg6[%mul3A_0, %mul3A_342] : memref<10112x128xf32, #tpu.memory_space<hbm>> -> memref<632x64xf32, #tpu.memory_space<hbm>>
      %dma_start3A_344 = arith.constant 0 : i32
      %dma_start3A_345 = tpu.memref_slice %arg27[%mul3A_0, %dma_start3A_344] : memref<10112x64xf32, #tpu.memory_space<vmem_shared>> -> memref<632x64xf32, #tpu.memory_space<vmem_shared>>
      tpu.enqueue_dma source(%dma_start3A_345 : memref<632x64xf32, #tpu.memory_space<vmem_shared>>) target(%dma_start3A_343 : memref<632x64xf32, #tpu.memory_space<hbm>>) target_semaphore(%run_scoped3A : memref<!tpu.dma_semaphore, #tpu.memory_space<semaphore_mem>>)
      %dma_wait3A_346 = tpu.memref_slice %arg6[%mul3A_0, %mul3A_342] : memref<10112x128xf32, #tpu.memory_space<hbm>> -> memref<632x64xf32, #tpu.memory_space<hbm>>
      %dma_wait3A_347 = arith.constant 0 : i32
      %dma_wait3A_348 = tpu.memref_slice %arg27[%mul3A_0, %dma_wait3A_347] : memref<10112x64xf32, #tpu.memory_space<vmem_shared>> -> memref<632x64xf32, #tpu.memory_space<vmem_shared>>
      tpu.wait_dma2 semaphore(%run_scoped3A : memref<!tpu.dma_semaphore, #tpu.memory_space<semaphore_mem>>) src(%dma_wait3A_348 : memref<632x64xf32, #tpu.memory_space<vmem_shared>>) dst(%dma_wait3A_346 : memref<632x64xf32, #tpu.memory_space<hbm>>)
      tpu.yield
    }) : () -> ()
    return
  }
}

#map = affine_map<(d0, d1) -> (0, 0, 0)>
#map1 = affine_map<(d0, d1) -> (0, 0)>
module attributes {stable_mosaic.version = 14 : i64} {
  func.func @body(%arg0: i32, %arg1: i32, %arg2: memref<32x81x128xi32, #tpu.memory_space<hbm>>, %arg3: memref<128x16xf32, #tpu.memory_space<hbm>>, %arg4: memref<632x16xf32, #tpu.memory_space<hbm>>, %arg5: memref<2x10112x16xf32, #tpu.memory_space<hbm>>, %arg6: memref<81x128xi32, #tpu.memory_space<vmem>>, %arg7: memref<128x16xf32, #tpu.memory_space<vmem>>, %arg8: memref<10112x16xf32, #tpu.memory_space<vmem_shared>>, %arg9: memref<!tpu.dma_semaphore, #tpu.memory_space<semaphore_mem>>) attributes {dimension_semantics = [#tpu.dimension_semantics<core_parallel>, #tpu.dimension_semantics<subcore_parallel>], iteration_bounds = array<i64: 2, 16>, scalar_prefetch = 0 : i64, scratch_operands = 4 : i64, tpu.core_type = #tpu.core_type<sc_vector_subcore>, window_params = [{transform_indices = #map}, {transform_indices = #map1}, {transform_indices = #map1}, {transform_indices = #map}]} {
    %mul3A = arith.constant 2 : i32
    %mul3A_0 = arith.muli %arg1, %mul3A : i32
    %add3A = arith.addi %mul3A_0, %arg0 : i32
    "tpu.region"() ({
      %run_scoped3A = tpu.sem_alloc : memref<!tpu.dma_semaphore, #tpu.memory_space<semaphore_mem>>
      %dma_start3A = arith.constant 0 : i32
      %dma_start3A_15 = arith.constant 0 : i32
      %dma_start3A_16 = tpu.memref_slice %arg2[%add3A, %dma_start3A, %dma_start3A_15] : memref<32x81x128xi32, #tpu.memory_space<hbm>> -> memref<1x81x128xi32, #tpu.memory_space<hbm>>
      %dma_start3A_17 = tpu.memref_squeeze %dma_start3A_16 : memref<1x81x128xi32, #tpu.memory_space<hbm>> -> memref<81x128xi32, #tpu.memory_space<hbm>>
      %dma_start3A_18 = arith.constant 0 : i32
      %dma_start3A_19 = arith.constant 0 : i32
      %dma_start3A_20 = tpu.memref_slice %arg2[%add3A, %dma_start3A_18, %dma_start3A_19] : memref<32x81x128xi32, #tpu.memory_space<hbm>> -> memref<1x81x128xi32, #tpu.memory_space<hbm>>
      %dma_start3A_21 = tpu.memref_squeeze %dma_start3A_20 : memref<1x81x128xi32, #tpu.memory_space<hbm>> -> memref<81x128xi32, #tpu.memory_space<hbm>>
      tpu.enqueue_dma source(%dma_start3A_21 : memref<81x128xi32, #tpu.memory_space<hbm>>) target(%arg6 : memref<81x128xi32, #tpu.memory_space<vmem>>) target_semaphore(%run_scoped3A : memref<!tpu.dma_semaphore, #tpu.memory_space<semaphore_mem>>)
      %dma_wait3A = arith.constant 0 : i32
      %dma_wait3A_22 = arith.constant 0 : i32
      %dma_wait3A_23 = tpu.memref_slice %arg2[%add3A, %dma_wait3A, %dma_wait3A_22] : memref<32x81x128xi32, #tpu.memory_space<hbm>> -> memref<1x81x128xi32, #tpu.memory_space<hbm>>
      %dma_wait3A_24 = tpu.memref_squeeze %dma_wait3A_23 : memref<1x81x128xi32, #tpu.memory_space<hbm>> -> memref<81x128xi32, #tpu.memory_space<hbm>>
      %dma_wait3A_25 = arith.constant 0 : i32
      %dma_wait3A_26 = arith.constant 0 : i32
      %dma_wait3A_27 = tpu.memref_slice %arg2[%add3A, %dma_wait3A_25, %dma_wait3A_26] : memref<32x81x128xi32, #tpu.memory_space<hbm>> -> memref<1x81x128xi32, #tpu.memory_space<hbm>>
      %dma_wait3A_28 = tpu.memref_squeeze %dma_wait3A_27 : memref<1x81x128xi32, #tpu.memory_space<hbm>> -> memref<81x128xi32, #tpu.memory_space<hbm>>
      tpu.wait_dma2 semaphore(%run_scoped3A : memref<!tpu.dma_semaphore, #tpu.memory_space<semaphore_mem>>) src(%dma_wait3A_28 : memref<81x128xi32, #tpu.memory_space<hbm>>) dst(%arg6 : memref<81x128xi32, #tpu.memory_space<vmem>>)
      tpu.yield
    }) : () -> ()
    "tpu.region"() ({
      %run_scoped3A = tpu.sem_alloc : memref<!tpu.dma_semaphore, #tpu.memory_space<semaphore_mem>>
      tpu.enqueue_dma source(%arg3 : memref<128x16xf32, #tpu.memory_space<hbm>>) target(%arg7 : memref<128x16xf32, #tpu.memory_space<vmem>>) target_semaphore(%run_scoped3A : memref<!tpu.dma_semaphore, #tpu.memory_space<semaphore_mem>>)
      tpu.wait_dma2 semaphore(%run_scoped3A : memref<!tpu.dma_semaphore, #tpu.memory_space<semaphore_mem>>) src(%arg3 : memref<128x16xf32, #tpu.memory_space<hbm>>) dst(%arg7 : memref<128x16xf32, #tpu.memory_space<vmem>>)
      tpu.yield
    }) : () -> ()
    %mul3A_1 = arith.constant 632 : i32
    %mul3A_2 = arith.muli %arg1, %mul3A_1 : i32
    "tpu.region"() ({
      %run_scoped3A = tpu.sem_alloc : memref<!tpu.dma_semaphore, #tpu.memory_space<semaphore_mem>>
      %dma_start3A = arith.constant 0 : i32
      %dma_start3A_15 = tpu.memref_slice %arg8[%mul3A_2, %dma_start3A] : memref<10112x16xf32, #tpu.memory_space<vmem_shared>> -> memref<632x16xf32, #tpu.memory_space<vmem_shared>>
      tpu.enqueue_dma source(%arg4 : memref<632x16xf32, #tpu.memory_space<hbm>>) target(%dma_start3A_15 : memref<632x16xf32, #tpu.memory_space<vmem_shared>>) target_semaphore(%run_scoped3A : memref<!tpu.dma_semaphore, #tpu.memory_space<semaphore_mem>>)
      %dma_wait3A = arith.constant 0 : i32
      %dma_wait3A_16 = tpu.memref_slice %arg8[%mul3A_2, %dma_wait3A] : memref<10112x16xf32, #tpu.memory_space<vmem_shared>> -> memref<632x16xf32, #tpu.memory_space<vmem_shared>>
      tpu.wait_dma2 semaphore(%run_scoped3A : memref<!tpu.dma_semaphore, #tpu.memory_space<semaphore_mem>>) src(%arg4 : memref<632x16xf32, #tpu.memory_space<hbm>>) dst(%dma_wait3A_16 : memref<632x16xf32, #tpu.memory_space<vmem_shared>>)
      tpu.yield
    }) : () -> ()
    %barrier3A = arith.constant 0 : index
    tpu.barrier barrier_id(%barrier3A)
    %scan3A = arith.constant 0 : i32
    %scan3A_3 = arith.constant 0 : i32
    %scan3A_4 = arith.constant 81 : i32
    %scan3A_5 = arith.addi %scan3A_3, %scan3A_4 : i32
    %scan3A_6 = arith.constant 1 : i32
    scf.for %scan3A_15 = %scan3A_3 to %scan3A_5 step %scan3A_6  : i32 {
      %dma_start3A = arith.constant 0 : i32
      %dma_start3A_16 = tpu.memref_slice %arg6[%scan3A_15, %dma_start3A] : memref<81x128xi32, #tpu.memory_space<vmem>> -> memref<1x128xi32, #tpu.memory_space<vmem>>
      %dma_start3A_17 = tpu.memref_squeeze %dma_start3A_16 : memref<1x128xi32, #tpu.memory_space<vmem>> -> memref<128xi32, #tpu.memory_space<vmem>>
      %dma_start3A_18 = arith.constant 0 : i32
      %dma_start3A_19 = arith.constant 0 : i32
      %dma_start3A_20 = tpu.memref_slice %arg8[%dma_start3A_18, %dma_start3A_19] : memref<10112x16xf32, #tpu.memory_space<vmem_shared>> -> memref<10112x16xf32, #tpu.memory_space<vmem_shared>>
      tpu.enqueue_indirect_dma source(%arg7 : memref<128x16xf32, #tpu.memory_space<vmem>>) target(%dma_start3A_20 : memref<10112x16xf32, #tpu.memory_space<vmem_shared>>) offsets(%dma_start3A_17 : memref<128xi32, #tpu.memory_space<vmem>>) semaphore(%arg9 : memref<!tpu.dma_semaphore, #tpu.memory_space<semaphore_mem>>) {add = true}
    }
    %scan3A_7 = arith.constant 81 : i32
    %scan3A_8 = arith.constant 0 : i32
    %scan3A_9 = arith.constant 0 : i32
    %scan3A_10 = arith.constant 81 : i32
    %scan3A_11 = arith.addi %scan3A_9, %scan3A_10 : i32
    %scan3A_12 = arith.constant 1 : i32
    scf.for %scan3A_15 = %scan3A_9 to %scan3A_11 step %scan3A_12  : i32 {
      %dma_wait3A = arith.constant 0 : i32
      %dma_wait3A_16 = arith.constant 0 : i32
      %dma_wait3A_17 = tpu.memref_slice %arg6[%dma_wait3A, %dma_wait3A_16] : memref<81x128xi32, #tpu.memory_space<vmem>> -> memref<1x128xi32, #tpu.memory_space<vmem>>
      %dma_wait3A_18 = tpu.memref_squeeze %dma_wait3A_17 : memref<1x128xi32, #tpu.memory_space<vmem>> -> memref<128xi32, #tpu.memory_space<vmem>>
      %dma_wait3A_19 = arith.constant 0 : i32
      %dma_wait3A_20 = arith.constant 0 : i32
      %dma_wait3A_21 = tpu.memref_slice %arg8[%dma_wait3A_19, %dma_wait3A_20] : memref<10112x16xf32, #tpu.memory_space<vmem_shared>> -> memref<10112x16xf32, #tpu.memory_space<vmem_shared>>
      tpu.wait_indirect_dma semaphore(%arg9 : memref<!tpu.dma_semaphore, #tpu.memory_space<semaphore_mem>>) src(%arg7 : memref<128x16xf32, #tpu.memory_space<vmem>>) dst(%dma_wait3A_21 : memref<10112x16xf32, #tpu.memory_space<vmem_shared>>)
    }
    %scan3A_13 = arith.constant 81 : i32
    %barrier3A_14 = arith.constant 0 : index
    tpu.barrier barrier_id(%barrier3A_14)
    "tpu.region"() ({
      %run_scoped3A = tpu.sem_alloc : memref<!tpu.dma_semaphore, #tpu.memory_space<semaphore_mem>>
      %dma_start3A = arith.constant 0 : i32
      %dma_start3A_15 = tpu.memref_slice %arg5[%arg0, %mul3A_2, %dma_start3A] : memref<2x10112x16xf32, #tpu.memory_space<hbm>> -> memref<1x632x16xf32, #tpu.memory_space<hbm>>
      %dma_start3A_16 = tpu.memref_squeeze %dma_start3A_15 : memref<1x632x16xf32, #tpu.memory_space<hbm>> -> memref<632x16xf32, #tpu.memory_space<hbm>>
      %dma_start3A_17 = arith.constant 0 : i32
      %dma_start3A_18 = tpu.memref_slice %arg8[%mul3A_2, %dma_start3A_17] : memref<10112x16xf32, #tpu.memory_space<vmem_shared>> -> memref<632x16xf32, #tpu.memory_space<vmem_shared>>
      tpu.enqueue_dma source(%dma_start3A_18 : memref<632x16xf32, #tpu.memory_space<vmem_shared>>) target(%dma_start3A_16 : memref<632x16xf32, #tpu.memory_space<hbm>>) target_semaphore(%run_scoped3A : memref<!tpu.dma_semaphore, #tpu.memory_space<semaphore_mem>>)
      %dma_wait3A = arith.constant 0 : i32
      %dma_wait3A_19 = tpu.memref_slice %arg5[%arg0, %mul3A_2, %dma_wait3A] : memref<2x10112x16xf32, #tpu.memory_space<hbm>> -> memref<1x632x16xf32, #tpu.memory_space<hbm>>
      %dma_wait3A_20 = tpu.memref_squeeze %dma_wait3A_19 : memref<1x632x16xf32, #tpu.memory_space<hbm>> -> memref<632x16xf32, #tpu.memory_space<hbm>>
      %dma_wait3A_21 = arith.constant 0 : i32
      %dma_wait3A_22 = tpu.memref_slice %arg8[%mul3A_2, %dma_wait3A_21] : memref<10112x16xf32, #tpu.memory_space<vmem_shared>> -> memref<632x16xf32, #tpu.memory_space<vmem_shared>>
      tpu.wait_dma2 semaphore(%run_scoped3A : memref<!tpu.dma_semaphore, #tpu.memory_space<semaphore_mem>>) src(%dma_wait3A_22 : memref<632x16xf32, #tpu.memory_space<vmem_shared>>) dst(%dma_wait3A_20 : memref<632x16xf32, #tpu.memory_space<hbm>>)
      tpu.yield
    }) : () -> ()
    return
  }
}

#map = affine_map<(d0, d1) -> (0, 0)>
#map1 = affine_map<(d0, d1) -> (0, 0, 0, 0)>
#map2 = affine_map<(d0, d1) -> (0, 0, 0)>
module attributes {stable_mosaic.version = 14 : i64} {
  func.func @body(%arg0: i32, %arg1: i32, %arg2: memref<20224x32xf32, #tpu.memory_space<hbm>>, %arg3: memref<2x16x162x128xi32, #tpu.memory_space<hbm>>, %arg4: memref<16x162x128xi32, #tpu.memory_space<hbm>>, %arg5: memref<632x32xf32, #tpu.memory_space<hbm>>, %arg6: memref<10112x128xf32, #tpu.memory_space<hbm>>, %arg7: memref<162x128xi32, #tpu.memory_space<vmem>>, %arg8: memref<162x128xi32, #tpu.memory_space<vmem>>, %arg9: memref<128x32xf32, #tpu.memory_space<vmem>>, %arg10: memref<128x32xf32, #tpu.memory_space<vmem>>, %arg11: memref<128x32xf32, #tpu.memory_space<vmem>>, %arg12: memref<128x32xf32, #tpu.memory_space<vmem>>, %arg13: memref<128x32xf32, #tpu.memory_space<vmem>>, %arg14: memref<128x32xf32, #tpu.memory_space<vmem>>, %arg15: memref<!tpu.dma_semaphore, #tpu.memory_space<semaphore_mem>>, %arg16: memref<!tpu.dma_semaphore, #tpu.memory_space<semaphore_mem>>, %arg17: memref<!tpu.dma_semaphore, #tpu.memory_space<semaphore_mem>>, %arg18: memref<!tpu.dma_semaphore, #tpu.memory_space<semaphore_mem>>, %arg19: memref<!tpu.dma_semaphore, #tpu.memory_space<semaphore_mem>>, %arg20: memref<!tpu.dma_semaphore, #tpu.memory_space<semaphore_mem>>, %arg21: memref<!tpu.dma_semaphore, #tpu.memory_space<semaphore_mem>>, %arg22: memref<!tpu.dma_semaphore, #tpu.memory_space<semaphore_mem>>, %arg23: memref<!tpu.dma_semaphore, #tpu.memory_space<semaphore_mem>>, %arg24: memref<!tpu.dma_semaphore, #tpu.memory_space<semaphore_mem>>, %arg25: memref<!tpu.dma_semaphore, #tpu.memory_space<semaphore_mem>>, %arg26: memref<!tpu.dma_semaphore, #tpu.memory_space<semaphore_mem>>, %arg27: memref<10112x32xf32, #tpu.memory_space<vmem_shared>>) attributes {dimension_semantics = [#tpu.dimension_semantics<core_parallel>, #tpu.dimension_semantics<subcore_parallel>], iteration_bounds = array<i64: 2, 16>, scalar_prefetch = 0 : i64, scratch_operands = 21 : i64, tpu.core_type = #tpu.core_type<sc_vector_subcore>, window_params = [{transform_indices = #map}, {transform_indices = #map1}, {transform_indices = #map2}, {transform_indices = #map}, {transform_indices = #map}]} {
    "tpu.region"() ({
      %run_scoped3A = tpu.sem_alloc : memref<!tpu.dma_semaphore, #tpu.memory_space<semaphore_mem>>
      %dma_start3A_343 = arith.constant 0 : i32
      %dma_start3A_344 = arith.constant 0 : i32
      %dma_start3A_345 = tpu.memref_slice %arg3[%arg0, %arg1, %dma_start3A_343, %dma_start3A_344] : memref<2x16x162x128xi32, #tpu.memory_space<hbm>> -> memref<1x1x162x128xi32, #tpu.memory_space<hbm>>
      %dma_start3A_346 = tpu.memref_squeeze %dma_start3A_345 : memref<1x1x162x128xi32, #tpu.memory_space<hbm>> -> memref<162x128xi32, #tpu.memory_space<hbm>>
      %dma_start3A_347 = arith.constant 0 : i32
      %dma_start3A_348 = arith.constant 0 : i32
      %dma_start3A_349 = tpu.memref_slice %arg3[%arg0, %arg1, %dma_start3A_347, %dma_start3A_348] : memref<2x16x162x128xi32, #tpu.memory_space<hbm>> -> memref<1x1x162x128xi32, #tpu.memory_space<hbm>>
      %dma_start3A_350 = tpu.memref_squeeze %dma_start3A_349 : memref<1x1x162x128xi32, #tpu.memory_space<hbm>> -> memref<162x128xi32, #tpu.memory_space<hbm>>
      tpu.enqueue_dma source(%dma_start3A_350 : memref<162x128xi32, #tpu.memory_space<hbm>>) target(%arg7 : memref<162x128xi32, #tpu.memory_space<vmem>>) target_semaphore(%run_scoped3A : memref<!tpu.dma_semaphore, #tpu.memory_space<semaphore_mem>>)
      %dma_wait3A_351 = arith.constant 0 : i32
      %dma_wait3A_352 = arith.constant 0 : i32
      %dma_wait3A_353 = tpu.memref_slice %arg3[%arg0, %arg1, %dma_wait3A_351, %dma_wait3A_352] : memref<2x16x162x128xi32, #tpu.memory_space<hbm>> -> memref<1x1x162x128xi32, #tpu.memory_space<hbm>>
      %dma_wait3A_354 = tpu.memref_squeeze %dma_wait3A_353 : memref<1x1x162x128xi32, #tpu.memory_space<hbm>> -> memref<162x128xi32, #tpu.memory_space<hbm>>
      %dma_wait3A_355 = arith.constant 0 : i32
      %dma_wait3A_356 = arith.constant 0 : i32
      %dma_wait3A_357 = tpu.memref_slice %arg3[%arg0, %arg1, %dma_wait3A_355, %dma_wait3A_356] : memref<2x16x162x128xi32, #tpu.memory_space<hbm>> -> memref<1x1x162x128xi32, #tpu.memory_space<hbm>>
      %dma_wait3A_358 = tpu.memref_squeeze %dma_wait3A_357 : memref<1x1x162x128xi32, #tpu.memory_space<hbm>> -> memref<162x128xi32, #tpu.memory_space<hbm>>
      tpu.wait_dma2 semaphore(%run_scoped3A : memref<!tpu.dma_semaphore, #tpu.memory_space<semaphore_mem>>) src(%dma_wait3A_358 : memref<162x128xi32, #tpu.memory_space<hbm>>) dst(%arg7 : memref<162x128xi32, #tpu.memory_space<vmem>>)
      tpu.yield
    }) : () -> ()
    "tpu.region"() ({
      %run_scoped3A = tpu.sem_alloc : memref<!tpu.dma_semaphore, #tpu.memory_space<semaphore_mem>>
      %dma_start3A_343 = arith.constant 0 : i32
      %dma_start3A_344 = arith.constant 0 : i32
      %dma_start3A_345 = tpu.memref_slice %arg4[%arg1, %dma_start3A_343, %dma_start3A_344] : memref<16x162x128xi32, #tpu.memory_space<hbm>> -> memref<1x162x128xi32, #tpu.memory_space<hbm>>
      %dma_start3A_346 = tpu.memref_squeeze %dma_start3A_345 : memref<1x162x128xi32, #tpu.memory_space<hbm>> -> memref<162x128xi32, #tpu.memory_space<hbm>>
      %dma_start3A_347 = arith.constant 0 : i32
      %dma_start3A_348 = arith.constant 0 : i32
      %dma_start3A_349 = tpu.memref_slice %arg4[%arg1, %dma_start3A_347, %dma_start3A_348] : memref<16x162x128xi32, #tpu.memory_space<hbm>> -> memref<1x162x128xi32, #tpu.memory_space<hbm>>
      %dma_start3A_350 = tpu.memref_squeeze %dma_start3A_349 : memref<1x162x128xi32, #tpu.memory_space<hbm>> -> memref<162x128xi32, #tpu.memory_space<hbm>>
      tpu.enqueue_dma source(%dma_start3A_350 : memref<162x128xi32, #tpu.memory_space<hbm>>) target(%arg8 : memref<162x128xi32, #tpu.memory_space<vmem>>) target_semaphore(%run_scoped3A : memref<!tpu.dma_semaphore, #tpu.memory_space<semaphore_mem>>)
      %dma_wait3A_351 = arith.constant 0 : i32
      %dma_wait3A_352 = arith.constant 0 : i32
      %dma_wait3A_353 = tpu.memref_slice %arg4[%arg1, %dma_wait3A_351, %dma_wait3A_352] : memref<16x162x128xi32, #tpu.memory_space<hbm>> -> memref<1x162x128xi32, #tpu.memory_space<hbm>>
      %dma_wait3A_354 = tpu.memref_squeeze %dma_wait3A_353 : memref<1x162x128xi32, #tpu.memory_space<hbm>> -> memref<162x128xi32, #tpu.memory_space<hbm>>
      %dma_wait3A_355 = arith.constant 0 : i32
      %dma_wait3A_356 = arith.constant 0 : i32
      %dma_wait3A_357 = tpu.memref_slice %arg4[%arg1, %dma_wait3A_355, %dma_wait3A_356] : memref<16x162x128xi32, #tpu.memory_space<hbm>> -> memref<1x162x128xi32, #tpu.memory_space<hbm>>
      %dma_wait3A_358 = tpu.memref_squeeze %dma_wait3A_357 : memref<1x162x128xi32, #tpu.memory_space<hbm>> -> memref<162x128xi32, #tpu.memory_space<hbm>>
      tpu.wait_dma2 semaphore(%run_scoped3A : memref<!tpu.dma_semaphore, #tpu.memory_space<semaphore_mem>>) src(%dma_wait3A_358 : memref<162x128xi32, #tpu.memory_space<hbm>>) dst(%arg8 : memref<162x128xi32, #tpu.memory_space<vmem>>)
      tpu.yield
    }) : () -> ()
    %mul3A = arith.constant 632 : i32
    %mul3A_0 = arith.muli %arg1, %mul3A : i32
    "tpu.region"() ({
      %run_scoped3A = tpu.sem_alloc : memref<!tpu.dma_semaphore, #tpu.memory_space<semaphore_mem>>
      %dma_start3A_343 = arith.constant 0 : i32
      %dma_start3A_344 = tpu.memref_slice %arg27[%mul3A_0, %dma_start3A_343] : memref<10112x32xf32, #tpu.memory_space<vmem_shared>> -> memref<632x32xf32, #tpu.memory_space<vmem_shared>>
      tpu.enqueue_dma source(%arg5 : memref<632x32xf32, #tpu.memory_space<hbm>>) target(%dma_start3A_344 : memref<632x32xf32, #tpu.memory_space<vmem_shared>>) target_semaphore(%run_scoped3A : memref<!tpu.dma_semaphore, #tpu.memory_space<semaphore_mem>>)
      %dma_wait3A_345 = arith.constant 0 : i32
      %dma_wait3A_346 = tpu.memref_slice %arg27[%mul3A_0, %dma_wait3A_345] : memref<10112x32xf32, #tpu.memory_space<vmem_shared>> -> memref<632x32xf32, #tpu.memory_space<vmem_shared>>
      tpu.wait_dma2 semaphore(%run_scoped3A : memref<!tpu.dma_semaphore, #tpu.memory_space<semaphore_mem>>) src(%arg5 : memref<632x32xf32, #tpu.memory_space<hbm>>) dst(%dma_wait3A_346 : memref<632x32xf32, #tpu.memory_space<vmem_shared>>)
      tpu.yield
    }) : () -> ()
    %barrier3A = arith.constant 0 : index
    tpu.barrier barrier_id(%barrier3A)
    %dma_start3A = arith.constant 0 : i32
    %dma_start3A_1 = arith.constant 0 : i32
    %dma_start3A_2 = tpu.memref_slice %arg7[%dma_start3A, %dma_start3A_1] : memref<162x128xi32, #tpu.memory_space<vmem>> -> memref<1x128xi32, #tpu.memory_space<vmem>>
    %dma_start3A_3 = tpu.memref_squeeze %dma_start3A_2 : memref<1x128xi32, #tpu.memory_space<vmem>> -> memref<128xi32, #tpu.memory_space<vmem>>
    %dma_start3A_4 = arith.constant 0 : i32
    %dma_start3A_5 = arith.constant 0 : i32
    %dma_start3A_6 = tpu.memref_slice %arg2[%dma_start3A_4, %dma_start3A_5] : memref<20224x32xf32, #tpu.memory_space<hbm>> -> memref<20224x32xf32, #tpu.memory_space<hbm>>
    tpu.enqueue_indirect_dma source(%dma_start3A_6 : memref<20224x32xf32, #tpu.memory_space<hbm>>) target(%arg9 : memref<128x32xf32, #tpu.memory_space<vmem>>) offsets(%dma_start3A_3 : memref<128xi32, #tpu.memory_space<vmem>>) semaphore(%arg15 : memref<!tpu.dma_semaphore, #tpu.memory_space<semaphore_mem>>)
    %dma_start3A_7 = arith.constant 1 : i32
    %dma_start3A_8 = arith.constant 0 : i32
    %dma_start3A_9 = tpu.memref_slice %arg7[%dma_start3A_7, %dma_start3A_8] : memref<162x128xi32, #tpu.memory_space<vmem>> -> memref<1x128xi32, #tpu.memory_space<vmem>>
    %dma_start3A_10 = tpu.memref_squeeze %dma_start3A_9 : memref<1x128xi32, #tpu.memory_space<vmem>> -> memref<128xi32, #tpu.memory_space<vmem>>
    %dma_start3A_11 = arith.constant 0 : i32
    %dma_start3A_12 = arith.constant 0 : i32
    %dma_start3A_13 = tpu.memref_slice %arg2[%dma_start3A_11, %dma_start3A_12] : memref<20224x32xf32, #tpu.memory_space<hbm>> -> memref<20224x32xf32, #tpu.memory_space<hbm>>
    tpu.enqueue_indirect_dma source(%dma_start3A_13 : memref<20224x32xf32, #tpu.memory_space<hbm>>) target(%arg10 : memref<128x32xf32, #tpu.memory_space<vmem>>) offsets(%dma_start3A_10 : memref<128xi32, #tpu.memory_space<vmem>>) semaphore(%arg16 : memref<!tpu.dma_semaphore, #tpu.memory_space<semaphore_mem>>)
    %dma_start3A_14 = arith.constant 2 : i32
    %dma_start3A_15 = arith.constant 0 : i32
    %dma_start3A_16 = tpu.memref_slice %arg7[%dma_start3A_14, %dma_start3A_15] : memref<162x128xi32, #tpu.memory_space<vmem>> -> memref<1x128xi32, #tpu.memory_space<vmem>>
    %dma_start3A_17 = tpu.memref_squeeze %dma_start3A_16 : memref<1x128xi32, #tpu.memory_space<vmem>> -> memref<128xi32, #tpu.memory_space<vmem>>
    %dma_start3A_18 = arith.constant 0 : i32
    %dma_start3A_19 = arith.constant 0 : i32
    %dma_start3A_20 = tpu.memref_slice %arg2[%dma_start3A_18, %dma_start3A_19] : memref<20224x32xf32, #tpu.memory_space<hbm>> -> memref<20224x32xf32, #tpu.memory_space<hbm>>
    tpu.enqueue_indirect_dma source(%dma_start3A_20 : memref<20224x32xf32, #tpu.memory_space<hbm>>) target(%arg11 : memref<128x32xf32, #tpu.memory_space<vmem>>) offsets(%dma_start3A_17 : memref<128xi32, #tpu.memory_space<vmem>>) semaphore(%arg17 : memref<!tpu.dma_semaphore, #tpu.memory_space<semaphore_mem>>)
    %dma_start3A_21 = arith.constant 3 : i32
    %dma_start3A_22 = arith.constant 0 : i32
    %dma_start3A_23 = tpu.memref_slice %arg7[%dma_start3A_21, %dma_start3A_22] : memref<162x128xi32, #tpu.memory_space<vmem>> -> memref<1x128xi32, #tpu.memory_space<vmem>>
    %dma_start3A_24 = tpu.memref_squeeze %dma_start3A_23 : memref<1x128xi32, #tpu.memory_space<vmem>> -> memref<128xi32, #tpu.memory_space<vmem>>
    %dma_start3A_25 = arith.constant 0 : i32
    %dma_start3A_26 = arith.constant 0 : i32
    %dma_start3A_27 = tpu.memref_slice %arg2[%dma_start3A_25, %dma_start3A_26] : memref<20224x32xf32, #tpu.memory_space<hbm>> -> memref<20224x32xf32, #tpu.memory_space<hbm>>
    tpu.enqueue_indirect_dma source(%dma_start3A_27 : memref<20224x32xf32, #tpu.memory_space<hbm>>) target(%arg12 : memref<128x32xf32, #tpu.memory_space<vmem>>) offsets(%dma_start3A_24 : memref<128xi32, #tpu.memory_space<vmem>>) semaphore(%arg18 : memref<!tpu.dma_semaphore, #tpu.memory_space<semaphore_mem>>)
    %dma_start3A_28 = arith.constant 4 : i32
    %dma_start3A_29 = arith.constant 0 : i32
    %dma_start3A_30 = tpu.memref_slice %arg7[%dma_start3A_28, %dma_start3A_29] : memref<162x128xi32, #tpu.memory_space<vmem>> -> memref<1x128xi32, #tpu.memory_space<vmem>>
    %dma_start3A_31 = tpu.memref_squeeze %dma_start3A_30 : memref<1x128xi32, #tpu.memory_space<vmem>> -> memref<128xi32, #tpu.memory_space<vmem>>
    %dma_start3A_32 = arith.constant 0 : i32
    %dma_start3A_33 = arith.constant 0 : i32
    %dma_start3A_34 = tpu.memref_slice %arg2[%dma_start3A_32, %dma_start3A_33] : memref<20224x32xf32, #tpu.memory_space<hbm>> -> memref<20224x32xf32, #tpu.memory_space<hbm>>
    tpu.enqueue_indirect_dma source(%dma_start3A_34 : memref<20224x32xf32, #tpu.memory_space<hbm>>) target(%arg13 : memref<128x32xf32, #tpu.memory_space<vmem>>) offsets(%dma_start3A_31 : memref<128xi32, #tpu.memory_space<vmem>>) semaphore(%arg19 : memref<!tpu.dma_semaphore, #tpu.memory_space<semaphore_mem>>)
    %dma_wait3A = arith.constant 0 : i32
    %dma_wait3A_35 = arith.constant 0 : i32
    %dma_wait3A_36 = tpu.memref_slice %arg7[%dma_wait3A, %dma_wait3A_35] : memref<162x128xi32, #tpu.memory_space<vmem>> -> memref<1x128xi32, #tpu.memory_space<vmem>>
    %dma_wait3A_37 = tpu.memref_squeeze %dma_wait3A_36 : memref<1x128xi32, #tpu.memory_space<vmem>> -> memref<128xi32, #tpu.memory_space<vmem>>
    %dma_wait3A_38 = arith.constant 0 : i32
    %dma_wait3A_39 = arith.constant 0 : i32
    %dma_wait3A_40 = tpu.memref_slice %arg2[%dma_wait3A_38, %dma_wait3A_39] : memref<20224x32xf32, #tpu.memory_space<hbm>> -> memref<20224x32xf32, #tpu.memory_space<hbm>>
    tpu.wait_indirect_dma semaphore(%arg15 : memref<!tpu.dma_semaphore, #tpu.memory_space<semaphore_mem>>) src(%dma_wait3A_40 : memref<20224x32xf32, #tpu.memory_space<hbm>>) dst(%arg9 : memref<128x32xf32, #tpu.memory_space<vmem>>)
    %dma_start3A_41 = arith.constant 0 : i32
    %dma_start3A_42 = arith.constant 0 : i32
    %dma_start3A_43 = tpu.memref_slice %arg8[%dma_start3A_41, %dma_start3A_42] : memref<162x128xi32, #tpu.memory_space<vmem>> -> memref<1x128xi32, #tpu.memory_space<vmem>>
    %dma_start3A_44 = tpu.memref_squeeze %dma_start3A_43 : memref<1x128xi32, #tpu.memory_space<vmem>> -> memref<128xi32, #tpu.memory_space<vmem>>
    %dma_start3A_45 = arith.constant 0 : i32
    %dma_start3A_46 = arith.constant 0 : i32
    %dma_start3A_47 = tpu.memref_slice %arg27[%dma_start3A_45, %dma_start3A_46] : memref<10112x32xf32, #tpu.memory_space<vmem_shared>> -> memref<10112x32xf32, #tpu.memory_space<vmem_shared>>
    tpu.enqueue_indirect_dma source(%arg9 : memref<128x32xf32, #tpu.memory_space<vmem>>) target(%dma_start3A_47 : memref<10112x32xf32, #tpu.memory_space<vmem_shared>>) offsets(%dma_start3A_44 : memref<128xi32, #tpu.memory_space<vmem>>) semaphore(%arg21 : memref<!tpu.dma_semaphore, #tpu.memory_space<semaphore_mem>>) {add = true}
    %dma_start3A_48 = arith.constant 5 : i32
    %dma_start3A_49 = arith.constant 0 : i32
    %dma_start3A_50 = tpu.memref_slice %arg7[%dma_start3A_48, %dma_start3A_49] : memref<162x128xi32, #tpu.memory_space<vmem>> -> memref<1x128xi32, #tpu.memory_space<vmem>>
    %dma_start3A_51 = tpu.memref_squeeze %dma_start3A_50 : memref<1x128xi32, #tpu.memory_space<vmem>> -> memref<128xi32, #tpu.memory_space<vmem>>
    %dma_start3A_52 = arith.constant 0 : i32
    %dma_start3A_53 = arith.constant 0 : i32
    %dma_start3A_54 = tpu.memref_slice %arg2[%dma_start3A_52, %dma_start3A_53] : memref<20224x32xf32, #tpu.memory_space<hbm>> -> memref<20224x32xf32, #tpu.memory_space<hbm>>
    tpu.enqueue_indirect_dma source(%dma_start3A_54 : memref<20224x32xf32, #tpu.memory_space<hbm>>) target(%arg14 : memref<128x32xf32, #tpu.memory_space<vmem>>) offsets(%dma_start3A_51 : memref<128xi32, #tpu.memory_space<vmem>>) semaphore(%arg20 : memref<!tpu.dma_semaphore, #tpu.memory_space<semaphore_mem>>)
    %dma_wait3A_55 = arith.constant 0 : i32
    %dma_wait3A_56 = arith.constant 0 : i32
    %dma_wait3A_57 = tpu.memref_slice %arg7[%dma_wait3A_55, %dma_wait3A_56] : memref<162x128xi32, #tpu.memory_space<vmem>> -> memref<1x128xi32, #tpu.memory_space<vmem>>
    %dma_wait3A_58 = tpu.memref_squeeze %dma_wait3A_57 : memref<1x128xi32, #tpu.memory_space<vmem>> -> memref<128xi32, #tpu.memory_space<vmem>>
    %dma_wait3A_59 = arith.constant 0 : i32
    %dma_wait3A_60 = arith.constant 0 : i32
    %dma_wait3A_61 = tpu.memref_slice %arg2[%dma_wait3A_59, %dma_wait3A_60] : memref<20224x32xf32, #tpu.memory_space<hbm>> -> memref<20224x32xf32, #tpu.memory_space<hbm>>
    tpu.wait_indirect_dma semaphore(%arg16 : memref<!tpu.dma_semaphore, #tpu.memory_space<semaphore_mem>>) src(%dma_wait3A_61 : memref<20224x32xf32, #tpu.memory_space<hbm>>) dst(%arg10 : memref<128x32xf32, #tpu.memory_space<vmem>>)
    %dma_start3A_62 = arith.constant 1 : i32
    %dma_start3A_63 = arith.constant 0 : i32
    %dma_start3A_64 = tpu.memref_slice %arg8[%dma_start3A_62, %dma_start3A_63] : memref<162x128xi32, #tpu.memory_space<vmem>> -> memref<1x128xi32, #tpu.memory_space<vmem>>
    %dma_start3A_65 = tpu.memref_squeeze %dma_start3A_64 : memref<1x128xi32, #tpu.memory_space<vmem>> -> memref<128xi32, #tpu.memory_space<vmem>>
    %dma_start3A_66 = arith.constant 0 : i32
    %dma_start3A_67 = arith.constant 0 : i32
    %dma_start3A_68 = tpu.memref_slice %arg27[%dma_start3A_66, %dma_start3A_67] : memref<10112x32xf32, #tpu.memory_space<vmem_shared>> -> memref<10112x32xf32, #tpu.memory_space<vmem_shared>>
    tpu.enqueue_indirect_dma source(%arg10 : memref<128x32xf32, #tpu.memory_space<vmem>>) target(%dma_start3A_68 : memref<10112x32xf32, #tpu.memory_space<vmem_shared>>) offsets(%dma_start3A_65 : memref<128xi32, #tpu.memory_space<vmem>>) semaphore(%arg22 : memref<!tpu.dma_semaphore, #tpu.memory_space<semaphore_mem>>) {add = true}
    %dma_wait3A_69 = arith.constant 0 : i32
    %dma_wait3A_70 = arith.constant 0 : i32
    %dma_wait3A_71 = tpu.memref_slice %arg8[%dma_wait3A_69, %dma_wait3A_70] : memref<162x128xi32, #tpu.memory_space<vmem>> -> memref<1x128xi32, #tpu.memory_space<vmem>>
    %dma_wait3A_72 = tpu.memref_squeeze %dma_wait3A_71 : memref<1x128xi32, #tpu.memory_space<vmem>> -> memref<128xi32, #tpu.memory_space<vmem>>
    %dma_wait3A_73 = arith.constant 0 : i32
    %dma_wait3A_74 = arith.constant 0 : i32
    %dma_wait3A_75 = tpu.memref_slice %arg27[%dma_wait3A_73, %dma_wait3A_74] : memref<10112x32xf32, #tpu.memory_space<vmem_shared>> -> memref<10112x32xf32, #tpu.memory_space<vmem_shared>>
    tpu.wait_indirect_dma semaphore(%arg21 : memref<!tpu.dma_semaphore, #tpu.memory_space<semaphore_mem>>) src(%arg9 : memref<128x32xf32, #tpu.memory_space<vmem>>) dst(%dma_wait3A_75 : memref<10112x32xf32, #tpu.memory_space<vmem_shared>>)
    %dma_start3A_76 = arith.constant 6 : i32
    %dma_start3A_77 = arith.constant 0 : i32
    %dma_start3A_78 = tpu.memref_slice %arg7[%dma_start3A_76, %dma_start3A_77] : memref<162x128xi32, #tpu.memory_space<vmem>> -> memref<1x128xi32, #tpu.memory_space<vmem>>
    %dma_start3A_79 = tpu.memref_squeeze %dma_start3A_78 : memref<1x128xi32, #tpu.memory_space<vmem>> -> memref<128xi32, #tpu.memory_space<vmem>>
    %dma_start3A_80 = arith.constant 0 : i32
    %dma_start3A_81 = arith.constant 0 : i32
    %dma_start3A_82 = tpu.memref_slice %arg2[%dma_start3A_80, %dma_start3A_81] : memref<20224x32xf32, #tpu.memory_space<hbm>> -> memref<20224x32xf32, #tpu.memory_space<hbm>>
    tpu.enqueue_indirect_dma source(%dma_start3A_82 : memref<20224x32xf32, #tpu.memory_space<hbm>>) target(%arg9 : memref<128x32xf32, #tpu.memory_space<vmem>>) offsets(%dma_start3A_79 : memref<128xi32, #tpu.memory_space<vmem>>) semaphore(%arg15 : memref<!tpu.dma_semaphore, #tpu.memory_space<semaphore_mem>>)
    %dma_wait3A_83 = arith.constant 0 : i32
    %dma_wait3A_84 = arith.constant 0 : i32
    %dma_wait3A_85 = tpu.memref_slice %arg7[%dma_wait3A_83, %dma_wait3A_84] : memref<162x128xi32, #tpu.memory_space<vmem>> -> memref<1x128xi32, #tpu.memory_space<vmem>>
    %dma_wait3A_86 = tpu.memref_squeeze %dma_wait3A_85 : memref<1x128xi32, #tpu.memory_space<vmem>> -> memref<128xi32, #tpu.memory_space<vmem>>
    %dma_wait3A_87 = arith.constant 0 : i32
    %dma_wait3A_88 = arith.constant 0 : i32
    %dma_wait3A_89 = tpu.memref_slice %arg2[%dma_wait3A_87, %dma_wait3A_88] : memref<20224x32xf32, #tpu.memory_space<hbm>> -> memref<20224x32xf32, #tpu.memory_space<hbm>>
    tpu.wait_indirect_dma semaphore(%arg17 : memref<!tpu.dma_semaphore, #tpu.memory_space<semaphore_mem>>) src(%dma_wait3A_89 : memref<20224x32xf32, #tpu.memory_space<hbm>>) dst(%arg11 : memref<128x32xf32, #tpu.memory_space<vmem>>)
    %dma_start3A_90 = arith.constant 2 : i32
    %dma_start3A_91 = arith.constant 0 : i32
    %dma_start3A_92 = tpu.memref_slice %arg8[%dma_start3A_90, %dma_start3A_91] : memref<162x128xi32, #tpu.memory_space<vmem>> -> memref<1x128xi32, #tpu.memory_space<vmem>>
    %dma_start3A_93 = tpu.memref_squeeze %dma_start3A_92 : memref<1x128xi32, #tpu.memory_space<vmem>> -> memref<128xi32, #tpu.memory_space<vmem>>
    %dma_start3A_94 = arith.constant 0 : i32
    %dma_start3A_95 = arith.constant 0 : i32
    %dma_start3A_96 = tpu.memref_slice %arg27[%dma_start3A_94, %dma_start3A_95] : memref<10112x32xf32, #tpu.memory_space<vmem_shared>> -> memref<10112x32xf32, #tpu.memory_space<vmem_shared>>
    tpu.enqueue_indirect_dma source(%arg11 : memref<128x32xf32, #tpu.memory_space<vmem>>) target(%dma_start3A_96 : memref<10112x32xf32, #tpu.memory_space<vmem_shared>>) offsets(%dma_start3A_93 : memref<128xi32, #tpu.memory_space<vmem>>) semaphore(%arg23 : memref<!tpu.dma_semaphore, #tpu.memory_space<semaphore_mem>>) {add = true}
    %dma_wait3A_97 = arith.constant 0 : i32
    %dma_wait3A_98 = arith.constant 0 : i32
    %dma_wait3A_99 = tpu.memref_slice %arg8[%dma_wait3A_97, %dma_wait3A_98] : memref<162x128xi32, #tpu.memory_space<vmem>> -> memref<1x128xi32, #tpu.memory_space<vmem>>
    %dma_wait3A_100 = tpu.memref_squeeze %dma_wait3A_99 : memref<1x128xi32, #tpu.memory_space<vmem>> -> memref<128xi32, #tpu.memory_space<vmem>>
    %dma_wait3A_101 = arith.constant 0 : i32
    %dma_wait3A_102 = arith.constant 0 : i32
    %dma_wait3A_103 = tpu.memref_slice %arg27[%dma_wait3A_101, %dma_wait3A_102] : memref<10112x32xf32, #tpu.memory_space<vmem_shared>> -> memref<10112x32xf32, #tpu.memory_space<vmem_shared>>
    tpu.wait_indirect_dma semaphore(%arg22 : memref<!tpu.dma_semaphore, #tpu.memory_space<semaphore_mem>>) src(%arg10 : memref<128x32xf32, #tpu.memory_space<vmem>>) dst(%dma_wait3A_103 : memref<10112x32xf32, #tpu.memory_space<vmem_shared>>)
    %dma_start3A_104 = arith.constant 7 : i32
    %dma_start3A_105 = arith.constant 0 : i32
    %dma_start3A_106 = tpu.memref_slice %arg7[%dma_start3A_104, %dma_start3A_105] : memref<162x128xi32, #tpu.memory_space<vmem>> -> memref<1x128xi32, #tpu.memory_space<vmem>>
    %dma_start3A_107 = tpu.memref_squeeze %dma_start3A_106 : memref<1x128xi32, #tpu.memory_space<vmem>> -> memref<128xi32, #tpu.memory_space<vmem>>
    %dma_start3A_108 = arith.constant 0 : i32
    %dma_start3A_109 = arith.constant 0 : i32
    %dma_start3A_110 = tpu.memref_slice %arg2[%dma_start3A_108, %dma_start3A_109] : memref<20224x32xf32, #tpu.memory_space<hbm>> -> memref<20224x32xf32, #tpu.memory_space<hbm>>
    tpu.enqueue_indirect_dma source(%dma_start3A_110 : memref<20224x32xf32, #tpu.memory_space<hbm>>) target(%arg10 : memref<128x32xf32, #tpu.memory_space<vmem>>) offsets(%dma_start3A_107 : memref<128xi32, #tpu.memory_space<vmem>>) semaphore(%arg16 : memref<!tpu.dma_semaphore, #tpu.memory_space<semaphore_mem>>)
    %dma_wait3A_111 = arith.constant 0 : i32
    %dma_wait3A_112 = arith.constant 0 : i32
    %dma_wait3A_113 = tpu.memref_slice %arg7[%dma_wait3A_111, %dma_wait3A_112] : memref<162x128xi32, #tpu.memory_space<vmem>> -> memref<1x128xi32, #tpu.memory_space<vmem>>
    %dma_wait3A_114 = tpu.memref_squeeze %dma_wait3A_113 : memref<1x128xi32, #tpu.memory_space<vmem>> -> memref<128xi32, #tpu.memory_space<vmem>>
    %dma_wait3A_115 = arith.constant 0 : i32
    %dma_wait3A_116 = arith.constant 0 : i32
    %dma_wait3A_117 = tpu.memref_slice %arg2[%dma_wait3A_115, %dma_wait3A_116] : memref<20224x32xf32, #tpu.memory_space<hbm>> -> memref<20224x32xf32, #tpu.memory_space<hbm>>
    tpu.wait_indirect_dma semaphore(%arg18 : memref<!tpu.dma_semaphore, #tpu.memory_space<semaphore_mem>>) src(%dma_wait3A_117 : memref<20224x32xf32, #tpu.memory_space<hbm>>) dst(%arg12 : memref<128x32xf32, #tpu.memory_space<vmem>>)
    %dma_start3A_118 = arith.constant 3 : i32
    %dma_start3A_119 = arith.constant 0 : i32
    %dma_start3A_120 = tpu.memref_slice %arg8[%dma_start3A_118, %dma_start3A_119] : memref<162x128xi32, #tpu.memory_space<vmem>> -> memref<1x128xi32, #tpu.memory_space<vmem>>
    %dma_start3A_121 = tpu.memref_squeeze %dma_start3A_120 : memref<1x128xi32, #tpu.memory_space<vmem>> -> memref<128xi32, #tpu.memory_space<vmem>>
    %dma_start3A_122 = arith.constant 0 : i32
    %dma_start3A_123 = arith.constant 0 : i32
    %dma_start3A_124 = tpu.memref_slice %arg27[%dma_start3A_122, %dma_start3A_123] : memref<10112x32xf32, #tpu.memory_space<vmem_shared>> -> memref<10112x32xf32, #tpu.memory_space<vmem_shared>>
    tpu.enqueue_indirect_dma source(%arg12 : memref<128x32xf32, #tpu.memory_space<vmem>>) target(%dma_start3A_124 : memref<10112x32xf32, #tpu.memory_space<vmem_shared>>) offsets(%dma_start3A_121 : memref<128xi32, #tpu.memory_space<vmem>>) semaphore(%arg24 : memref<!tpu.dma_semaphore, #tpu.memory_space<semaphore_mem>>) {add = true}
    %dma_wait3A_125 = arith.constant 0 : i32
    %dma_wait3A_126 = arith.constant 0 : i32
    %dma_wait3A_127 = tpu.memref_slice %arg8[%dma_wait3A_125, %dma_wait3A_126] : memref<162x128xi32, #tpu.memory_space<vmem>> -> memref<1x128xi32, #tpu.memory_space<vmem>>
    %dma_wait3A_128 = tpu.memref_squeeze %dma_wait3A_127 : memref<1x128xi32, #tpu.memory_space<vmem>> -> memref<128xi32, #tpu.memory_space<vmem>>
    %dma_wait3A_129 = arith.constant 0 : i32
    %dma_wait3A_130 = arith.constant 0 : i32
    %dma_wait3A_131 = tpu.memref_slice %arg27[%dma_wait3A_129, %dma_wait3A_130] : memref<10112x32xf32, #tpu.memory_space<vmem_shared>> -> memref<10112x32xf32, #tpu.memory_space<vmem_shared>>
    tpu.wait_indirect_dma semaphore(%arg23 : memref<!tpu.dma_semaphore, #tpu.memory_space<semaphore_mem>>) src(%arg11 : memref<128x32xf32, #tpu.memory_space<vmem>>) dst(%dma_wait3A_131 : memref<10112x32xf32, #tpu.memory_space<vmem_shared>>)
    %dma_start3A_132 = arith.constant 8 : i32
    %dma_start3A_133 = arith.constant 0 : i32
    %dma_start3A_134 = tpu.memref_slice %arg7[%dma_start3A_132, %dma_start3A_133] : memref<162x128xi32, #tpu.memory_space<vmem>> -> memref<1x128xi32, #tpu.memory_space<vmem>>
    %dma_start3A_135 = tpu.memref_squeeze %dma_start3A_134 : memref<1x128xi32, #tpu.memory_space<vmem>> -> memref<128xi32, #tpu.memory_space<vmem>>
    %dma_start3A_136 = arith.constant 0 : i32
    %dma_start3A_137 = arith.constant 0 : i32
    %dma_start3A_138 = tpu.memref_slice %arg2[%dma_start3A_136, %dma_start3A_137] : memref<20224x32xf32, #tpu.memory_space<hbm>> -> memref<20224x32xf32, #tpu.memory_space<hbm>>
    tpu.enqueue_indirect_dma source(%dma_start3A_138 : memref<20224x32xf32, #tpu.memory_space<hbm>>) target(%arg11 : memref<128x32xf32, #tpu.memory_space<vmem>>) offsets(%dma_start3A_135 : memref<128xi32, #tpu.memory_space<vmem>>) semaphore(%arg17 : memref<!tpu.dma_semaphore, #tpu.memory_space<semaphore_mem>>)
    %dma_wait3A_139 = arith.constant 0 : i32
    %dma_wait3A_140 = arith.constant 0 : i32
    %dma_wait3A_141 = tpu.memref_slice %arg7[%dma_wait3A_139, %dma_wait3A_140] : memref<162x128xi32, #tpu.memory_space<vmem>> -> memref<1x128xi32, #tpu.memory_space<vmem>>
    %dma_wait3A_142 = tpu.memref_squeeze %dma_wait3A_141 : memref<1x128xi32, #tpu.memory_space<vmem>> -> memref<128xi32, #tpu.memory_space<vmem>>
    %dma_wait3A_143 = arith.constant 0 : i32
    %dma_wait3A_144 = arith.constant 0 : i32
    %dma_wait3A_145 = tpu.memref_slice %arg2[%dma_wait3A_143, %dma_wait3A_144] : memref<20224x32xf32, #tpu.memory_space<hbm>> -> memref<20224x32xf32, #tpu.memory_space<hbm>>
    tpu.wait_indirect_dma semaphore(%arg19 : memref<!tpu.dma_semaphore, #tpu.memory_space<semaphore_mem>>) src(%dma_wait3A_145 : memref<20224x32xf32, #tpu.memory_space<hbm>>) dst(%arg13 : memref<128x32xf32, #tpu.memory_space<vmem>>)
    %dma_start3A_146 = arith.constant 4 : i32
    %dma_start3A_147 = arith.constant 0 : i32
    %dma_start3A_148 = tpu.memref_slice %arg8[%dma_start3A_146, %dma_start3A_147] : memref<162x128xi32, #tpu.memory_space<vmem>> -> memref<1x128xi32, #tpu.memory_space<vmem>>
    %dma_start3A_149 = tpu.memref_squeeze %dma_start3A_148 : memref<1x128xi32, #tpu.memory_space<vmem>> -> memref<128xi32, #tpu.memory_space<vmem>>
    %dma_start3A_150 = arith.constant 0 : i32
    %dma_start3A_151 = arith.constant 0 : i32
    %dma_start3A_152 = tpu.memref_slice %arg27[%dma_start3A_150, %dma_start3A_151] : memref<10112x32xf32, #tpu.memory_space<vmem_shared>> -> memref<10112x32xf32, #tpu.memory_space<vmem_shared>>
    tpu.enqueue_indirect_dma source(%arg13 : memref<128x32xf32, #tpu.memory_space<vmem>>) target(%dma_start3A_152 : memref<10112x32xf32, #tpu.memory_space<vmem_shared>>) offsets(%dma_start3A_149 : memref<128xi32, #tpu.memory_space<vmem>>) semaphore(%arg25 : memref<!tpu.dma_semaphore, #tpu.memory_space<semaphore_mem>>) {add = true}
    %dma_wait3A_153 = arith.constant 0 : i32
    %dma_wait3A_154 = arith.constant 0 : i32
    %dma_wait3A_155 = tpu.memref_slice %arg8[%dma_wait3A_153, %dma_wait3A_154] : memref<162x128xi32, #tpu.memory_space<vmem>> -> memref<1x128xi32, #tpu.memory_space<vmem>>
    %dma_wait3A_156 = tpu.memref_squeeze %dma_wait3A_155 : memref<1x128xi32, #tpu.memory_space<vmem>> -> memref<128xi32, #tpu.memory_space<vmem>>
    %dma_wait3A_157 = arith.constant 0 : i32
    %dma_wait3A_158 = arith.constant 0 : i32
    %dma_wait3A_159 = tpu.memref_slice %arg27[%dma_wait3A_157, %dma_wait3A_158] : memref<10112x32xf32, #tpu.memory_space<vmem_shared>> -> memref<10112x32xf32, #tpu.memory_space<vmem_shared>>
    tpu.wait_indirect_dma semaphore(%arg24 : memref<!tpu.dma_semaphore, #tpu.memory_space<semaphore_mem>>) src(%arg12 : memref<128x32xf32, #tpu.memory_space<vmem>>) dst(%dma_wait3A_159 : memref<10112x32xf32, #tpu.memory_space<vmem_shared>>)
    %dma_start3A_160 = arith.constant 9 : i32
    %dma_start3A_161 = arith.constant 0 : i32
    %dma_start3A_162 = tpu.memref_slice %arg7[%dma_start3A_160, %dma_start3A_161] : memref<162x128xi32, #tpu.memory_space<vmem>> -> memref<1x128xi32, #tpu.memory_space<vmem>>
    %dma_start3A_163 = tpu.memref_squeeze %dma_start3A_162 : memref<1x128xi32, #tpu.memory_space<vmem>> -> memref<128xi32, #tpu.memory_space<vmem>>
    %dma_start3A_164 = arith.constant 0 : i32
    %dma_start3A_165 = arith.constant 0 : i32
    %dma_start3A_166 = tpu.memref_slice %arg2[%dma_start3A_164, %dma_start3A_165] : memref<20224x32xf32, #tpu.memory_space<hbm>> -> memref<20224x32xf32, #tpu.memory_space<hbm>>
    tpu.enqueue_indirect_dma source(%dma_start3A_166 : memref<20224x32xf32, #tpu.memory_space<hbm>>) target(%arg12 : memref<128x32xf32, #tpu.memory_space<vmem>>) offsets(%dma_start3A_163 : memref<128xi32, #tpu.memory_space<vmem>>) semaphore(%arg18 : memref<!tpu.dma_semaphore, #tpu.memory_space<semaphore_mem>>)
    %dma_wait3A_167 = arith.constant 0 : i32
    %dma_wait3A_168 = arith.constant 0 : i32
    %dma_wait3A_169 = tpu.memref_slice %arg7[%dma_wait3A_167, %dma_wait3A_168] : memref<162x128xi32, #tpu.memory_space<vmem>> -> memref<1x128xi32, #tpu.memory_space<vmem>>
    %dma_wait3A_170 = tpu.memref_squeeze %dma_wait3A_169 : memref<1x128xi32, #tpu.memory_space<vmem>> -> memref<128xi32, #tpu.memory_space<vmem>>
    %dma_wait3A_171 = arith.constant 0 : i32
    %dma_wait3A_172 = arith.constant 0 : i32
    %dma_wait3A_173 = tpu.memref_slice %arg2[%dma_wait3A_171, %dma_wait3A_172] : memref<20224x32xf32, #tpu.memory_space<hbm>> -> memref<20224x32xf32, #tpu.memory_space<hbm>>
    tpu.wait_indirect_dma semaphore(%arg20 : memref<!tpu.dma_semaphore, #tpu.memory_space<semaphore_mem>>) src(%dma_wait3A_173 : memref<20224x32xf32, #tpu.memory_space<hbm>>) dst(%arg14 : memref<128x32xf32, #tpu.memory_space<vmem>>)
    %dma_start3A_174 = arith.constant 5 : i32
    %dma_start3A_175 = arith.constant 0 : i32
    %dma_start3A_176 = tpu.memref_slice %arg8[%dma_start3A_174, %dma_start3A_175] : memref<162x128xi32, #tpu.memory_space<vmem>> -> memref<1x128xi32, #tpu.memory_space<vmem>>
    %dma_start3A_177 = tpu.memref_squeeze %dma_start3A_176 : memref<1x128xi32, #tpu.memory_space<vmem>> -> memref<128xi32, #tpu.memory_space<vmem>>
    %dma_start3A_178 = arith.constant 0 : i32
    %dma_start3A_179 = arith.constant 0 : i32
    %dma_start3A_180 = tpu.memref_slice %arg27[%dma_start3A_178, %dma_start3A_179] : memref<10112x32xf32, #tpu.memory_space<vmem_shared>> -> memref<10112x32xf32, #tpu.memory_space<vmem_shared>>
    tpu.enqueue_indirect_dma source(%arg14 : memref<128x32xf32, #tpu.memory_space<vmem>>) target(%dma_start3A_180 : memref<10112x32xf32, #tpu.memory_space<vmem_shared>>) offsets(%dma_start3A_177 : memref<128xi32, #tpu.memory_space<vmem>>) semaphore(%arg26 : memref<!tpu.dma_semaphore, #tpu.memory_space<semaphore_mem>>) {add = true}
    %dma_wait3A_181 = arith.constant 0 : i32
    %dma_wait3A_182 = arith.constant 0 : i32
    %dma_wait3A_183 = tpu.memref_slice %arg8[%dma_wait3A_181, %dma_wait3A_182] : memref<162x128xi32, #tpu.memory_space<vmem>> -> memref<1x128xi32, #tpu.memory_space<vmem>>
    %dma_wait3A_184 = tpu.memref_squeeze %dma_wait3A_183 : memref<1x128xi32, #tpu.memory_space<vmem>> -> memref<128xi32, #tpu.memory_space<vmem>>
    %dma_wait3A_185 = arith.constant 0 : i32
    %dma_wait3A_186 = arith.constant 0 : i32
    %dma_wait3A_187 = tpu.memref_slice %arg27[%dma_wait3A_185, %dma_wait3A_186] : memref<10112x32xf32, #tpu.memory_space<vmem_shared>> -> memref<10112x32xf32, #tpu.memory_space<vmem_shared>>
    tpu.wait_indirect_dma semaphore(%arg25 : memref<!tpu.dma_semaphore, #tpu.memory_space<semaphore_mem>>) src(%arg13 : memref<128x32xf32, #tpu.memory_space<vmem>>) dst(%dma_wait3A_187 : memref<10112x32xf32, #tpu.memory_space<vmem_shared>>)
    %dma_start3A_188 = arith.constant 10 : i32
    %dma_start3A_189 = arith.constant 0 : i32
    %dma_start3A_190 = tpu.memref_slice %arg7[%dma_start3A_188, %dma_start3A_189] : memref<162x128xi32, #tpu.memory_space<vmem>> -> memref<1x128xi32, #tpu.memory_space<vmem>>
    %dma_start3A_191 = tpu.memref_squeeze %dma_start3A_190 : memref<1x128xi32, #tpu.memory_space<vmem>> -> memref<128xi32, #tpu.memory_space<vmem>>
    %dma_start3A_192 = arith.constant 0 : i32
    %dma_start3A_193 = arith.constant 0 : i32
    %dma_start3A_194 = tpu.memref_slice %arg2[%dma_start3A_192, %dma_start3A_193] : memref<20224x32xf32, #tpu.memory_space<hbm>> -> memref<20224x32xf32, #tpu.memory_space<hbm>>
    tpu.enqueue_indirect_dma source(%dma_start3A_194 : memref<20224x32xf32, #tpu.memory_space<hbm>>) target(%arg13 : memref<128x32xf32, #tpu.memory_space<vmem>>) offsets(%dma_start3A_191 : memref<128xi32, #tpu.memory_space<vmem>>) semaphore(%arg19 : memref<!tpu.dma_semaphore, #tpu.memory_space<semaphore_mem>>)
    %scan3A = arith.constant 0 : i32
    %scan3A_195 = arith.constant 1 : i32
    %scan3A_196 = arith.constant 25 : i32
    %scan3A_197 = arith.addi %scan3A_195, %scan3A_196 : i32
    %scan3A_198 = arith.constant 1 : i32
    scf.for %scan3A_343 = %scan3A_195 to %scan3A_197 step %scan3A_198  : i32 {
      %mul3A_344 = arith.constant 6 : i32
      %mul3A_345 = arith.muli %scan3A_343, %mul3A_344 : i32
      %add3A = arith.constant 0 : i32
      %add3A_346 = arith.addi %mul3A_345, %add3A : i32
      %dma_wait3A_347 = arith.constant 0 : i32
      %dma_wait3A_348 = arith.constant 0 : i32
      %dma_wait3A_349 = tpu.memref_slice %arg7[%dma_wait3A_347, %dma_wait3A_348] : memref<162x128xi32, #tpu.memory_space<vmem>> -> memref<1x128xi32, #tpu.memory_space<vmem>>
      %dma_wait3A_350 = tpu.memref_squeeze %dma_wait3A_349 : memref<1x128xi32, #tpu.memory_space<vmem>> -> memref<128xi32, #tpu.memory_space<vmem>>
      %dma_wait3A_351 = arith.constant 0 : i32
      %dma_wait3A_352 = arith.constant 0 : i32
      %dma_wait3A_353 = tpu.memref_slice %arg2[%dma_wait3A_351, %dma_wait3A_352] : memref<20224x32xf32, #tpu.memory_space<hbm>> -> memref<20224x32xf32, #tpu.memory_space<hbm>>
      tpu.wait_indirect_dma semaphore(%arg15 : memref<!tpu.dma_semaphore, #tpu.memory_space<semaphore_mem>>) src(%dma_wait3A_353 : memref<20224x32xf32, #tpu.memory_space<hbm>>) dst(%arg9 : memref<128x32xf32, #tpu.memory_space<vmem>>)
      %dma_start3A_354 = arith.constant 0 : i32
      %dma_start3A_355 = tpu.memref_slice %arg8[%add3A_346, %dma_start3A_354] : memref<162x128xi32, #tpu.memory_space<vmem>> -> memref<1x128xi32, #tpu.memory_space<vmem>>
      %dma_start3A_356 = tpu.memref_squeeze %dma_start3A_355 : memref<1x128xi32, #tpu.memory_space<vmem>> -> memref<128xi32, #tpu.memory_space<vmem>>
      %dma_start3A_357 = arith.constant 0 : i32
      %dma_start3A_358 = arith.constant 0 : i32
      %dma_start3A_359 = tpu.memref_slice %arg27[%dma_start3A_357, %dma_start3A_358] : memref<10112x32xf32, #tpu.memory_space<vmem_shared>> -> memref<10112x32xf32, #tpu.memory_space<vmem_shared>>
      tpu.enqueue_indirect_dma source(%arg9 : memref<128x32xf32, #tpu.memory_space<vmem>>) target(%dma_start3A_359 : memref<10112x32xf32, #tpu.memory_space<vmem_shared>>) offsets(%dma_start3A_356 : memref<128xi32, #tpu.memory_space<vmem>>) semaphore(%arg21 : memref<!tpu.dma_semaphore, #tpu.memory_space<semaphore_mem>>) {add = true}
      %dma_wait3A_360 = arith.constant 0 : i32
      %dma_wait3A_361 = arith.constant 0 : i32
      %dma_wait3A_362 = tpu.memref_slice %arg8[%dma_wait3A_360, %dma_wait3A_361] : memref<162x128xi32, #tpu.memory_space<vmem>> -> memref<1x128xi32, #tpu.memory_space<vmem>>
      %dma_wait3A_363 = tpu.memref_squeeze %dma_wait3A_362 : memref<1x128xi32, #tpu.memory_space<vmem>> -> memref<128xi32, #tpu.memory_space<vmem>>
      %dma_wait3A_364 = arith.constant 0 : i32
      %dma_wait3A_365 = arith.constant 0 : i32
      %dma_wait3A_366 = tpu.memref_slice %arg27[%dma_wait3A_364, %dma_wait3A_365] : memref<10112x32xf32, #tpu.memory_space<vmem_shared>> -> memref<10112x32xf32, #tpu.memory_space<vmem_shared>>
      tpu.wait_indirect_dma semaphore(%arg26 : memref<!tpu.dma_semaphore, #tpu.memory_space<semaphore_mem>>) src(%arg14 : memref<128x32xf32, #tpu.memory_space<vmem>>) dst(%dma_wait3A_366 : memref<10112x32xf32, #tpu.memory_space<vmem_shared>>)
      %add3A_367 = arith.constant 5 : i32
      %add3A_368 = arith.addi %add3A_346, %add3A_367 : i32
      %dma_start3A_369 = arith.constant 0 : i32
      %dma_start3A_370 = tpu.memref_slice %arg7[%add3A_368, %dma_start3A_369] : memref<162x128xi32, #tpu.memory_space<vmem>> -> memref<1x128xi32, #tpu.memory_space<vmem>>
      %dma_start3A_371 = tpu.memref_squeeze %dma_start3A_370 : memref<1x128xi32, #tpu.memory_space<vmem>> -> memref<128xi32, #tpu.memory_space<vmem>>
      %dma_start3A_372 = arith.constant 0 : i32
      %dma_start3A_373 = arith.constant 0 : i32
      %dma_start3A_374 = tpu.memref_slice %arg2[%dma_start3A_372, %dma_start3A_373] : memref<20224x32xf32, #tpu.memory_space<hbm>> -> memref<20224x32xf32, #tpu.memory_space<hbm>>
      tpu.enqueue_indirect_dma source(%dma_start3A_374 : memref<20224x32xf32, #tpu.memory_space<hbm>>) target(%arg14 : memref<128x32xf32, #tpu.memory_space<vmem>>) offsets(%dma_start3A_371 : memref<128xi32, #tpu.memory_space<vmem>>) semaphore(%arg20 : memref<!tpu.dma_semaphore, #tpu.memory_space<semaphore_mem>>)
      %add3A_375 = arith.constant 1 : i32
      %add3A_376 = arith.addi %mul3A_345, %add3A_375 : i32
      %dma_wait3A_377 = arith.constant 0 : i32
      %dma_wait3A_378 = arith.constant 0 : i32
      %dma_wait3A_379 = tpu.memref_slice %arg7[%dma_wait3A_377, %dma_wait3A_378] : memref<162x128xi32, #tpu.memory_space<vmem>> -> memref<1x128xi32, #tpu.memory_space<vmem>>
      %dma_wait3A_380 = tpu.memref_squeeze %dma_wait3A_379 : memref<1x128xi32, #tpu.memory_space<vmem>> -> memref<128xi32, #tpu.memory_space<vmem>>
      %dma_wait3A_381 = arith.constant 0 : i32
      %dma_wait3A_382 = arith.constant 0 : i32
      %dma_wait3A_383 = tpu.memref_slice %arg2[%dma_wait3A_381, %dma_wait3A_382] : memref<20224x32xf32, #tpu.memory_space<hbm>> -> memref<20224x32xf32, #tpu.memory_space<hbm>>
      tpu.wait_indirect_dma semaphore(%arg16 : memref<!tpu.dma_semaphore, #tpu.memory_space<semaphore_mem>>) src(%dma_wait3A_383 : memref<20224x32xf32, #tpu.memory_space<hbm>>) dst(%arg10 : memref<128x32xf32, #tpu.memory_space<vmem>>)
      %dma_start3A_384 = arith.constant 0 : i32
      %dma_start3A_385 = tpu.memref_slice %arg8[%add3A_376, %dma_start3A_384] : memref<162x128xi32, #tpu.memory_space<vmem>> -> memref<1x128xi32, #tpu.memory_space<vmem>>
      %dma_start3A_386 = tpu.memref_squeeze %dma_start3A_385 : memref<1x128xi32, #tpu.memory_space<vmem>> -> memref<128xi32, #tpu.memory_space<vmem>>
      %dma_start3A_387 = arith.constant 0 : i32
      %dma_start3A_388 = arith.constant 0 : i32
      %dma_start3A_389 = tpu.memref_slice %arg27[%dma_start3A_387, %dma_start3A_388] : memref<10112x32xf32, #tpu.memory_space<vmem_shared>> -> memref<10112x32xf32, #tpu.memory_space<vmem_shared>>
      tpu.enqueue_indirect_dma source(%arg10 : memref<128x32xf32, #tpu.memory_space<vmem>>) target(%dma_start3A_389 : memref<10112x32xf32, #tpu.memory_space<vmem_shared>>) offsets(%dma_start3A_386 : memref<128xi32, #tpu.memory_space<vmem>>) semaphore(%arg22 : memref<!tpu.dma_semaphore, #tpu.memory_space<semaphore_mem>>) {add = true}
      %dma_wait3A_390 = arith.constant 0 : i32
      %dma_wait3A_391 = arith.constant 0 : i32
      %dma_wait3A_392 = tpu.memref_slice %arg8[%dma_wait3A_390, %dma_wait3A_391] : memref<162x128xi32, #tpu.memory_space<vmem>> -> memref<1x128xi32, #tpu.memory_space<vmem>>
      %dma_wait3A_393 = tpu.memref_squeeze %dma_wait3A_392 : memref<1x128xi32, #tpu.memory_space<vmem>> -> memref<128xi32, #tpu.memory_space<vmem>>
      %dma_wait3A_394 = arith.constant 0 : i32
      %dma_wait3A_395 = arith.constant 0 : i32
      %dma_wait3A_396 = tpu.memref_slice %arg27[%dma_wait3A_394, %dma_wait3A_395] : memref<10112x32xf32, #tpu.memory_space<vmem_shared>> -> memref<10112x32xf32, #tpu.memory_space<vmem_shared>>
      tpu.wait_indirect_dma semaphore(%arg21 : memref<!tpu.dma_semaphore, #tpu.memory_space<semaphore_mem>>) src(%arg9 : memref<128x32xf32, #tpu.memory_space<vmem>>) dst(%dma_wait3A_396 : memref<10112x32xf32, #tpu.memory_space<vmem_shared>>)
      %add3A_397 = arith.constant 5 : i32
      %add3A_398 = arith.addi %add3A_376, %add3A_397 : i32
      %dma_start3A_399 = arith.constant 0 : i32
      %dma_start3A_400 = tpu.memref_slice %arg7[%add3A_398, %dma_start3A_399] : memref<162x128xi32, #tpu.memory_space<vmem>> -> memref<1x128xi32, #tpu.memory_space<vmem>>
      %dma_start3A_401 = tpu.memref_squeeze %dma_start3A_400 : memref<1x128xi32, #tpu.memory_space<vmem>> -> memref<128xi32, #tpu.memory_space<vmem>>
      %dma_start3A_402 = arith.constant 0 : i32
      %dma_start3A_403 = arith.constant 0 : i32
      %dma_start3A_404 = tpu.memref_slice %arg2[%dma_start3A_402, %dma_start3A_403] : memref<20224x32xf32, #tpu.memory_space<hbm>> -> memref<20224x32xf32, #tpu.memory_space<hbm>>
      tpu.enqueue_indirect_dma source(%dma_start3A_404 : memref<20224x32xf32, #tpu.memory_space<hbm>>) target(%arg9 : memref<128x32xf32, #tpu.memory_space<vmem>>) offsets(%dma_start3A_401 : memref<128xi32, #tpu.memory_space<vmem>>) semaphore(%arg15 : memref<!tpu.dma_semaphore, #tpu.memory_space<semaphore_mem>>)
      %add3A_405 = arith.constant 2 : i32
      %add3A_406 = arith.addi %mul3A_345, %add3A_405 : i32
      %dma_wait3A_407 = arith.constant 0 : i32
      %dma_wait3A_408 = arith.constant 0 : i32
      %dma_wait3A_409 = tpu.memref_slice %arg7[%dma_wait3A_407, %dma_wait3A_408] : memref<162x128xi32, #tpu.memory_space<vmem>> -> memref<1x128xi32, #tpu.memory_space<vmem>>
      %dma_wait3A_410 = tpu.memref_squeeze %dma_wait3A_409 : memref<1x128xi32, #tpu.memory_space<vmem>> -> memref<128xi32, #tpu.memory_space<vmem>>
      %dma_wait3A_411 = arith.constant 0 : i32
      %dma_wait3A_412 = arith.constant 0 : i32
      %dma_wait3A_413 = tpu.memref_slice %arg2[%dma_wait3A_411, %dma_wait3A_412] : memref<20224x32xf32, #tpu.memory_space<hbm>> -> memref<20224x32xf32, #tpu.memory_space<hbm>>
      tpu.wait_indirect_dma semaphore(%arg17 : memref<!tpu.dma_semaphore, #tpu.memory_space<semaphore_mem>>) src(%dma_wait3A_413 : memref<20224x32xf32, #tpu.memory_space<hbm>>) dst(%arg11 : memref<128x32xf32, #tpu.memory_space<vmem>>)
      %dma_start3A_414 = arith.constant 0 : i32
      %dma_start3A_415 = tpu.memref_slice %arg8[%add3A_406, %dma_start3A_414] : memref<162x128xi32, #tpu.memory_space<vmem>> -> memref<1x128xi32, #tpu.memory_space<vmem>>
      %dma_start3A_416 = tpu.memref_squeeze %dma_start3A_415 : memref<1x128xi32, #tpu.memory_space<vmem>> -> memref<128xi32, #tpu.memory_space<vmem>>
      %dma_start3A_417 = arith.constant 0 : i32
      %dma_start3A_418 = arith.constant 0 : i32
      %dma_start3A_419 = tpu.memref_slice %arg27[%dma_start3A_417, %dma_start3A_418] : memref<10112x32xf32, #tpu.memory_space<vmem_shared>> -> memref<10112x32xf32, #tpu.memory_space<vmem_shared>>
      tpu.enqueue_indirect_dma source(%arg11 : memref<128x32xf32, #tpu.memory_space<vmem>>) target(%dma_start3A_419 : memref<10112x32xf32, #tpu.memory_space<vmem_shared>>) offsets(%dma_start3A_416 : memref<128xi32, #tpu.memory_space<vmem>>) semaphore(%arg23 : memref<!tpu.dma_semaphore, #tpu.memory_space<semaphore_mem>>) {add = true}
      %dma_wait3A_420 = arith.constant 0 : i32
      %dma_wait3A_421 = arith.constant 0 : i32
      %dma_wait3A_422 = tpu.memref_slice %arg8[%dma_wait3A_420, %dma_wait3A_421] : memref<162x128xi32, #tpu.memory_space<vmem>> -> memref<1x128xi32, #tpu.memory_space<vmem>>
      %dma_wait3A_423 = tpu.memref_squeeze %dma_wait3A_422 : memref<1x128xi32, #tpu.memory_space<vmem>> -> memref<128xi32, #tpu.memory_space<vmem>>
      %dma_wait3A_424 = arith.constant 0 : i32
      %dma_wait3A_425 = arith.constant 0 : i32
      %dma_wait3A_426 = tpu.memref_slice %arg27[%dma_wait3A_424, %dma_wait3A_425] : memref<10112x32xf32, #tpu.memory_space<vmem_shared>> -> memref<10112x32xf32, #tpu.memory_space<vmem_shared>>
      tpu.wait_indirect_dma semaphore(%arg22 : memref<!tpu.dma_semaphore, #tpu.memory_space<semaphore_mem>>) src(%arg10 : memref<128x32xf32, #tpu.memory_space<vmem>>) dst(%dma_wait3A_426 : memref<10112x32xf32, #tpu.memory_space<vmem_shared>>)
      %add3A_427 = arith.constant 5 : i32
      %add3A_428 = arith.addi %add3A_406, %add3A_427 : i32
      %dma_start3A_429 = arith.constant 0 : i32
      %dma_start3A_430 = tpu.memref_slice %arg7[%add3A_428, %dma_start3A_429] : memref<162x128xi32, #tpu.memory_space<vmem>> -> memref<1x128xi32, #tpu.memory_space<vmem>>
      %dma_start3A_431 = tpu.memref_squeeze %dma_start3A_430 : memref<1x128xi32, #tpu.memory_space<vmem>> -> memref<128xi32, #tpu.memory_space<vmem>>
      %dma_start3A_432 = arith.constant 0 : i32
      %dma_start3A_433 = arith.constant 0 : i32
      %dma_start3A_434 = tpu.memref_slice %arg2[%dma_start3A_432, %dma_start3A_433] : memref<20224x32xf32, #tpu.memory_space<hbm>> -> memref<20224x32xf32, #tpu.memory_space<hbm>>
      tpu.enqueue_indirect_dma source(%dma_start3A_434 : memref<20224x32xf32, #tpu.memory_space<hbm>>) target(%arg10 : memref<128x32xf32, #tpu.memory_space<vmem>>) offsets(%dma_start3A_431 : memref<128xi32, #tpu.memory_space<vmem>>) semaphore(%arg16 : memref<!tpu.dma_semaphore, #tpu.memory_space<semaphore_mem>>)
      %add3A_435 = arith.constant 3 : i32
      %add3A_436 = arith.addi %mul3A_345, %add3A_435 : i32
      %dma_wait3A_437 = arith.constant 0 : i32
      %dma_wait3A_438 = arith.constant 0 : i32
      %dma_wait3A_439 = tpu.memref_slice %arg7[%dma_wait3A_437, %dma_wait3A_438] : memref<162x128xi32, #tpu.memory_space<vmem>> -> memref<1x128xi32, #tpu.memory_space<vmem>>
      %dma_wait3A_440 = tpu.memref_squeeze %dma_wait3A_439 : memref<1x128xi32, #tpu.memory_space<vmem>> -> memref<128xi32, #tpu.memory_space<vmem>>
      %dma_wait3A_441 = arith.constant 0 : i32
      %dma_wait3A_442 = arith.constant 0 : i32
      %dma_wait3A_443 = tpu.memref_slice %arg2[%dma_wait3A_441, %dma_wait3A_442] : memref<20224x32xf32, #tpu.memory_space<hbm>> -> memref<20224x32xf32, #tpu.memory_space<hbm>>
      tpu.wait_indirect_dma semaphore(%arg18 : memref<!tpu.dma_semaphore, #tpu.memory_space<semaphore_mem>>) src(%dma_wait3A_443 : memref<20224x32xf32, #tpu.memory_space<hbm>>) dst(%arg12 : memref<128x32xf32, #tpu.memory_space<vmem>>)
      %dma_start3A_444 = arith.constant 0 : i32
      %dma_start3A_445 = tpu.memref_slice %arg8[%add3A_436, %dma_start3A_444] : memref<162x128xi32, #tpu.memory_space<vmem>> -> memref<1x128xi32, #tpu.memory_space<vmem>>
      %dma_start3A_446 = tpu.memref_squeeze %dma_start3A_445 : memref<1x128xi32, #tpu.memory_space<vmem>> -> memref<128xi32, #tpu.memory_space<vmem>>
      %dma_start3A_447 = arith.constant 0 : i32
      %dma_start3A_448 = arith.constant 0 : i32
      %dma_start3A_449 = tpu.memref_slice %arg27[%dma_start3A_447, %dma_start3A_448] : memref<10112x32xf32, #tpu.memory_space<vmem_shared>> -> memref<10112x32xf32, #tpu.memory_space<vmem_shared>>
      tpu.enqueue_indirect_dma source(%arg12 : memref<128x32xf32, #tpu.memory_space<vmem>>) target(%dma_start3A_449 : memref<10112x32xf32, #tpu.memory_space<vmem_shared>>) offsets(%dma_start3A_446 : memref<128xi32, #tpu.memory_space<vmem>>) semaphore(%arg24 : memref<!tpu.dma_semaphore, #tpu.memory_space<semaphore_mem>>) {add = true}
      %dma_wait3A_450 = arith.constant 0 : i32
      %dma_wait3A_451 = arith.constant 0 : i32
      %dma_wait3A_452 = tpu.memref_slice %arg8[%dma_wait3A_450, %dma_wait3A_451] : memref<162x128xi32, #tpu.memory_space<vmem>> -> memref<1x128xi32, #tpu.memory_space<vmem>>
      %dma_wait3A_453 = tpu.memref_squeeze %dma_wait3A_452 : memref<1x128xi32, #tpu.memory_space<vmem>> -> memref<128xi32, #tpu.memory_space<vmem>>
      %dma_wait3A_454 = arith.constant 0 : i32
      %dma_wait3A_455 = arith.constant 0 : i32
      %dma_wait3A_456 = tpu.memref_slice %arg27[%dma_wait3A_454, %dma_wait3A_455] : memref<10112x32xf32, #tpu.memory_space<vmem_shared>> -> memref<10112x32xf32, #tpu.memory_space<vmem_shared>>
      tpu.wait_indirect_dma semaphore(%arg23 : memref<!tpu.dma_semaphore, #tpu.memory_space<semaphore_mem>>) src(%arg11 : memref<128x32xf32, #tpu.memory_space<vmem>>) dst(%dma_wait3A_456 : memref<10112x32xf32, #tpu.memory_space<vmem_shared>>)
      %add3A_457 = arith.constant 5 : i32
      %add3A_458 = arith.addi %add3A_436, %add3A_457 : i32
      %dma_start3A_459 = arith.constant 0 : i32
      %dma_start3A_460 = tpu.memref_slice %arg7[%add3A_458, %dma_start3A_459] : memref<162x128xi32, #tpu.memory_space<vmem>> -> memref<1x128xi32, #tpu.memory_space<vmem>>
      %dma_start3A_461 = tpu.memref_squeeze %dma_start3A_460 : memref<1x128xi32, #tpu.memory_space<vmem>> -> memref<128xi32, #tpu.memory_space<vmem>>
      %dma_start3A_462 = arith.constant 0 : i32
      %dma_start3A_463 = arith.constant 0 : i32
      %dma_start3A_464 = tpu.memref_slice %arg2[%dma_start3A_462, %dma_start3A_463] : memref<20224x32xf32, #tpu.memory_space<hbm>> -> memref<20224x32xf32, #tpu.memory_space<hbm>>
      tpu.enqueue_indirect_dma source(%dma_start3A_464 : memref<20224x32xf32, #tpu.memory_space<hbm>>) target(%arg11 : memref<128x32xf32, #tpu.memory_space<vmem>>) offsets(%dma_start3A_461 : memref<128xi32, #tpu.memory_space<vmem>>) semaphore(%arg17 : memref<!tpu.dma_semaphore, #tpu.memory_space<semaphore_mem>>)
      %add3A_465 = arith.constant 4 : i32
      %add3A_466 = arith.addi %mul3A_345, %add3A_465 : i32
      %dma_wait3A_467 = arith.constant 0 : i32
      %dma_wait3A_468 = arith.constant 0 : i32
      %dma_wait3A_469 = tpu.memref_slice %arg7[%dma_wait3A_467, %dma_wait3A_468] : memref<162x128xi32, #tpu.memory_space<vmem>> -> memref<1x128xi32, #tpu.memory_space<vmem>>
      %dma_wait3A_470 = tpu.memref_squeeze %dma_wait3A_469 : memref<1x128xi32, #tpu.memory_space<vmem>> -> memref<128xi32, #tpu.memory_space<vmem>>
      %dma_wait3A_471 = arith.constant 0 : i32
      %dma_wait3A_472 = arith.constant 0 : i32
      %dma_wait3A_473 = tpu.memref_slice %arg2[%dma_wait3A_471, %dma_wait3A_472] : memref<20224x32xf32, #tpu.memory_space<hbm>> -> memref<20224x32xf32, #tpu.memory_space<hbm>>
      tpu.wait_indirect_dma semaphore(%arg19 : memref<!tpu.dma_semaphore, #tpu.memory_space<semaphore_mem>>) src(%dma_wait3A_473 : memref<20224x32xf32, #tpu.memory_space<hbm>>) dst(%arg13 : memref<128x32xf32, #tpu.memory_space<vmem>>)
      %dma_start3A_474 = arith.constant 0 : i32
      %dma_start3A_475 = tpu.memref_slice %arg8[%add3A_466, %dma_start3A_474] : memref<162x128xi32, #tpu.memory_space<vmem>> -> memref<1x128xi32, #tpu.memory_space<vmem>>
      %dma_start3A_476 = tpu.memref_squeeze %dma_start3A_475 : memref<1x128xi32, #tpu.memory_space<vmem>> -> memref<128xi32, #tpu.memory_space<vmem>>
      %dma_start3A_477 = arith.constant 0 : i32
      %dma_start3A_478 = arith.constant 0 : i32
      %dma_start3A_479 = tpu.memref_slice %arg27[%dma_start3A_477, %dma_start3A_478] : memref<10112x32xf32, #tpu.memory_space<vmem_shared>> -> memref<10112x32xf32, #tpu.memory_space<vmem_shared>>
      tpu.enqueue_indirect_dma source(%arg13 : memref<128x32xf32, #tpu.memory_space<vmem>>) target(%dma_start3A_479 : memref<10112x32xf32, #tpu.memory_space<vmem_shared>>) offsets(%dma_start3A_476 : memref<128xi32, #tpu.memory_space<vmem>>) semaphore(%arg25 : memref<!tpu.dma_semaphore, #tpu.memory_space<semaphore_mem>>) {add = true}
      %dma_wait3A_480 = arith.constant 0 : i32
      %dma_wait3A_481 = arith.constant 0 : i32
      %dma_wait3A_482 = tpu.memref_slice %arg8[%dma_wait3A_480, %dma_wait3A_481] : memref<162x128xi32, #tpu.memory_space<vmem>> -> memref<1x128xi32, #tpu.memory_space<vmem>>
      %dma_wait3A_483 = tpu.memref_squeeze %dma_wait3A_482 : memref<1x128xi32, #tpu.memory_space<vmem>> -> memref<128xi32, #tpu.memory_space<vmem>>
      %dma_wait3A_484 = arith.constant 0 : i32
      %dma_wait3A_485 = arith.constant 0 : i32
      %dma_wait3A_486 = tpu.memref_slice %arg27[%dma_wait3A_484, %dma_wait3A_485] : memref<10112x32xf32, #tpu.memory_space<vmem_shared>> -> memref<10112x32xf32, #tpu.memory_space<vmem_shared>>
      tpu.wait_indirect_dma semaphore(%arg24 : memref<!tpu.dma_semaphore, #tpu.memory_space<semaphore_mem>>) src(%arg12 : memref<128x32xf32, #tpu.memory_space<vmem>>) dst(%dma_wait3A_486 : memref<10112x32xf32, #tpu.memory_space<vmem_shared>>)
      %add3A_487 = arith.constant 5 : i32
      %add3A_488 = arith.addi %add3A_466, %add3A_487 : i32
      %dma_start3A_489 = arith.constant 0 : i32
      %dma_start3A_490 = tpu.memref_slice %arg7[%add3A_488, %dma_start3A_489] : memref<162x128xi32, #tpu.memory_space<vmem>> -> memref<1x128xi32, #tpu.memory_space<vmem>>
      %dma_start3A_491 = tpu.memref_squeeze %dma_start3A_490 : memref<1x128xi32, #tpu.memory_space<vmem>> -> memref<128xi32, #tpu.memory_space<vmem>>
      %dma_start3A_492 = arith.constant 0 : i32
      %dma_start3A_493 = arith.constant 0 : i32
      %dma_start3A_494 = tpu.memref_slice %arg2[%dma_start3A_492, %dma_start3A_493] : memref<20224x32xf32, #tpu.memory_space<hbm>> -> memref<20224x32xf32, #tpu.memory_space<hbm>>
      tpu.enqueue_indirect_dma source(%dma_start3A_494 : memref<20224x32xf32, #tpu.memory_space<hbm>>) target(%arg12 : memref<128x32xf32, #tpu.memory_space<vmem>>) offsets(%dma_start3A_491 : memref<128xi32, #tpu.memory_space<vmem>>) semaphore(%arg18 : memref<!tpu.dma_semaphore, #tpu.memory_space<semaphore_mem>>)
      %add3A_495 = arith.constant 5 : i32
      %add3A_496 = arith.addi %mul3A_345, %add3A_495 : i32
      %dma_wait3A_497 = arith.constant 0 : i32
      %dma_wait3A_498 = arith.constant 0 : i32
      %dma_wait3A_499 = tpu.memref_slice %arg7[%dma_wait3A_497, %dma_wait3A_498] : memref<162x128xi32, #tpu.memory_space<vmem>> -> memref<1x128xi32, #tpu.memory_space<vmem>>
      %dma_wait3A_500 = tpu.memref_squeeze %dma_wait3A_499 : memref<1x128xi32, #tpu.memory_space<vmem>> -> memref<128xi32, #tpu.memory_space<vmem>>
      %dma_wait3A_501 = arith.constant 0 : i32
      %dma_wait3A_502 = arith.constant 0 : i32
      %dma_wait3A_503 = tpu.memref_slice %arg2[%dma_wait3A_501, %dma_wait3A_502] : memref<20224x32xf32, #tpu.memory_space<hbm>> -> memref<20224x32xf32, #tpu.memory_space<hbm>>
      tpu.wait_indirect_dma semaphore(%arg20 : memref<!tpu.dma_semaphore, #tpu.memory_space<semaphore_mem>>) src(%dma_wait3A_503 : memref<20224x32xf32, #tpu.memory_space<hbm>>) dst(%arg14 : memref<128x32xf32, #tpu.memory_space<vmem>>)
      %dma_start3A_504 = arith.constant 0 : i32
      %dma_start3A_505 = tpu.memref_slice %arg8[%add3A_496, %dma_start3A_504] : memref<162x128xi32, #tpu.memory_space<vmem>> -> memref<1x128xi32, #tpu.memory_space<vmem>>
      %dma_start3A_506 = tpu.memref_squeeze %dma_start3A_505 : memref<1x128xi32, #tpu.memory_space<vmem>> -> memref<128xi32, #tpu.memory_space<vmem>>
      %dma_start3A_507 = arith.constant 0 : i32
      %dma_start3A_508 = arith.constant 0 : i32
      %dma_start3A_509 = tpu.memref_slice %arg27[%dma_start3A_507, %dma_start3A_508] : memref<10112x32xf32, #tpu.memory_space<vmem_shared>> -> memref<10112x32xf32, #tpu.memory_space<vmem_shared>>
      tpu.enqueue_indirect_dma source(%arg14 : memref<128x32xf32, #tpu.memory_space<vmem>>) target(%dma_start3A_509 : memref<10112x32xf32, #tpu.memory_space<vmem_shared>>) offsets(%dma_start3A_506 : memref<128xi32, #tpu.memory_space<vmem>>) semaphore(%arg26 : memref<!tpu.dma_semaphore, #tpu.memory_space<semaphore_mem>>) {add = true}
      %dma_wait3A_510 = arith.constant 0 : i32
      %dma_wait3A_511 = arith.constant 0 : i32
      %dma_wait3A_512 = tpu.memref_slice %arg8[%dma_wait3A_510, %dma_wait3A_511] : memref<162x128xi32, #tpu.memory_space<vmem>> -> memref<1x128xi32, #tpu.memory_space<vmem>>
      %dma_wait3A_513 = tpu.memref_squeeze %dma_wait3A_512 : memref<1x128xi32, #tpu.memory_space<vmem>> -> memref<128xi32, #tpu.memory_space<vmem>>
      %dma_wait3A_514 = arith.constant 0 : i32
      %dma_wait3A_515 = arith.constant 0 : i32
      %dma_wait3A_516 = tpu.memref_slice %arg27[%dma_wait3A_514, %dma_wait3A_515] : memref<10112x32xf32, #tpu.memory_space<vmem_shared>> -> memref<10112x32xf32, #tpu.memory_space<vmem_shared>>
      tpu.wait_indirect_dma semaphore(%arg25 : memref<!tpu.dma_semaphore, #tpu.memory_space<semaphore_mem>>) src(%arg13 : memref<128x32xf32, #tpu.memory_space<vmem>>) dst(%dma_wait3A_516 : memref<10112x32xf32, #tpu.memory_space<vmem_shared>>)
      %add3A_517 = arith.constant 5 : i32
      %add3A_518 = arith.addi %add3A_496, %add3A_517 : i32
      %dma_start3A_519 = arith.constant 0 : i32
      %dma_start3A_520 = tpu.memref_slice %arg7[%add3A_518, %dma_start3A_519] : memref<162x128xi32, #tpu.memory_space<vmem>> -> memref<1x128xi32, #tpu.memory_space<vmem>>
      %dma_start3A_521 = tpu.memref_squeeze %dma_start3A_520 : memref<1x128xi32, #tpu.memory_space<vmem>> -> memref<128xi32, #tpu.memory_space<vmem>>
      %dma_start3A_522 = arith.constant 0 : i32
      %dma_start3A_523 = arith.constant 0 : i32
      %dma_start3A_524 = tpu.memref_slice %arg2[%dma_start3A_522, %dma_start3A_523] : memref<20224x32xf32, #tpu.memory_space<hbm>> -> memref<20224x32xf32, #tpu.memory_space<hbm>>
      tpu.enqueue_indirect_dma source(%dma_start3A_524 : memref<20224x32xf32, #tpu.memory_space<hbm>>) target(%arg13 : memref<128x32xf32, #tpu.memory_space<vmem>>) offsets(%dma_start3A_521 : memref<128xi32, #tpu.memory_space<vmem>>) semaphore(%arg19 : memref<!tpu.dma_semaphore, #tpu.memory_space<semaphore_mem>>)
    }
    %scan3A_199 = arith.constant 25 : i32
    %dma_wait3A_200 = arith.constant 0 : i32
    %dma_wait3A_201 = arith.constant 0 : i32
    %dma_wait3A_202 = tpu.memref_slice %arg7[%dma_wait3A_200, %dma_wait3A_201] : memref<162x128xi32, #tpu.memory_space<vmem>> -> memref<1x128xi32, #tpu.memory_space<vmem>>
    %dma_wait3A_203 = tpu.memref_squeeze %dma_wait3A_202 : memref<1x128xi32, #tpu.memory_space<vmem>> -> memref<128xi32, #tpu.memory_space<vmem>>
    %dma_wait3A_204 = arith.constant 0 : i32
    %dma_wait3A_205 = arith.constant 0 : i32
    %dma_wait3A_206 = tpu.memref_slice %arg2[%dma_wait3A_204, %dma_wait3A_205] : memref<20224x32xf32, #tpu.memory_space<hbm>> -> memref<20224x32xf32, #tpu.memory_space<hbm>>
    tpu.wait_indirect_dma semaphore(%arg15 : memref<!tpu.dma_semaphore, #tpu.memory_space<semaphore_mem>>) src(%dma_wait3A_206 : memref<20224x32xf32, #tpu.memory_space<hbm>>) dst(%arg9 : memref<128x32xf32, #tpu.memory_space<vmem>>)
    %dma_start3A_207 = arith.constant 156 : i32
    %dma_start3A_208 = arith.constant 0 : i32
    %dma_start3A_209 = tpu.memref_slice %arg8[%dma_start3A_207, %dma_start3A_208] : memref<162x128xi32, #tpu.memory_space<vmem>> -> memref<1x128xi32, #tpu.memory_space<vmem>>
    %dma_start3A_210 = tpu.memref_squeeze %dma_start3A_209 : memref<1x128xi32, #tpu.memory_space<vmem>> -> memref<128xi32, #tpu.memory_space<vmem>>
    %dma_start3A_211 = arith.constant 0 : i32
    %dma_start3A_212 = arith.constant 0 : i32
    %dma_start3A_213 = tpu.memref_slice %arg27[%dma_start3A_211, %dma_start3A_212] : memref<10112x32xf32, #tpu.memory_space<vmem_shared>> -> memref<10112x32xf32, #tpu.memory_space<vmem_shared>>
    tpu.enqueue_indirect_dma source(%arg9 : memref<128x32xf32, #tpu.memory_space<vmem>>) target(%dma_start3A_213 : memref<10112x32xf32, #tpu.memory_space<vmem_shared>>) offsets(%dma_start3A_210 : memref<128xi32, #tpu.memory_space<vmem>>) semaphore(%arg21 : memref<!tpu.dma_semaphore, #tpu.memory_space<semaphore_mem>>) {add = true}
    %dma_wait3A_214 = arith.constant 0 : i32
    %dma_wait3A_215 = arith.constant 0 : i32
    %dma_wait3A_216 = tpu.memref_slice %arg8[%dma_wait3A_214, %dma_wait3A_215] : memref<162x128xi32, #tpu.memory_space<vmem>> -> memref<1x128xi32, #tpu.memory_space<vmem>>
    %dma_wait3A_217 = tpu.memref_squeeze %dma_wait3A_216 : memref<1x128xi32, #tpu.memory_space<vmem>> -> memref<128xi32, #tpu.memory_space<vmem>>
    %dma_wait3A_218 = arith.constant 0 : i32
    %dma_wait3A_219 = arith.constant 0 : i32
    %dma_wait3A_220 = tpu.memref_slice %arg27[%dma_wait3A_218, %dma_wait3A_219] : memref<10112x32xf32, #tpu.memory_space<vmem_shared>> -> memref<10112x32xf32, #tpu.memory_space<vmem_shared>>
    tpu.wait_indirect_dma semaphore(%arg26 : memref<!tpu.dma_semaphore, #tpu.memory_space<semaphore_mem>>) src(%arg14 : memref<128x32xf32, #tpu.memory_space<vmem>>) dst(%dma_wait3A_220 : memref<10112x32xf32, #tpu.memory_space<vmem_shared>>)
    %dma_start3A_221 = arith.constant 161 : i32
    %dma_start3A_222 = arith.constant 0 : i32
    %dma_start3A_223 = tpu.memref_slice %arg7[%dma_start3A_221, %dma_start3A_222] : memref<162x128xi32, #tpu.memory_space<vmem>> -> memref<1x128xi32, #tpu.memory_space<vmem>>
    %dma_start3A_224 = tpu.memref_squeeze %dma_start3A_223 : memref<1x128xi32, #tpu.memory_space<vmem>> -> memref<128xi32, #tpu.memory_space<vmem>>
    %dma_start3A_225 = arith.constant 0 : i32
    %dma_start3A_226 = arith.constant 0 : i32
    %dma_start3A_227 = tpu.memref_slice %arg2[%dma_start3A_225, %dma_start3A_226] : memref<20224x32xf32, #tpu.memory_space<hbm>> -> memref<20224x32xf32, #tpu.memory_space<hbm>>
    tpu.enqueue_indirect_dma source(%dma_start3A_227 : memref<20224x32xf32, #tpu.memory_space<hbm>>) target(%arg14 : memref<128x32xf32, #tpu.memory_space<vmem>>) offsets(%dma_start3A_224 : memref<128xi32, #tpu.memory_space<vmem>>) semaphore(%arg20 : memref<!tpu.dma_semaphore, #tpu.memory_space<semaphore_mem>>)
    %dma_wait3A_228 = arith.constant 0 : i32
    %dma_wait3A_229 = arith.constant 0 : i32
    %dma_wait3A_230 = tpu.memref_slice %arg7[%dma_wait3A_228, %dma_wait3A_229] : memref<162x128xi32, #tpu.memory_space<vmem>> -> memref<1x128xi32, #tpu.memory_space<vmem>>
    %dma_wait3A_231 = tpu.memref_squeeze %dma_wait3A_230 : memref<1x128xi32, #tpu.memory_space<vmem>> -> memref<128xi32, #tpu.memory_space<vmem>>
    %dma_wait3A_232 = arith.constant 0 : i32
    %dma_wait3A_233 = arith.constant 0 : i32
    %dma_wait3A_234 = tpu.memref_slice %arg2[%dma_wait3A_232, %dma_wait3A_233] : memref<20224x32xf32, #tpu.memory_space<hbm>> -> memref<20224x32xf32, #tpu.memory_space<hbm>>
    tpu.wait_indirect_dma semaphore(%arg16 : memref<!tpu.dma_semaphore, #tpu.memory_space<semaphore_mem>>) src(%dma_wait3A_234 : memref<20224x32xf32, #tpu.memory_space<hbm>>) dst(%arg10 : memref<128x32xf32, #tpu.memory_space<vmem>>)
    %dma_start3A_235 = arith.constant 157 : i32
    %dma_start3A_236 = arith.constant 0 : i32
    %dma_start3A_237 = tpu.memref_slice %arg8[%dma_start3A_235, %dma_start3A_236] : memref<162x128xi32, #tpu.memory_space<vmem>> -> memref<1x128xi32, #tpu.memory_space<vmem>>
    %dma_start3A_238 = tpu.memref_squeeze %dma_start3A_237 : memref<1x128xi32, #tpu.memory_space<vmem>> -> memref<128xi32, #tpu.memory_space<vmem>>
    %dma_start3A_239 = arith.constant 0 : i32
    %dma_start3A_240 = arith.constant 0 : i32
    %dma_start3A_241 = tpu.memref_slice %arg27[%dma_start3A_239, %dma_start3A_240] : memref<10112x32xf32, #tpu.memory_space<vmem_shared>> -> memref<10112x32xf32, #tpu.memory_space<vmem_shared>>
    tpu.enqueue_indirect_dma source(%arg10 : memref<128x32xf32, #tpu.memory_space<vmem>>) target(%dma_start3A_241 : memref<10112x32xf32, #tpu.memory_space<vmem_shared>>) offsets(%dma_start3A_238 : memref<128xi32, #tpu.memory_space<vmem>>) semaphore(%arg22 : memref<!tpu.dma_semaphore, #tpu.memory_space<semaphore_mem>>) {add = true}
    %dma_wait3A_242 = arith.constant 0 : i32
    %dma_wait3A_243 = arith.constant 0 : i32
    %dma_wait3A_244 = tpu.memref_slice %arg7[%dma_wait3A_242, %dma_wait3A_243] : memref<162x128xi32, #tpu.memory_space<vmem>> -> memref<1x128xi32, #tpu.memory_space<vmem>>
    %dma_wait3A_245 = tpu.memref_squeeze %dma_wait3A_244 : memref<1x128xi32, #tpu.memory_space<vmem>> -> memref<128xi32, #tpu.memory_space<vmem>>
    %dma_wait3A_246 = arith.constant 0 : i32
    %dma_wait3A_247 = arith.constant 0 : i32
    %dma_wait3A_248 = tpu.memref_slice %arg2[%dma_wait3A_246, %dma_wait3A_247] : memref<20224x32xf32, #tpu.memory_space<hbm>> -> memref<20224x32xf32, #tpu.memory_space<hbm>>
    tpu.wait_indirect_dma semaphore(%arg17 : memref<!tpu.dma_semaphore, #tpu.memory_space<semaphore_mem>>) src(%dma_wait3A_248 : memref<20224x32xf32, #tpu.memory_space<hbm>>) dst(%arg11 : memref<128x32xf32, #tpu.memory_space<vmem>>)
    %dma_start3A_249 = arith.constant 158 : i32
    %dma_start3A_250 = arith.constant 0 : i32
    %dma_start3A_251 = tpu.memref_slice %arg8[%dma_start3A_249, %dma_start3A_250] : memref<162x128xi32, #tpu.memory_space<vmem>> -> memref<1x128xi32, #tpu.memory_space<vmem>>
    %dma_start3A_252 = tpu.memref_squeeze %dma_start3A_251 : memref<1x128xi32, #tpu.memory_space<vmem>> -> memref<128xi32, #tpu.memory_space<vmem>>
    %dma_start3A_253 = arith.constant 0 : i32
    %dma_start3A_254 = arith.constant 0 : i32
    %dma_start3A_255 = tpu.memref_slice %arg27[%dma_start3A_253, %dma_start3A_254] : memref<10112x32xf32, #tpu.memory_space<vmem_shared>> -> memref<10112x32xf32, #tpu.memory_space<vmem_shared>>
    tpu.enqueue_indirect_dma source(%arg11 : memref<128x32xf32, #tpu.memory_space<vmem>>) target(%dma_start3A_255 : memref<10112x32xf32, #tpu.memory_space<vmem_shared>>) offsets(%dma_start3A_252 : memref<128xi32, #tpu.memory_space<vmem>>) semaphore(%arg23 : memref<!tpu.dma_semaphore, #tpu.memory_space<semaphore_mem>>) {add = true}
    %dma_wait3A_256 = arith.constant 0 : i32
    %dma_wait3A_257 = arith.constant 0 : i32
    %dma_wait3A_258 = tpu.memref_slice %arg7[%dma_wait3A_256, %dma_wait3A_257] : memref<162x128xi32, #tpu.memory_space<vmem>> -> memref<1x128xi32, #tpu.memory_space<vmem>>
    %dma_wait3A_259 = tpu.memref_squeeze %dma_wait3A_258 : memref<1x128xi32, #tpu.memory_space<vmem>> -> memref<128xi32, #tpu.memory_space<vmem>>
    %dma_wait3A_260 = arith.constant 0 : i32
    %dma_wait3A_261 = arith.constant 0 : i32
    %dma_wait3A_262 = tpu.memref_slice %arg2[%dma_wait3A_260, %dma_wait3A_261] : memref<20224x32xf32, #tpu.memory_space<hbm>> -> memref<20224x32xf32, #tpu.memory_space<hbm>>
    tpu.wait_indirect_dma semaphore(%arg18 : memref<!tpu.dma_semaphore, #tpu.memory_space<semaphore_mem>>) src(%dma_wait3A_262 : memref<20224x32xf32, #tpu.memory_space<hbm>>) dst(%arg12 : memref<128x32xf32, #tpu.memory_space<vmem>>)
    %dma_start3A_263 = arith.constant 159 : i32
    %dma_start3A_264 = arith.constant 0 : i32
    %dma_start3A_265 = tpu.memref_slice %arg8[%dma_start3A_263, %dma_start3A_264] : memref<162x128xi32, #tpu.memory_space<vmem>> -> memref<1x128xi32, #tpu.memory_space<vmem>>
    %dma_start3A_266 = tpu.memref_squeeze %dma_start3A_265 : memref<1x128xi32, #tpu.memory_space<vmem>> -> memref<128xi32, #tpu.memory_space<vmem>>
    %dma_start3A_267 = arith.constant 0 : i32
    %dma_start3A_268 = arith.constant 0 : i32
    %dma_start3A_269 = tpu.memref_slice %arg27[%dma_start3A_267, %dma_start3A_268] : memref<10112x32xf32, #tpu.memory_space<vmem_shared>> -> memref<10112x32xf32, #tpu.memory_space<vmem_shared>>
    tpu.enqueue_indirect_dma source(%arg12 : memref<128x32xf32, #tpu.memory_space<vmem>>) target(%dma_start3A_269 : memref<10112x32xf32, #tpu.memory_space<vmem_shared>>) offsets(%dma_start3A_266 : memref<128xi32, #tpu.memory_space<vmem>>) semaphore(%arg24 : memref<!tpu.dma_semaphore, #tpu.memory_space<semaphore_mem>>) {add = true}
    %dma_wait3A_270 = arith.constant 0 : i32
    %dma_wait3A_271 = arith.constant 0 : i32
    %dma_wait3A_272 = tpu.memref_slice %arg7[%dma_wait3A_270, %dma_wait3A_271] : memref<162x128xi32, #tpu.memory_space<vmem>> -> memref<1x128xi32, #tpu.memory_space<vmem>>
    %dma_wait3A_273 = tpu.memref_squeeze %dma_wait3A_272 : memref<1x128xi32, #tpu.memory_space<vmem>> -> memref<128xi32, #tpu.memory_space<vmem>>
    %dma_wait3A_274 = arith.constant 0 : i32
    %dma_wait3A_275 = arith.constant 0 : i32
    %dma_wait3A_276 = tpu.memref_slice %arg2[%dma_wait3A_274, %dma_wait3A_275] : memref<20224x32xf32, #tpu.memory_space<hbm>> -> memref<20224x32xf32, #tpu.memory_space<hbm>>
    tpu.wait_indirect_dma semaphore(%arg19 : memref<!tpu.dma_semaphore, #tpu.memory_space<semaphore_mem>>) src(%dma_wait3A_276 : memref<20224x32xf32, #tpu.memory_space<hbm>>) dst(%arg13 : memref<128x32xf32, #tpu.memory_space<vmem>>)
    %dma_start3A_277 = arith.constant 160 : i32
    %dma_start3A_278 = arith.constant 0 : i32
    %dma_start3A_279 = tpu.memref_slice %arg8[%dma_start3A_277, %dma_start3A_278] : memref<162x128xi32, #tpu.memory_space<vmem>> -> memref<1x128xi32, #tpu.memory_space<vmem>>
    %dma_start3A_280 = tpu.memref_squeeze %dma_start3A_279 : memref<1x128xi32, #tpu.memory_space<vmem>> -> memref<128xi32, #tpu.memory_space<vmem>>
    %dma_start3A_281 = arith.constant 0 : i32
    %dma_start3A_282 = arith.constant 0 : i32
    %dma_start3A_283 = tpu.memref_slice %arg27[%dma_start3A_281, %dma_start3A_282] : memref<10112x32xf32, #tpu.memory_space<vmem_shared>> -> memref<10112x32xf32, #tpu.memory_space<vmem_shared>>
    tpu.enqueue_indirect_dma source(%arg13 : memref<128x32xf32, #tpu.memory_space<vmem>>) target(%dma_start3A_283 : memref<10112x32xf32, #tpu.memory_space<vmem_shared>>) offsets(%dma_start3A_280 : memref<128xi32, #tpu.memory_space<vmem>>) semaphore(%arg25 : memref<!tpu.dma_semaphore, #tpu.memory_space<semaphore_mem>>) {add = true}
    %dma_wait3A_284 = arith.constant 0 : i32
    %dma_wait3A_285 = arith.constant 0 : i32
    %dma_wait3A_286 = tpu.memref_slice %arg7[%dma_wait3A_284, %dma_wait3A_285] : memref<162x128xi32, #tpu.memory_space<vmem>> -> memref<1x128xi32, #tpu.memory_space<vmem>>
    %dma_wait3A_287 = tpu.memref_squeeze %dma_wait3A_286 : memref<1x128xi32, #tpu.memory_space<vmem>> -> memref<128xi32, #tpu.memory_space<vmem>>
    %dma_wait3A_288 = arith.constant 0 : i32
    %dma_wait3A_289 = arith.constant 0 : i32
    %dma_wait3A_290 = tpu.memref_slice %arg2[%dma_wait3A_288, %dma_wait3A_289] : memref<20224x32xf32, #tpu.memory_space<hbm>> -> memref<20224x32xf32, #tpu.memory_space<hbm>>
    tpu.wait_indirect_dma semaphore(%arg20 : memref<!tpu.dma_semaphore, #tpu.memory_space<semaphore_mem>>) src(%dma_wait3A_290 : memref<20224x32xf32, #tpu.memory_space<hbm>>) dst(%arg14 : memref<128x32xf32, #tpu.memory_space<vmem>>)
    %dma_start3A_291 = arith.constant 161 : i32
    %dma_start3A_292 = arith.constant 0 : i32
    %dma_start3A_293 = tpu.memref_slice %arg8[%dma_start3A_291, %dma_start3A_292] : memref<162x128xi32, #tpu.memory_space<vmem>> -> memref<1x128xi32, #tpu.memory_space<vmem>>
    %dma_start3A_294 = tpu.memref_squeeze %dma_start3A_293 : memref<1x128xi32, #tpu.memory_space<vmem>> -> memref<128xi32, #tpu.memory_space<vmem>>
    %dma_start3A_295 = arith.constant 0 : i32
    %dma_start3A_296 = arith.constant 0 : i32
    %dma_start3A_297 = tpu.memref_slice %arg27[%dma_start3A_295, %dma_start3A_296] : memref<10112x32xf32, #tpu.memory_space<vmem_shared>> -> memref<10112x32xf32, #tpu.memory_space<vmem_shared>>
    tpu.enqueue_indirect_dma source(%arg14 : memref<128x32xf32, #tpu.memory_space<vmem>>) target(%dma_start3A_297 : memref<10112x32xf32, #tpu.memory_space<vmem_shared>>) offsets(%dma_start3A_294 : memref<128xi32, #tpu.memory_space<vmem>>) semaphore(%arg26 : memref<!tpu.dma_semaphore, #tpu.memory_space<semaphore_mem>>) {add = true}
    %dma_wait3A_298 = arith.constant 0 : i32
    %dma_wait3A_299 = arith.constant 0 : i32
    %dma_wait3A_300 = tpu.memref_slice %arg8[%dma_wait3A_298, %dma_wait3A_299] : memref<162x128xi32, #tpu.memory_space<vmem>> -> memref<1x128xi32, #tpu.memory_space<vmem>>
    %dma_wait3A_301 = tpu.memref_squeeze %dma_wait3A_300 : memref<1x128xi32, #tpu.memory_space<vmem>> -> memref<128xi32, #tpu.memory_space<vmem>>
    %dma_wait3A_302 = arith.constant 0 : i32
    %dma_wait3A_303 = arith.constant 0 : i32
    %dma_wait3A_304 = tpu.memref_slice %arg27[%dma_wait3A_302, %dma_wait3A_303] : memref<10112x32xf32, #tpu.memory_space<vmem_shared>> -> memref<10112x32xf32, #tpu.memory_space<vmem_shared>>
    tpu.wait_indirect_dma semaphore(%arg21 : memref<!tpu.dma_semaphore, #tpu.memory_space<semaphore_mem>>) src(%arg9 : memref<128x32xf32, #tpu.memory_space<vmem>>) dst(%dma_wait3A_304 : memref<10112x32xf32, #tpu.memory_space<vmem_shared>>)
    %dma_wait3A_305 = arith.constant 0 : i32
    %dma_wait3A_306 = arith.constant 0 : i32
    %dma_wait3A_307 = tpu.memref_slice %arg8[%dma_wait3A_305, %dma_wait3A_306] : memref<162x128xi32, #tpu.memory_space<vmem>> -> memref<1x128xi32, #tpu.memory_space<vmem>>
    %dma_wait3A_308 = tpu.memref_squeeze %dma_wait3A_307 : memref<1x128xi32, #tpu.memory_space<vmem>> -> memref<128xi32, #tpu.memory_space<vmem>>
    %dma_wait3A_309 = arith.constant 0 : i32
    %dma_wait3A_310 = arith.constant 0 : i32
    %dma_wait3A_311 = tpu.memref_slice %arg27[%dma_wait3A_309, %dma_wait3A_310] : memref<10112x32xf32, #tpu.memory_space<vmem_shared>> -> memref<10112x32xf32, #tpu.memory_space<vmem_shared>>
    tpu.wait_indirect_dma semaphore(%arg22 : memref<!tpu.dma_semaphore, #tpu.memory_space<semaphore_mem>>) src(%arg10 : memref<128x32xf32, #tpu.memory_space<vmem>>) dst(%dma_wait3A_311 : memref<10112x32xf32, #tpu.memory_space<vmem_shared>>)
    %dma_wait3A_312 = arith.constant 0 : i32
    %dma_wait3A_313 = arith.constant 0 : i32
    %dma_wait3A_314 = tpu.memref_slice %arg8[%dma_wait3A_312, %dma_wait3A_313] : memref<162x128xi32, #tpu.memory_space<vmem>> -> memref<1x128xi32, #tpu.memory_space<vmem>>
    %dma_wait3A_315 = tpu.memref_squeeze %dma_wait3A_314 : memref<1x128xi32, #tpu.memory_space<vmem>> -> memref<128xi32, #tpu.memory_space<vmem>>
    %dma_wait3A_316 = arith.constant 0 : i32
    %dma_wait3A_317 = arith.constant 0 : i32
    %dma_wait3A_318 = tpu.memref_slice %arg27[%dma_wait3A_316, %dma_wait3A_317] : memref<10112x32xf32, #tpu.memory_space<vmem_shared>> -> memref<10112x32xf32, #tpu.memory_space<vmem_shared>>
    tpu.wait_indirect_dma semaphore(%arg23 : memref<!tpu.dma_semaphore, #tpu.memory_space<semaphore_mem>>) src(%arg11 : memref<128x32xf32, #tpu.memory_space<vmem>>) dst(%dma_wait3A_318 : memref<10112x32xf32, #tpu.memory_space<vmem_shared>>)
    %dma_wait3A_319 = arith.constant 0 : i32
    %dma_wait3A_320 = arith.constant 0 : i32
    %dma_wait3A_321 = tpu.memref_slice %arg8[%dma_wait3A_319, %dma_wait3A_320] : memref<162x128xi32, #tpu.memory_space<vmem>> -> memref<1x128xi32, #tpu.memory_space<vmem>>
    %dma_wait3A_322 = tpu.memref_squeeze %dma_wait3A_321 : memref<1x128xi32, #tpu.memory_space<vmem>> -> memref<128xi32, #tpu.memory_space<vmem>>
    %dma_wait3A_323 = arith.constant 0 : i32
    %dma_wait3A_324 = arith.constant 0 : i32
    %dma_wait3A_325 = tpu.memref_slice %arg27[%dma_wait3A_323, %dma_wait3A_324] : memref<10112x32xf32, #tpu.memory_space<vmem_shared>> -> memref<10112x32xf32, #tpu.memory_space<vmem_shared>>
    tpu.wait_indirect_dma semaphore(%arg24 : memref<!tpu.dma_semaphore, #tpu.memory_space<semaphore_mem>>) src(%arg12 : memref<128x32xf32, #tpu.memory_space<vmem>>) dst(%dma_wait3A_325 : memref<10112x32xf32, #tpu.memory_space<vmem_shared>>)
    %dma_wait3A_326 = arith.constant 0 : i32
    %dma_wait3A_327 = arith.constant 0 : i32
    %dma_wait3A_328 = tpu.memref_slice %arg8[%dma_wait3A_326, %dma_wait3A_327] : memref<162x128xi32, #tpu.memory_space<vmem>> -> memref<1x128xi32, #tpu.memory_space<vmem>>
    %dma_wait3A_329 = tpu.memref_squeeze %dma_wait3A_328 : memref<1x128xi32, #tpu.memory_space<vmem>> -> memref<128xi32, #tpu.memory_space<vmem>>
    %dma_wait3A_330 = arith.constant 0 : i32
    %dma_wait3A_331 = arith.constant 0 : i32
    %dma_wait3A_332 = tpu.memref_slice %arg27[%dma_wait3A_330, %dma_wait3A_331] : memref<10112x32xf32, #tpu.memory_space<vmem_shared>> -> memref<10112x32xf32, #tpu.memory_space<vmem_shared>>
    tpu.wait_indirect_dma semaphore(%arg25 : memref<!tpu.dma_semaphore, #tpu.memory_space<semaphore_mem>>) src(%arg13 : memref<128x32xf32, #tpu.memory_space<vmem>>) dst(%dma_wait3A_332 : memref<10112x32xf32, #tpu.memory_space<vmem_shared>>)
    %dma_wait3A_333 = arith.constant 0 : i32
    %dma_wait3A_334 = arith.constant 0 : i32
    %dma_wait3A_335 = tpu.memref_slice %arg8[%dma_wait3A_333, %dma_wait3A_334] : memref<162x128xi32, #tpu.memory_space<vmem>> -> memref<1x128xi32, #tpu.memory_space<vmem>>
    %dma_wait3A_336 = tpu.memref_squeeze %dma_wait3A_335 : memref<1x128xi32, #tpu.memory_space<vmem>> -> memref<128xi32, #tpu.memory_space<vmem>>
    %dma_wait3A_337 = arith.constant 0 : i32
    %dma_wait3A_338 = arith.constant 0 : i32
    %dma_wait3A_339 = tpu.memref_slice %arg27[%dma_wait3A_337, %dma_wait3A_338] : memref<10112x32xf32, #tpu.memory_space<vmem_shared>> -> memref<10112x32xf32, #tpu.memory_space<vmem_shared>>
    tpu.wait_indirect_dma semaphore(%arg26 : memref<!tpu.dma_semaphore, #tpu.memory_space<semaphore_mem>>) src(%arg14 : memref<128x32xf32, #tpu.memory_space<vmem>>) dst(%dma_wait3A_339 : memref<10112x32xf32, #tpu.memory_space<vmem_shared>>)
    %barrier3A_340 = arith.constant 0 : index
    tpu.barrier barrier_id(%barrier3A_340)
    %mul3A_341 = arith.constant 32 : i32
    %mul3A_342 = arith.muli %arg0, %mul3A_341 : i32
    "tpu.region"() ({
      %run_scoped3A = tpu.sem_alloc : memref<!tpu.dma_semaphore, #tpu.memory_space<semaphore_mem>>
      %dma_start3A_343 = tpu.memref_slice %arg6[%mul3A_0, %mul3A_342] : memref<10112x128xf32, #tpu.memory_space<hbm>> -> memref<632x32xf32, #tpu.memory_space<hbm>>
      %dma_start3A_344 = arith.constant 0 : i32
      %dma_start3A_345 = tpu.memref_slice %arg27[%mul3A_0, %dma_start3A_344] : memref<10112x32xf32, #tpu.memory_space<vmem_shared>> -> memref<632x32xf32, #tpu.memory_space<vmem_shared>>
      tpu.enqueue_dma source(%dma_start3A_345 : memref<632x32xf32, #tpu.memory_space<vmem_shared>>) target(%dma_start3A_343 : memref<632x32xf32, #tpu.memory_space<hbm>>) target_semaphore(%run_scoped3A : memref<!tpu.dma_semaphore, #tpu.memory_space<semaphore_mem>>)
      %dma_wait3A_346 = tpu.memref_slice %arg6[%mul3A_0, %mul3A_342] : memref<10112x128xf32, #tpu.memory_space<hbm>> -> memref<632x32xf32, #tpu.memory_space<hbm>>
      %dma_wait3A_347 = arith.constant 0 : i32
      %dma_wait3A_348 = tpu.memref_slice %arg27[%mul3A_0, %dma_wait3A_347] : memref<10112x32xf32, #tpu.memory_space<vmem_shared>> -> memref<632x32xf32, #tpu.memory_space<vmem_shared>>
      tpu.wait_dma2 semaphore(%run_scoped3A : memref<!tpu.dma_semaphore, #tpu.memory_space<semaphore_mem>>) src(%dma_wait3A_348 : memref<632x32xf32, #tpu.memory_space<vmem_shared>>) dst(%dma_wait3A_346 : memref<632x32xf32, #tpu.memory_space<hbm>>)
      tpu.yield
    }) : () -> ()
    return
  }
}

module attributes {stable_mosaic.version = 14 : i64} {
  func.func @body(%arg0: i32, %arg1: memref<1024x128xf32, #tpu.memory_space<vmem>>, %arg2: memref<128x128xf32, #tpu.memory_space<vmem>>, %arg3: memref<1x128xf32, #tpu.memory_space<vmem>>, %arg4: memref<2x1024x16xf32, #tpu.memory_space<vmem>>, %arg5: memref<2x1024x64xf32, #tpu.memory_space<vmem>>, %arg6: memref<1024x1xf32, #tpu.memory_space<vmem>>) attributes {dimension_semantics = [#tpu.dimension_semantics<arbitrary>], iteration_bounds = array<i64: 10>, scalar_prefetch = 0 : i64, scratch_operands = 0 : i64, tpu.core_type = #tpu.core_type<tc>, window_params = [{transform_indices = @transform_0, window_bounds = array<i64: 1024, 128>}, {pipeline_mode = #tpu.pipeline_mode<synchronous>, transform_indices = @transform_1, window_bounds = array<i64: 128, 128>}, {pipeline_mode = #tpu.pipeline_mode<synchronous>, transform_indices = @transform_2, window_bounds = array<i64: 1, 128>}, {transform_indices = @transform_3, window_bounds = array<i64: 2, 1024, 16>}, {transform_indices = @transform_4, window_bounds = array<i64: 2, 1024, 64>}, {transform_indices = @transform_5, window_bounds = array<i64: 1024, 1>}]} {
    %get3A = arith.constant 0 : index
    %get3A_0 = arith.constant 0 : index
    %get3A_1 = arith.constant 0 : index
    %get3A_2 = vector.load %arg4[%get3A, %get3A_0, %get3A_1] : memref<2x1024x16xf32, #tpu.memory_space<vmem>>, vector<1x1024x1xf32>
    %get3A_3 = vector.shape_cast %get3A_2 : vector<1x1024x1xf32> to vector<1024x1xf32>
    %get3A_4 = arith.constant 1 : index
    %get3A_5 = arith.constant 0 : index
    %get3A_6 = arith.constant 0 : index
    %get3A_7 = vector.load %arg4[%get3A_4, %get3A_5, %get3A_6] : memref<2x1024x16xf32, #tpu.memory_space<vmem>>, vector<1x1024x1xf32>
    %get3A_8 = vector.shape_cast %get3A_7 : vector<1x1024x1xf32> to vector<1024x1xf32>
    %add3A = arith.addf %get3A_3, %get3A_8 : vector<1024x1xf32>
    %iota3A = tpu.iota {dimensions = array<i32: 0>} : vector<1024x1xi32>
    %mul3A = arith.constant 1024 : i32
    %mul3A_9 = arith.muli %arg0, %mul3A : i32
    %add3A_10 = vector.broadcast %mul3A_9 : i32 to vector<1024x1xi32>
    %add3A_11 = arith.addi %iota3A, %add3A_10 : vector<1024x1xi32>
    %lt3A = arith.constant 10000 : i32
    %lt3A_12 = vector.broadcast %lt3A : i32 to vector<1024x1xi32>
    %lt3A_13 = arith.cmpi slt, %add3A_11, %lt3A_12 : vector<1024x1xi32>
    %max3A = arith.constant 1.000000e+00 : f32
    %max3A_14 = vector.broadcast %max3A : f32 to vector<1024x1xf32>
    %max3A_15 = arith.maximumf %add3A, %max3A_14 : vector<1024x1xf32>
    %rsqrt3A = math.rsqrt %max3A_15 : vector<1024x1xf32>
    %jit3A = arith.constant 0.000000e+00 : f32
    %broadcast_in_dim3A = vector.broadcast %jit3A : f32 to vector<1024x1xf32>
    %select_n3A = arith.select %lt3A_13, %rsqrt3A, %broadcast_in_dim3A : vector<1024x1xi1>, vector<1024x1xf32>
    %get3A_16 = arith.constant 0 : index
    %get3A_17 = arith.constant 0 : index
    %get3A_18 = vector.load %arg1[%get3A_16, %get3A_17] : memref<1024x128xf32, #tpu.memory_space<vmem>>, vector<1024x128xf32>
    %get3A_19 = arith.constant 0 : index
    %get3A_20 = arith.constant 0 : index
    %get3A_21 = vector.load %arg2[%get3A_19, %get3A_20] : memref<128x128xf32, #tpu.memory_space<vmem>>, vector<128x128xf32>
    %dot_general3A = arith.constant dense<0.000000e+00> : vector<1024x128xf32>
    %dot_general3A_22 = tpu.matmul %get3A_18, %get3A_21, %dot_general3A {dimension_numbers = #tpu.dot_dimension_numbers<[1], [1], [0], [0], [0, 0, 1, 0], [], []>, transpose_lhs_hint = false} : vector<1024x128xf32>, vector<128x128xf32>, vector<1024x128xf32> -> vector<1024x128xf32>
    %get3A_23 = arith.constant 0 : index
    %get3A_24 = arith.constant 0 : index
    %get3A_25 = vector.load %arg3[%get3A_23, %get3A_24] : memref<1x128xf32, #tpu.memory_space<vmem>>, vector<1x128xf32>
    %add3A_26 = vector.broadcast %get3A_25 : vector<1x128xf32> to vector<1024x128xf32>
    %add3A_27 = arith.addf %dot_general3A_22, %add3A_26 : vector<1024x128xf32>
    %gt3A = arith.constant 0.000000e+00 : f32
    %gt3A_28 = vector.broadcast %gt3A : f32 to vector<1024x1xf32>
    %gt3A_29 = arith.cmpf ogt, %select_n3A, %gt3A_28 : vector<1024x1xf32>
    %mul3A_30 = vector.broadcast %select_n3A : vector<1024x1xf32> to vector<1024x128xf32>
    %mul3A_31 = arith.mulf %add3A_27, %mul3A_30 : vector<1024x128xf32>
    %jit3A_32 = arith.constant 0.000000e+00 : f32
    %broadcast_in_dim3A_33 = vector.shape_cast %gt3A_29 : vector<1024x1xi1> to vector<1024x1xi1>
    %broadcast_in_dim3A_34 = vector.broadcast %broadcast_in_dim3A_33 : vector<1024x1xi1> to vector<1024x128xi1>
    %broadcast_in_dim3A_35 = vector.broadcast %jit3A_32 : f32 to vector<1024x128xf32>
    %select_n3A_36 = arith.select %broadcast_in_dim3A_34, %mul3A_31, %broadcast_in_dim3A_35 : vector<1024x128xi1>, vector<1024x128xf32>
    %slice3A = vector.extract_strided_slice %select_n3A_36 {offsets = [0, 0], sizes = [1024, 64], strides = [1, 1]} : vector<1024x128xf32> to vector<1024x64xf32>
    %swap3A = arith.constant 0 : index
    %swap3A_37 = arith.constant 0 : index
    %swap3A_38 = arith.constant 0 : index
    %swap3A_39 = vector.load %arg5[%swap3A, %swap3A_37, %swap3A_38] : memref<2x1024x64xf32, #tpu.memory_space<vmem>>, vector<1x1024x64xf32>
    %swap3A_40 = vector.shape_cast %swap3A_39 : vector<1x1024x64xf32> to vector<1024x64xf32>
    %swap3A_41 = vector.shape_cast %slice3A : vector<1024x64xf32> to vector<1x1024x64xf32>
    tpu.vector_store %arg5[%swap3A, %swap3A_37, %swap3A_38], %swap3A_41 {strides = array<i32>} : memref<2x1024x64xf32, #tpu.memory_space<vmem>>, vector<1x1024x64xf32>,
    %slice3A_42 = vector.extract_strided_slice %select_n3A_36 {offsets = [0, 64], sizes = [1024, 64], strides = [1, 1]} : vector<1024x128xf32> to vector<1024x64xf32>
    %swap3A_43 = arith.constant 1 : index
    %swap3A_44 = arith.constant 0 : index
    %swap3A_45 = arith.constant 0 : index
    %swap3A_46 = vector.load %arg5[%swap3A_43, %swap3A_44, %swap3A_45] : memref<2x1024x64xf32, #tpu.memory_space<vmem>>, vector<1x1024x64xf32>
    %swap3A_47 = vector.shape_cast %swap3A_46 : vector<1x1024x64xf32> to vector<1024x64xf32>
    %swap3A_48 = vector.shape_cast %slice3A_42 : vector<1024x64xf32> to vector<1x1024x64xf32>
    tpu.vector_store %arg5[%swap3A_43, %swap3A_44, %swap3A_45], %swap3A_48 {strides = array<i32>} : memref<2x1024x64xf32, #tpu.memory_space<vmem>>, vector<1x1024x64xf32>,
    %swap3A_49 = arith.constant 0 : index
    %swap3A_50 = arith.constant 0 : index
    %swap3A_51 = vector.load %arg6[%swap3A_49, %swap3A_50] : memref<1024x1xf32, #tpu.memory_space<vmem>>, vector<1024x1xf32>
    tpu.vector_store %arg6[%swap3A_49, %swap3A_50], %select_n3A {strides = array<i32>} : memref<1024x1xf32, #tpu.memory_space<vmem>>, vector<1024x1xf32>,
    return
  }
  func.func @transform_0(%arg0: i32) -> (i32, i32) {
    %c0_i32 = arith.constant 0 : i32
    %c0_i32_0 = arith.constant 0 : i32
    return %arg0, %c0_i32 : i32, i32
  }
  func.func @transform_1(%arg0: i32) -> (i32, i32) {
    %c0_i32 = arith.constant 0 : i32
    %c0_i32_0 = arith.constant 0 : i32
    %c0_i32_1 = arith.constant 0 : i32
    return %c0_i32, %c0_i32_0 : i32, i32
  }
  func.func @transform_2(%arg0: i32) -> (i32, i32) {
    %c0_i32 = arith.constant 0 : i32
    %c0_i32_0 = arith.constant 0 : i32
    %c0_i32_1 = arith.constant 0 : i32
    return %c0_i32, %c0_i32_0 : i32, i32
  }
  func.func @transform_3(%arg0: i32) -> (i32, i32, i32) {
    %c0_i32 = arith.constant 0 : i32
    %c0_i32_0 = arith.constant 0 : i32
    %c0_i32_1 = arith.constant 0 : i32
    return %c0_i32, %arg0, %c0_i32_0 : i32, i32, i32
  }
  func.func @transform_4(%arg0: i32) -> (i32, i32, i32) {
    %c0_i32 = arith.constant 0 : i32
    %c0_i32_0 = arith.constant 0 : i32
    %c0_i32_1 = arith.constant 0 : i32
    return %c0_i32, %arg0, %c0_i32_0 : i32, i32, i32
  }
  func.func @transform_5(%arg0: i32) -> (i32, i32) {
    %c0_i32 = arith.constant 0 : i32
    %c0_i32_0 = arith.constant 0 : i32
    return %arg0, %c0_i32 : i32, i32
  }
}

module attributes {stable_mosaic.version = 14 : i64} {
  func.func @body(%arg0: i32, %arg1: memref<1024x128xf32, #tpu.memory_space<vmem>>, %arg2: memref<1024x1xf32, #tpu.memory_space<vmem>>, %arg3: memref<64x128xf32, #tpu.memory_space<vmem>>, %arg4: memref<2x1024x32xf32, #tpu.memory_space<vmem>>) attributes {dimension_semantics = [#tpu.dimension_semantics<arbitrary>], iteration_bounds = array<i64: 10>, scalar_prefetch = 0 : i64, scratch_operands = 0 : i64, tpu.core_type = #tpu.core_type<tc>, window_params = [{transform_indices = @transform_0, window_bounds = array<i64: 1024, 128>}, {transform_indices = @transform_1, window_bounds = array<i64: 1024, 1>}, {pipeline_mode = #tpu.pipeline_mode<synchronous>, transform_indices = @transform_2, window_bounds = array<i64: 64, 128>}, {transform_indices = @transform_3, window_bounds = array<i64: 2, 1024, 32>}]} {
    %get3A = arith.constant 0 : index
    %get3A_0 = arith.constant 0 : index
    %get3A_1 = vector.load %arg2[%get3A, %get3A_0] : memref<1024x1xf32, #tpu.memory_space<vmem>>, vector<1024x1xf32>
    %get3A_2 = arith.constant 0 : index
    %get3A_3 = arith.constant 0 : index
    %get3A_4 = vector.load %arg1[%get3A_2, %get3A_3] : memref<1024x128xf32, #tpu.memory_space<vmem>>, vector<1024x128xf32>
    %mul3A = vector.broadcast %get3A_1 : vector<1024x1xf32> to vector<1024x128xf32>
    %mul3A_5 = arith.mulf %get3A_4, %mul3A : vector<1024x128xf32>
    %gt3A = arith.constant 0.000000e+00 : f32
    %gt3A_6 = vector.broadcast %gt3A : f32 to vector<1024x128xf32>
    %gt3A_7 = arith.cmpf ogt, %mul3A_5, %gt3A_6 : vector<1024x128xf32>
    %exp3A = math.exp %mul3A_5 : vector<1024x128xf32>
    %sub3A = arith.constant 1.000000e+00 : f32
    %sub3A_8 = vector.broadcast %sub3A : f32 to vector<1024x128xf32>
    %sub3A_9 = arith.subf %exp3A, %sub3A_8 : vector<1024x128xf32>
    %mul3A_10 = arith.constant 1.67326319 : f32
    %mul3A_11 = vector.broadcast %mul3A_10 : f32 to vector<1024x128xf32>
    %mul3A_12 = arith.mulf %mul3A_11, %sub3A_9 : vector<1024x128xf32>
    %select_n3A = arith.select %gt3A_7, %mul3A_5, %mul3A_12 : vector<1024x128xi1>, vector<1024x128xf32>
    %mul3A_13 = arith.constant 1.05070102 : f32
    %mul3A_14 = vector.broadcast %mul3A_13 : f32 to vector<1024x128xf32>
    %mul3A_15 = arith.mulf %mul3A_14, %select_n3A : vector<1024x128xf32>
    %get3A_16 = arith.constant 0 : index
    %get3A_17 = arith.constant 0 : index
    %get3A_18 = vector.load %arg3[%get3A_16, %get3A_17] : memref<64x128xf32, #tpu.memory_space<vmem>>, vector<64x128xf32>
    %dot_general3A = arith.constant dense<0.000000e+00> : vector<1024x64xf32>
    %dot_general3A_19 = tpu.matmul %mul3A_15, %get3A_18, %dot_general3A {dimension_numbers = #tpu.dot_dimension_numbers<[1], [1], [0], [0], [0, 0, 1, 0], [], []>, transpose_lhs_hint = false} : vector<1024x128xf32>, vector<64x128xf32>, vector<1024x64xf32> -> vector<1024x64xf32>
    %mul3A_20 = vector.broadcast %get3A_1 : vector<1024x1xf32> to vector<1024x64xf32>
    %mul3A_21 = arith.mulf %dot_general3A_19, %mul3A_20 : vector<1024x64xf32>
    %slice3A = vector.extract_strided_slice %mul3A_21 {offsets = [0, 0], sizes = [1024, 32], strides = [1, 1]} : vector<1024x64xf32> to vector<1024x32xf32>
    %swap3A = arith.constant 0 : index
    %swap3A_22 = arith.constant 0 : index
    %swap3A_23 = arith.constant 0 : index
    %swap3A_24 = vector.load %arg4[%swap3A, %swap3A_22, %swap3A_23] : memref<2x1024x32xf32, #tpu.memory_space<vmem>>, vector<1x1024x32xf32>
    %swap3A_25 = vector.shape_cast %swap3A_24 : vector<1x1024x32xf32> to vector<1024x32xf32>
    %swap3A_26 = vector.shape_cast %slice3A : vector<1024x32xf32> to vector<1x1024x32xf32>
    tpu.vector_store %arg4[%swap3A, %swap3A_22, %swap3A_23], %swap3A_26 {strides = array<i32>} : memref<2x1024x32xf32, #tpu.memory_space<vmem>>, vector<1x1024x32xf32>,
    %slice3A_27 = vector.extract_strided_slice %mul3A_21 {offsets = [0, 32], sizes = [1024, 32], strides = [1, 1]} : vector<1024x64xf32> to vector<1024x32xf32>
    %swap3A_28 = arith.constant 1 : index
    %swap3A_29 = arith.constant 0 : index
    %swap3A_30 = arith.constant 0 : index
    %swap3A_31 = vector.load %arg4[%swap3A_28, %swap3A_29, %swap3A_30] : memref<2x1024x32xf32, #tpu.memory_space<vmem>>, vector<1x1024x32xf32>
    %swap3A_32 = vector.shape_cast %swap3A_31 : vector<1x1024x32xf32> to vector<1024x32xf32>
    %swap3A_33 = vector.shape_cast %slice3A_27 : vector<1024x32xf32> to vector<1x1024x32xf32>
    tpu.vector_store %arg4[%swap3A_28, %swap3A_29, %swap3A_30], %swap3A_33 {strides = array<i32>} : memref<2x1024x32xf32, #tpu.memory_space<vmem>>, vector<1x1024x32xf32>,
    return
  }
  func.func @transform_0(%arg0: i32) -> (i32, i32) {
    %c0_i32 = arith.constant 0 : i32
    %c0_i32_0 = arith.constant 0 : i32
    return %arg0, %c0_i32 : i32, i32
  }
  func.func @transform_1(%arg0: i32) -> (i32, i32) {
    %c0_i32 = arith.constant 0 : i32
    %c0_i32_0 = arith.constant 0 : i32
    return %arg0, %c0_i32 : i32, i32
  }
  func.func @transform_2(%arg0: i32) -> (i32, i32) {
    %c0_i32 = arith.constant 0 : i32
    %c0_i32_0 = arith.constant 0 : i32
    %c0_i32_1 = arith.constant 0 : i32
    return %c0_i32, %c0_i32_0 : i32, i32
  }
  func.func @transform_3(%arg0: i32) -> (i32, i32, i32) {
    %c0_i32 = arith.constant 0 : i32
    %c0_i32_0 = arith.constant 0 : i32
    %c0_i32_1 = arith.constant 0 : i32
    return %c0_i32, %arg0, %c0_i32_0 : i32, i32, i32
  }
}

module attributes {stable_mosaic.version = 14 : i64} {
  func.func @body(%arg0: i32, %arg1: memref<1000x128xf32, #tpu.memory_space<vmem>>, %arg2: memref<1000x1xf32, #tpu.memory_space<vmem>>, %arg3: memref<1x64xf32, #tpu.memory_space<vmem>>, %arg4: memref<1000x64xf32, #tpu.memory_space<vmem>>) attributes {dimension_semantics = [#tpu.dimension_semantics<arbitrary>], iteration_bounds = array<i64: 10>, scalar_prefetch = 0 : i64, scratch_operands = 0 : i64, tpu.core_type = #tpu.core_type<tc>, window_params = [{transform_indices = @transform_0, window_bounds = array<i64: 1000, 128>}, {transform_indices = @transform_1, window_bounds = array<i64: 1000, 1>}, {pipeline_mode = #tpu.pipeline_mode<synchronous>, transform_indices = @transform_2, window_bounds = array<i64: 1, 64>}, {transform_indices = @transform_3, window_bounds = array<i64: 1000, 64>}]} {
    %get3A = arith.constant 0 : index
    %get3A_0 = arith.constant 0 : index
    %get3A_1 = vector.load %arg1[%get3A, %get3A_0] : memref<1000x128xf32, #tpu.memory_space<vmem>>, vector<1000x64xf32>
    %get3A_2 = arith.constant 0 : index
    %get3A_3 = arith.constant 0 : index
    %get3A_4 = vector.load %arg2[%get3A_2, %get3A_3] : memref<1000x1xf32, #tpu.memory_space<vmem>>, vector<1000x1xf32>
    %mul3A = vector.broadcast %get3A_4 : vector<1000x1xf32> to vector<1000x64xf32>
    %mul3A_5 = arith.mulf %get3A_1, %mul3A : vector<1000x64xf32>
    %get3A_6 = arith.constant 0 : index
    %get3A_7 = arith.constant 0 : index
    %get3A_8 = vector.load %arg3[%get3A_6, %get3A_7] : memref<1x64xf32, #tpu.memory_space<vmem>>, vector<1x64xf32>
    %add3A = vector.broadcast %get3A_8 : vector<1x64xf32> to vector<1000x64xf32>
    %add3A_9 = arith.addf %mul3A_5, %add3A : vector<1000x64xf32>
    %reduce_max3A = arith.constant dense<0xFF800000> : vector<1000xf32>
    %reduce_max3A_10 = vector.multi_reduction <maximumf>, %add3A_9, %reduce_max3A [1] : vector<1000x64xf32> to vector<1000xf32>
    %broadcast_in_dim3A = vector.shape_cast %reduce_max3A_10 : vector<1000xf32> to vector<1000x1xf32>
    %sub3A = vector.broadcast %broadcast_in_dim3A : vector<1000x1xf32> to vector<1000x64xf32>
    %sub3A_11 = arith.subf %add3A_9, %sub3A : vector<1000x64xf32>
    %exp3A = math.exp %sub3A_11 : vector<1000x64xf32>
    %reduce_sum3A = arith.constant dense<0.000000e+00> : vector<1000xf32>
    %reduce_sum3A_12 = vector.multi_reduction <add>, %exp3A, %reduce_sum3A [1] : vector<1000x64xf32> to vector<1000xf32>
    %broadcast_in_dim3A_13 = vector.shape_cast %reduce_sum3A_12 : vector<1000xf32> to vector<1000x1xf32>
    %log3A = math.log %broadcast_in_dim3A_13 : vector<1000x1xf32>
    %sub3A_14 = vector.broadcast %broadcast_in_dim3A : vector<1000x1xf32> to vector<1000x64xf32>
    %sub3A_15 = arith.subf %add3A_9, %sub3A_14 : vector<1000x64xf32>
    %sub3A_16 = vector.broadcast %log3A : vector<1000x1xf32> to vector<1000x64xf32>
    %sub3A_17 = arith.subf %sub3A_15, %sub3A_16 : vector<1000x64xf32>
    %swap3A = arith.constant 0 : index
    %swap3A_18 = arith.constant 0 : index
    %swap3A_19 = vector.load %arg4[%swap3A, %swap3A_18] : memref<1000x64xf32, #tpu.memory_space<vmem>>, vector<1000x64xf32>
    tpu.vector_store %arg4[%swap3A, %swap3A_18], %sub3A_17 {strides = array<i32>} : memref<1000x64xf32, #tpu.memory_space<vmem>>, vector<1000x64xf32>,
    return
  }
  func.func @transform_0(%arg0: i32) -> (i32, i32) {
    %c0_i32 = arith.constant 0 : i32
    %c0_i32_0 = arith.constant 0 : i32
    return %arg0, %c0_i32 : i32, i32
  }
  func.func @transform_1(%arg0: i32) -> (i32, i32) {
    %c0_i32 = arith.constant 0 : i32
    %c0_i32_0 = arith.constant 0 : i32
    return %arg0, %c0_i32 : i32, i32
  }
  func.func @transform_2(%arg0: i32) -> (i32, i32) {
    %c0_i32 = arith.constant 0 : i32
    %c0_i32_0 = arith.constant 0 : i32
    %c0_i32_1 = arith.constant 0 : i32
    return %c0_i32, %c0_i32_0 : i32, i32
  }
  func.func @transform_3(%arg0: i32) -> (i32, i32) {
    %c0_i32 = arith.constant 0 : i32
    %c0_i32_0 = arith.constant 0 : i32
    return %arg0, %c0_i32 : i32, i32
  }
}

</mosaic_0001>

<sc_bundles>
// kernel: kernel.11.cloned.1.call-start
scs
__scs_entry_jumppad:
0x0: {  	(pc) =	sbr.rel $0x88, $3  }
0x1: {  	(tag) =	ssettag $0x0;
	lr =	simm.s32 $0x1  }
0x2: {  	[smem:$0x3F9B] =	sst lr;
	_ =	strace $0xD0000000  }
0x3: {  	_ = 	snop  }
0x4: {  	_ = 	snop  }
0x5: {  	_ = 	snop  }
0x6: {  	_ = 	snop  }
0x7: {  	_ = 	snop  }
__scs_overlays_trampoline_lowered:
0x8: {  	[smem:$0x3FAA] =	sst s0  }
0x9: {  	[smem:$0x3FAB] =	sst s1  }
0xa: {  	[smem:$0x3FAC] =	sst s2  }
0xb: {  	[smem:$0x3FAD] =	sst s3  }
0xc: {  	[smem:$0x3FAE] =	sst s4  }
0xd: {  	[smem:$0x3FAF] =	sst s5  }
0xe: {  	[smem:$0x3FB0] =	sst s6  }
0xf: {  	[smem:$0x3FB1] =	sst s7  }
0x10: {  	[smem:$0x3FB2] =	sst s8  }
0x11: {  	[smem:$0x3FB3] =	sst s9;
	s0 =	simm.s32 @!p0 $0x0  }
0x12: {  	s1 =	sld [smem:$0x3F99];
	s0 =	simm.s32 @p0 $0x1  }
0x13: {  	[smem:$0x3FB4] =	sst s0;
	s0 =	simm.s32 @!p1 $0x0  }
0x14: {  	s2 =	sld [smem:$0x3F98];
	s0 =	simm.s32 @p1 $0x1  }
0x15: {  	[smem:$0x3FB5] =	sst s0;
	s0 =	simm.s32 @!p2 $0x0  }
0x16: {  	s3 =	sld [smem:$0x3FDB];
	s0 =	simm.s32 @p2 $0x1  }
0x17: {  	s4 =	simm.s32 $0x1BF5;
	[smem:$0x3FB7] =	sst s0  }
0x18: {  	s0 =	sld [smem:$0x3F9A];
	_ =	swait.ge [sflag:s4], $0x0  }
0x19: {  	s7 =	sld [smem:$0x3F9B]  }
0x1a: {  	s8 =	sadd.s32 $0xFFFFE003, lr  }
0x1b: {  	s9 =	sadd.s32 $0xFFFFFEF7, lr;
	s5 =	simm.s32 $0xFFFFFFFF;
	p2 =	slt.u32 s8, $0xFFFFF086  }
0x1c: {  	p1 =	slt.u32 s9, $0xF7A;
	s5 =	simm.s32 @!p2 $0x0  }
0x1d: {  	s5 =	simm.s32 @p1 $0x1;
	p0 =	seq.s32 s7, s2  }
0x1e: {  	s7 =	smul.u32 @!p0 $0xF7A, s2;
	p2 =	seq.s32 @!p0 s5, $0x0  }
0x1f: {  	s9 =	smul.u32 $0xF7A, s1;
	s8 =	simm.s32 @!p0 $0x1BF5;
	p2 =	por !p2, p0  }
0x20: {  	[sflag:s8] =	ssyncset.s32 @!p0 $0xFFFFF086;
	s6 =	sadd.s32 @!p0 s3, s7;
	s7 =	simm.s32 @!p0 $0x108  }
0x21: {  	s3 =	sadd.s32 s3, s9;
	s6 =	sadd.s32 @!p0 $0x88, s6;
	s7 =	simm.s32 @p2 $0x1082  }
0x22: {  	[simem:s7], [sflag:s8] =	dma.local @!p0 [hbm:s6], $0xF7A  }
0x23: {  	s9 =	sor.u32 $0xD0000000, s2;
	s6 =	simm.s32 $0x108;
	_ =	swait.ge @!p0 [sflag:s8], $0x0  }
0x24: {  	s3 =	sadd.s32 $0x88, s3;
	s6 =	simm.s32 @!p1 $0x1082;
	[sflag:s4] =	ssyncset.s32 $0xFFFFF086  }
0x25: {  	[simem:s6], [sflag:s4] =	dma.local [hbm:s3], $0xF7A  }
0x26: {  	[smem:$0x3F9B] =	sst s1;
	(tag) =	ssettag s2;
	_ =	strace s9  }
0x27: {  	s1 =	sld [smem:$0x3FAB]  }
0x28: {  	s2 =	sld [smem:$0x3FAC]  }
0x29: {  	s4 =	sld [smem:$0x3FAE]  }
0x2a: {  	p0 =	seq.s32 s5, $0x0;
	s5 =	sld [smem:$0x3FAF]  }
0x2b: {  	s6 =	sld [smem:$0x3FB0]  }
0x2c: {  	s7 =	sld [smem:$0x3FB1]  }
0x2d: {  	s3 =	simm.s32 $0x108;
	s8 =	sld [smem:$0x3FB2]  }
0x2e: {  	s3 =	simm.s32 @!p0 $0x1082;
	s9 =	sld [smem:$0x3FB3]  }
0x2f: {  	lr =	sadd.s32 s0, s3;
	s0 =	sld [smem:$0x3FAA]  }
0x30: {  	s3 =	sld [smem:$0x3FAD]  }
0x31: {  	[smem:$0x3FB6] =	sst s10  }
0x32: {  	s10 =	sld [smem:$0x3FB4];
	_ =	sdelay $0x3  }
0x33: {  	p0 =	seq.s32 s10, $0x1;
	s10 =	sld [smem:$0x3FB6];
	_ =	sdelay $0x3  }
0x34: {  	[smem:$0x3FB6] =	sst s10  }
0x35: {  	s10 =	sld [smem:$0x3FB5];
	_ =	sdelay $0x3  }
0x36: {  	p1 =	seq.s32 s10, $0x1;
	s10 =	sld [smem:$0x3FB6];
	_ =	sdelay $0x3  }
0x37: {  	[smem:$0x3FB6] =	sst s10  }
0x38: {  	s10 =	sld [smem:$0x3FB7]  }
0x39: {  	_ = 	snop;
	(pc) =	sbr.ind lr, $3  }
0x3a: {  	_ = 	snop  }
0x3b: {  	_ = 	snop  }
0x3c: {  	p2 =	seq.s32 s10, $0x1;
	s10 =	sld [smem:$0x3FB6]  }
0x3d: {  	_ =	shalt  }
0x3e: {  	_ =	shalt  }
0x3f: {  	_ =	shalt  }
0x40: {  	_ =	shalt  }
0x41: {  	_ =	shalt  }
0x42: {  	_ =	shalt  }
0x43: {  	_ =	shalt  }
0x44: {  	_ =	shalt  }
0x45: {  	_ =	shalt  }
0x46: {  	_ =	shalt  }
0x47: {  	_ =	shalt  }
0x48: {  	_ =	shalt  }
0x49: {  	_ =	shalt  }
0x4a: {  	_ =	shalt  }
0x4b: {  	_ =	shalt  }
0x4c: {  	_ =	shalt  }
0x4d: {  	_ =	shalt  }
0x4e: {  	_ =	shalt  }
0x4f: {  	_ =	shalt  }
0x50: {  	_ =	shalt  }
0x51: {  	_ =	shalt  }
0x52: {  	_ =	shalt  }
0x53: {  	_ =	shalt  }
0x54: {  	_ =	shalt  }
0x55: {  	_ =	shalt  }
0x56: {  	_ =	shalt  }
0x57: {  	_ =	shalt  }
0x58: {  	_ =	shalt  }
0x59: {  	_ =	shalt  }
0x5a: {  	_ =	shalt  }
0x5b: {  	_ =	shalt  }
0x5c: {  	_ =	shalt  }
0x5d: {  	_ =	shalt  }
0x5e: {  	_ =	shalt  }
0x5f: {  	_ =	shalt  }
0x60: {  	_ =	shalt  }
0x61: {  	_ =	shalt  }
0x62: {  	_ =	shalt  }
0x63: {  	_ =	shalt  }
0x64: {  	_ =	shalt  }
0x65: {  	_ =	shalt  }
0x66: {  	_ =	shalt  }
0x67: {  	_ =	shalt  }
0x68: {  	_ =	shalt  }
0x69: {  	_ =	shalt  }
0x6a: {  	_ =	shalt  }
0x6b: {  	_ =	shalt  }
0x6c: {  	_ =	shalt  }
0x6d: {  	_ =	shalt  }
0x6e: {  	_ =	shalt  }
0x6f: {  	_ =	shalt  }
0x70: {  	_ =	shalt  }
0x71: {  	_ =	shalt  }
0x72: {  	_ =	shalt  }
0x73: {  	_ =	shalt  }
0x74: {  	_ =	shalt  }
0x75: {  	_ =	shalt  }
0x76: {  	_ =	shalt  }
0x77: {  	_ =	shalt  }
0x78: {  	_ =	shalt  }
0x79: {  	_ =	shalt  }
0x7a: {  	_ =	shalt  }
0x7b: {  	_ =	shalt  }
0x7c: {  	_ =	shalt  }
0x7d: {  	_ =	shalt  }
0x7e: {  	_ =	shalt  }
0x7f: {  	_ =	shalt  }
0x80: {  	_ =	shalt  }
0x81: {  	_ =	shalt  }
0x82: {  	_ =	shalt  }
0x83: {  	_ =	shalt  }
0x84: {  	_ =	shalt  }
0x85: {  	_ =	shalt  }
0x86: {  	_ =	shalt  }
0x87: {  	_ =	shalt  }
.Lfunc_end0:
.L_simem_size_0:
called_computation.1_lowered:
.L_overlay_start_0:
0x88: {  	s2 =	sld [smem:$0x3FD9]  }
0x89: {  	s3 =	sld [smem:$0x3FFE];
	_ =	sdelay $0x1  }
0x8a: {  	s1 =	srdreg.scid  }
0x8b: {  	s0 =	sand.u32 $0x1, s1  }
0x8c: {  	s17 =	sshll.u32 s0, $0xA;
	s2 =	sadd.s32 s3, s2  }
0x8d: {  	s2 =	sadd.s32 s2, s17  }
0x8e: {  	[smem:$0x3FC2] =	sst s2  }
0x8f: {  	_ = 	snop  }
0x90: {  	s2 =	sld [smem:$0x3FD0];
	(tm) =	ssettm $0x1  }
0x91: {  	s18 =	sld [smem:$0x3FFB];
	_ =	sdelay $0x3  }
0x92: {  	_ =	strace s18  }
0x93: {  	s3 =	sld [smem:$0x3FFC];
	_ =	sdelay $0x3  }
0x94: {  	_ =	strace s3  }
0x95: {  	s3 =	sld [smem:$0x3FFD];
	_ =	sdelay $0x3  }
0x96: {  	_ =	strace s3  }
0x97: {  	_ =	strace $0x8FFFFFFF  }
0x98: {  	s19 =	sld [smem:$0x3FDB];
	_ =	sdelay $0x1  }
0x99: {  	s4 =	simm.s32 $_scs_section_size  }
0x9a: {  	s5 =	simm.s32 $_size__tile_overlayer_lowered;
	s6 =	simm.s32 $_tile_overlayer_lowered  }
0x9b: {  	s22 =	simm.s32 $0x1BFF;
	s21 =	sshll.u32 s6, $0x1;
	s3 =	sadd.s32 s4, s19  }
0x9c: {  	s7 =	simm.s32 $0x0;
	s20 =	sshll.u32 s5, $0x1;
	s5 =	sadd.s32 s21, s3  }
0x9d: {  	[timem:s7], [sflag:s22] =	dma.local [hbm:s5], s20  }
0x9e: {  	_ =	swait.ge [sflag:s22], s20  }
0x9f: {  	s4 =	ssub.s32 $0x0, s20;
	[sflag:s22] =	ssyncset.done $0x0  }
0xa0: {  	[sflag:s22] =	ssyncadd.s32 s4;
	_ =	sdelay $0x1  }
0xa1: {  	s23 =	simm.s32 $0x1B8B  }
0xa2: {  	_ =	swait.ge [sflag:s23], $0x1  }
0xa3: {  	[sflag:s23] =	ssyncset.done $0x0  }
0xa4: {  	s25 =	simm.s32 $0x1B8E;
	s24 =	sld [smem:$0x3FFE];
	[sflag:s23] =	ssyncadd.s32 $0xFFFFFFFF  }
0xa5: {  	s26 =	simm.s32 $execute0_lowered;
	[smem:$0x3FD2] =	sst s25  }
0xa6: {  	s5 =	sshll.u32 s26, $0x1;
	_ =	strace $0x80000049;
	[dreg:$0x1] =	wrdreg $0xFFFFFFFF  }
0xa7: {  	s28 =	simm.s32 $_size_execute0_lowered;
	s3 =	sadd.s32 s3, s5;
	[dreg:$0x0] =	wrdreg $0x0  }
0xa8: {  	s5 =	sshll.u32 s28, $0x1;
	[dreg:$0x2] =	wrdreg s3  }
0xa9: {  	[dreg:$0x3] =	wrdreg s5  }
0xaa: {  	[dreg:$0x4] =	wrdreg $0xC0  }
0xab: {  	_ =	task [dreg:s7], $0x5FFFF  }
0xac: {  	[dreg:$0x1] =	wrdreg $0xFFFFFFFF  }
0xad: {  	[dreg:$0x0] =	wrdreg $0x60  }
0xae: {  	[dreg:$0x2] =	wrdreg s24  }
0xaf: {  	[dreg:$0x3] =	wrdreg s2  }
0xb0: {  	[dreg:$0x4] =	wrdreg $0x162000  }
0xb1: {  	[dreg:$0x5] =	wrdreg $0x9  }
0xb2: {  	_ =	task.clear_ibuf [dreg:s7], $0x6FFFF;
	_ =	strace $0x90000049  }
0xb3: {  	s29 =	simm.s32 $0x9;
	_ =	strace $0x8000004B  }
0xb4: {  	_ =	swait.ge [sflag:s29], $0x1  }
0xb5: {  	[sflag:s29] =	ssyncadd.s32 $0xFFFFFFFF  }
0xb6: {  	_ =	strace $0x9000004B  }
0xb7: {  	_ =	sfence  }
0xb8: {  	s30 =	sld [smem:$0x0];
	_ =	sdelay $0x2  }
0xb9: {  	s31 =	sshll.u32 s1, $0xD;
	s1 =	sshrl.u32 s1, $0x2  }
0xba: {  	s3 =	sand.u32 $0x4000, s31;
	s1 =	sadd.s32 s1, s30  }
0xbb: {  	s0 =	sor.u32 s3, s0;
	s1 =	sshll.u32 s1, $0x11  }
0xbc: {  	s0 =	sor.u32 s1, s0  }
0xbd: {  	s0 =	sadd.s32 $0x8F2B, s0  }
0xbe: {  	[sflag:s0] =	ssyncadd.remote.s32 $0x1  }
0xbf: {  	_ =	sfence.sel $0xFFFF  }
0xc0: {  	[dreg:$0x0] =	wrdreg $0xFFFFFFFF;
	(pc) =	sbr.abs _section_cstart, $3  }
0xc1: {  	[dreg:$0x1] =	wrdreg $0xFFFFFFFF  }
0xc2: {  	_ =	task.clear_ibuf [dreg:s7], $0x2FFFF;
	_ =	strace $0x9FFFFFFF  }
0xc3: {  	(tm) =	ssettm $0x7FFFFFFF  }
tec
execute0_lowered:
.L_overlay_start_1:
0x0: {  	(tag) =	ssettag $0x1  }
0x1: {  	s0 =	rddreg [dreg:$0x0]  }
0x2: {  	s1 =	srdreg.scid;
	s11 =	stileid.u32  }
0x3: {  	s3 =	rddreg [dreg:$0x2];
	s4 =	simm.s32 $0x0;
	s10 =	simm.s32 $0xD  }
0x4: {  	s14 =	simm.s32 $0x80;
	s15 =	simm.s32 $0xA200;
	s16 =	simm.s32 $0xC200  }
0x5: {  	s18 =	simm.s32 $0xE200;
	s20 =	simm.s32 $0x10200;
	s29 =	simm.s32 $0x7  }
0x6: {  	s31 =	simm.s32 $0x3;
	s17 =	simm.s32 $0x4;
	s21 =	simm.s32 $0x9  }
0x7: {  	s28 =	simm.s32 $0x5;
	s19 =	simm.s32 $0x6;
	s2 =	smul.u32 $0x5100, s11  }
0x8: {  	s30 =	simm.s32 $0xB;
	s1 =	sand.u32 $0x1, s1;
	s7 =	smul.u32 $0x13C00, s11  }
0x9: {  	[smem:$0x7FF] =	sst s4;
	s22 =	smul.u32 $0x27800, s11;
	s26 =	sshll.u32 s11, $0x6  }
0xa: {  	s5 =	smul.u32 $0x51000, s1;
	_ =	strace $0x8000004A;
	s8 =	sshll.u32 s1, $0x6  }
0xb: {  	s1 =	ssub.s32 $0x2, s1;
	s12 =	sor.u32 $0x1C0D, s26;
	s26 =	simm.s32 $0x2  }
0xc: {  	s7 =	sor.u32 s8, s7;
	s23 =	sshrl.u32 s1, $0x1;
	s24 =	sshrl.u32 s22, $0x2  }
0xd: {  	s22 =	simm.s32 $0x12200;
	s6 =	sadd.s32 s2, s5;
	s5 =	sadd.s32 $0x20800, s0  }
0xe: {  	s2 =	sshrl.u32 s2, $0x3;
	s7 =	sshrl.u32 s7, $0x3;
	s1 =	ssub.s32 s1, s23  }
0xf: {  	s25 =	sadd.s32 s24, s3;
	s23 =	simm.s32 $0x1;
	s24 =	simm.s32 $0xC  }
0x10: {  	s6 =	sshrl.u32 s6, $0x3;
	s2 =	sadd.s32 s2, s0;
	s9 =	smax.u32 s1, $0x1  }
0x11: {  	s13 =	sshrl.u32 s25, $0x3;
	s25 =	simm.s32 $0x14200;
	s1 =	simm.s32 $0xA  }
0x12: {  	s6 =	sadd.s32 s6, s0;
	s0 =	sadd.s32 s7, s0;
	s2 =	sadd.s32 $0x1A00, s2  }
0x13: {  	s6 =	sadd.s32 $0xC400, s6;
	[dreg:$0x5] =	wrdreg s2;
	s8 =	sadd.s32 $0x48000, s0  }
0x14: {  	s0 =	simm.s32 $0x8;
	s2 =	simm.s32 $0x0;
	[dreg:$0x4] =	wrdreg s6  }
.LBB2_1:
0x15: {  	s6 =	rddreg [dreg:$0x4]  }
0x16: {  	[tilespmem:s4], [sflag:$0xD] =	stream.linear.gather [hbm4b:s6+s4], $0x5100, $0x38;
	v63 =	vld [tilespmem:$0x0]  }
0x17: {  	_ =	swait.ge [sflag:s10], $0x5100  }
0x18: {  	[sflag:s10] =	ssyncset.done $0x0  }
0x19: {  	s7 =	simm.s32 $0x5100;
	s11 =	rddreg [dreg:$0x5];
	[sflag:s10] =	ssyncadd.s32 $0xFFFFAF00  }
0x1a: {  	[tilespmem:s7], [sflag:$0xD] =	stream.linear.gather [hbm4b:s11+s4], $0x5100, $0x38;
	v63 =	vld [tilespmem:$0x0]  }
0x1b: {  	_ =	swait.ge [sflag:s10], $0x5100  }
0x1c: {  	[sflag:s10] =	ssyncset.done $0x0  }
0x1d: {  	[sflag:s10] =	ssyncadd.s32 $0xFFFFAF00  }
0x1e: {  	s11 =	rddreg [dreg:$0x1]  }
0x1f: {  	[spmem:s13], [sflag:s12] =	dma.local [hbm:s11], $0x13C0  }
0x20: {  	_ =	swait.ge [sflag:s10], $0x13C0  }
0x21: {  	[sflag:s10] =	ssyncset.done $0x0  }
0x22: {  	[sflag:s10] =	ssyncadd.s32 $0xFFFFEC40  }
0x23: {  	[bflag:$0x0] =	sbarrier.arrive $0xFFFF  }
0x24: {  	[tilespmem:s15], [sflag:$0x1] =	stream.indirect.gather [hbm4b:s5+s14], $0x40, s4, s14, $0xb8;
	v63 =	vld [tilespmem:$0x0]  }
0x25: {  	_ = 	snop  }
0x26: {  	[tilespmem:s16], [sflag:$0x2] =	stream.indirect.gather [hbm4b:s5+s14], $0x40, s14, s14, $0xb8;
	v63 =	vld [tilespmem:$0x0]  }
0x27: {  	s11 =	simm.s32 $0x100  }
0x28: {  	[tilespmem:s18], [sflag:$0x3] =	stream.indirect.gather [hbm4b:s5+s14], $0x40, s11, s14, $0xb8;
	v63 =	vld [tilespmem:$0x0]  }
0x29: {  	s11 =	simm.s32 $0x180  }
0x2a: {  	[tilespmem:s20], [sflag:$0x4] =	stream.indirect.gather [hbm4b:s5+s14], $0x40, s11, s14, $0xb8;
	v63 =	vld [tilespmem:$0x0]  }
0x2b: {  	s11 =	simm.s32 $0x200  }
0x2c: {  	[tilespmem:s22], [sflag:$0x5] =	stream.indirect.gather [hbm4b:s5+s14], $0x40, s11, s14, $0xb8;
	v63 =	vld [tilespmem:$0x0]  }
0x2d: {  	_ =	swait.ge [sflag:s23], $0x2000  }
0x2e: {  	[sflag:s23] =	ssyncset.done $0x0  }
0x2f: {  	[sflag:s23] =	ssyncadd.s32 $0xFFFFE000  }
0x30: {  	[spmem:s3] =	stream.indirect.scatter.add.f32 [tilespmem:s15], [sflag:$0x7], $0x40, s7, s14, $0xb8;
	v63 =	vld [tilespmem:$0x0]  }
0x31: {  	s7 =	simm.s32 $0x280  }
0x32: {  	[tilespmem:s25], [sflag:$0x6] =	stream.indirect.gather [hbm4b:s5+s14], $0x40, s7, s14, $0xb8;
	v63 =	vld [tilespmem:$0x0]  }
0x33: {  	_ =	swait.ge [sflag:s26], $0x2000  }
0x34: {  	[sflag:s26] =	ssyncset.done $0x0  }
0x35: {  	s11 =	simm.s32 $0x5180;
	[sflag:s26] =	ssyncadd.s32 $0xFFFFE000  }
0x36: {  	[spmem:s3] =	stream.indirect.scatter.add.f32 [tilespmem:s16], [sflag:$0x8], $0x40, s11, s14, $0xb8;
	v63 =	vld [tilespmem:$0x0]  }
0x37: {  	_ =	swait.ge [sflag:s29], $0x2000  }
0x38: {  	[sflag:s29] =	ssyncset.done $0x0  }
0x39: {  	s7 =	simm.s32 $0x300;
	[sflag:s29] =	ssyncadd.s32 $0xFFFFE000  }
0x3a: {  	[tilespmem:s15], [sflag:$0x1] =	stream.indirect.gather [hbm4b:s5+s14], $0x40, s7, s14, $0xb8;
	v63 =	vld [tilespmem:$0x0]  }
0x3b: {  	_ =	swait.ge [sflag:s31], $0x2000  }
0x3c: {  	[sflag:s31] =	ssyncset.done $0x0  }
0x3d: {  	s11 =	simm.s32 $0x5200;
	[sflag:s31] =	ssyncadd.s32 $0xFFFFE000  }
0x3e: {  	[spmem:s3] =	stream.indirect.scatter.add.f32 [tilespmem:s18], [sflag:$0x9], $0x40, s11, s14, $0xb8;
	v63 =	vld [tilespmem:$0x0]  }
0x3f: {  	_ =	swait.ge [sflag:s0], $0x2000  }
0x40: {  	[sflag:s0] =	ssyncset.done $0x0  }
0x41: {  	s7 =	simm.s32 $0x380;
	[sflag:s0] =	ssyncadd.s32 $0xFFFFE000  }
0x42: {  	[tilespmem:s16], [sflag:$0x2] =	stream.indirect.gather [hbm4b:s5+s14], $0x40, s7, s14, $0xb8;
	v63 =	vld [tilespmem:$0x0]  }
0x43: {  	_ =	swait.ge [sflag:s17], $0x2000  }
0x44: {  	[sflag:s17] =	ssyncset.done $0x0  }
0x45: {  	s11 =	simm.s32 $0x5280;
	[sflag:s17] =	ssyncadd.s32 $0xFFFFE000  }
0x46: {  	[spmem:s3] =	stream.indirect.scatter.add.f32 [tilespmem:s20], [sflag:$0xA], $0x40, s11, s14, $0xb8;
	v63 =	vld [tilespmem:$0x0]  }
0x47: {  	_ =	swait.ge [sflag:s21], $0x2000  }
0x48: {  	[sflag:s21] =	ssyncset.done $0x0  }
0x49: {  	s7 =	simm.s32 $0x400;
	[sflag:s21] =	ssyncadd.s32 $0xFFFFE000  }
0x4a: {  	[tilespmem:s18], [sflag:$0x3] =	stream.indirect.gather [hbm4b:s5+s14], $0x40, s7, s14, $0xb8;
	v63 =	vld [tilespmem:$0x0]  }
0x4b: {  	_ =	swait.ge [sflag:s28], $0x2000  }
0x4c: {  	[sflag:s28] =	ssyncset.done $0x0  }
0x4d: {  	s11 =	simm.s32 $0x5300;
	[sflag:s28] =	ssyncadd.s32 $0xFFFFE000  }
0x4e: {  	[spmem:s3] =	stream.indirect.scatter.add.f32 [tilespmem:s22], [sflag:$0xB], $0x40, s11, s14, $0xb8;
	v63 =	vld [tilespmem:$0x0]  }
0x4f: {  	_ =	swait.ge [sflag:s1], $0x2000  }
0x50: {  	[sflag:s1] =	ssyncset.done $0x0  }
0x51: {  	s7 =	simm.s32 $0x480;
	[sflag:s1] =	ssyncadd.s32 $0xFFFFE000  }
0x52: {  	[tilespmem:s20], [sflag:$0x4] =	stream.indirect.gather [hbm4b:s5+s14], $0x40, s7, s14, $0xb8;
	v63 =	vld [tilespmem:$0x0]  }
0x53: {  	_ =	swait.ge [sflag:s19], $0x2000  }
0x54: {  	[sflag:s19] =	ssyncset.done $0x0  }
0x55: {  	s11 =	simm.s32 $0x5380;
	[sflag:s19] =	ssyncadd.s32 $0xFFFFE000  }
0x56: {  	[spmem:s3] =	stream.indirect.scatter.add.f32 [tilespmem:s25], [sflag:$0xC], $0x40, s11, s14, $0xb8;
	v63 =	vld [tilespmem:$0x0]  }
0x57: {  	_ =	swait.ge [sflag:s30], $0x2000  }
0x58: {  	[sflag:s30] =	ssyncset.done $0x0  }
0x59: {  	s7 =	simm.s32 $0x500;
	[sflag:s30] =	ssyncadd.s32 $0xFFFFE000  }
0x5a: {  	[tilespmem:s22], [sflag:$0x5] =	stream.indirect.gather [hbm4b:s5+s14], $0x40, s7, s14, $0xb8;
	v63 =	vld [tilespmem:$0x0]  }
0x5b: {  	_ =	swait.ge [sflag:s23], $0x2000  }
0x5c: {  	[sflag:s23] =	ssyncset.done $0x0  }
0x5d: {  	s11 =	simm.s32 $0x5400;
	[sflag:s23] =	ssyncadd.s32 $0xFFFFE000  }
0x5e: {  	[spmem:s3] =	stream.indirect.scatter.add.f32 [tilespmem:s15], [sflag:$0x7], $0x40, s11, s14, $0xb8;
	v63 =	vld [tilespmem:$0x0]  }
0x5f: {  	_ =	swait.ge [sflag:s24], $0x2000  }
0x60: {  	[sflag:s24] =	ssyncset.done $0x0  }
0x61: {  	s7 =	simm.s32 $0x580;
	[sflag:s24] =	ssyncadd.s32 $0xFFFFE000  }
0x62: {  	[tilespmem:s25], [sflag:$0x6] =	stream.indirect.gather [hbm4b:s5+s14], $0x40, s7, s14, $0xb8;
	v63 =	vld [tilespmem:$0x0]  }
0x63: {  	_ =	swait.ge [sflag:s26], $0x2000  }
0x64: {  	[sflag:s26] =	ssyncset.done $0x0  }
0x65: {  	s11 =	simm.s32 $0x5480;
	[sflag:s26] =	ssyncadd.s32 $0xFFFFE000  }
0x66: {  	[spmem:s3] =	stream.indirect.scatter.add.f32 [tilespmem:s16], [sflag:$0x8], $0x40, s11, s14, $0xb8;
	v63 =	vld [tilespmem:$0x0]  }
0x67: {  	_ =	swait.ge [sflag:s29], $0x2000  }
0x68: {  	[sflag:s29] =	ssyncset.done $0x0  }
0x69: {  	s7 =	simm.s32 $0x600;
	[sflag:s29] =	ssyncadd.s32 $0xFFFFE000  }
0x6a: {  	[tilespmem:s15], [sflag:$0x1] =	stream.indirect.gather [hbm4b:s5+s14], $0x40, s7, s14, $0xb8;
	v63 =	vld [tilespmem:$0x0]  }
0x6b: {  	_ =	swait.ge [sflag:s31], $0x2000  }
0x6c: {  	[sflag:s31] =	ssyncset.done $0x0  }
0x6d: {  	s11 =	simm.s32 $0x5500;
	[sflag:s31] =	ssyncadd.s32 $0xFFFFE000  }
0x6e: {  	[spmem:s3] =	stream.indirect.scatter.add.f32 [tilespmem:s18], [sflag:$0x9], $0x40, s11, s14, $0xb8;
	v63 =	vld [tilespmem:$0x0]  }
0x6f: {  	_ =	swait.ge [sflag:s0], $0x2000  }
0x70: {  	[sflag:s0] =	ssyncset.done $0x0  }
0x71: {  	s7 =	simm.s32 $0x680;
	[sflag:s0] =	ssyncadd.s32 $0xFFFFE000  }
0x72: {  	[tilespmem:s16], [sflag:$0x2] =	stream.indirect.gather [hbm4b:s5+s14], $0x40, s7, s14, $0xb8;
	v63 =	vld [tilespmem:$0x0]  }
0x73: {  	_ =	swait.ge [sflag:s17], $0x2000  }
0x74: {  	[sflag:s17] =	ssyncset.done $0x0  }
0x75: {  	s11 =	simm.s32 $0x5580;
	[sflag:s17] =	ssyncadd.s32 $0xFFFFE000  }
0x76: {  	[spmem:s3] =	stream.indirect.scatter.add.f32 [tilespmem:s20], [sflag:$0xA], $0x40, s11, s14, $0xb8;
	v63 =	vld [tilespmem:$0x0]  }
0x77: {  	_ =	swait.ge [sflag:s21], $0x2000  }
0x78: {  	[sflag:s21] =	ssyncset.done $0x0  }
0x79: {  	s7 =	simm.s32 $0x700;
	[sflag:s21] =	ssyncadd.s32 $0xFFFFE000  }
0x7a: {  	[tilespmem:s18], [sflag:$0x3] =	stream.indirect.gather [hbm4b:s5+s14], $0x40, s7, s14, $0xb8;
	v63 =	vld [tilespmem:$0x0]  }
0x7b: {  	_ =	swait.ge [sflag:s28], $0x2000  }
0x7c: {  	[sflag:s28] =	ssyncset.done $0x0  }
0x7d: {  	s11 =	simm.s32 $0x5600;
	[sflag:s28] =	ssyncadd.s32 $0xFFFFE000  }
0x7e: {  	[spmem:s3] =	stream.indirect.scatter.add.f32 [tilespmem:s22], [sflag:$0xB], $0x40, s11, s14, $0xb8;
	v63 =	vld [tilespmem:$0x0]  }
0x7f: {  	_ =	swait.ge [sflag:s1], $0x2000  }
0x80: {  	[sflag:s1] =	ssyncset.done $0x0  }
0x81: {  	s7 =	simm.s32 $0x780;
	[sflag:s1] =	ssyncadd.s32 $0xFFFFE000  }
0x82: {  	[tilespmem:s20], [sflag:$0x4] =	stream.indirect.gather [hbm4b:s5+s14], $0x40, s7, s14, $0xb8;
	v63 =	vld [tilespmem:$0x0]  }
0x83: {  	_ =	swait.ge [sflag:s19], $0x2000  }
0x84: {  	[sflag:s19] =	ssyncset.done $0x0  }
0x85: {  	s11 =	simm.s32 $0x5680;
	[sflag:s19] =	ssyncadd.s32 $0xFFFFE000  }
0x86: {  	[spmem:s3] =	stream.indirect.scatter.add.f32 [tilespmem:s25], [sflag:$0xC], $0x40, s11, s14, $0xb8;
	v63 =	vld [tilespmem:$0x0]  }
0x87: {  	_ =	swait.ge [sflag:s30], $0x2000  }
0x88: {  	[sflag:s30] =	ssyncset.done $0x0  }
0x89: {  	s6 =	simm.s32 $0xC00;
	s7 =	simm.s32 $0x800;
	[sflag:s30] =	ssyncadd.s32 $0xFFFFE000  }
.LBB2_2:
0x8a: {  	[tilespmem:s22], [sflag:$0x5] =	stream.indirect.gather [hbm4b:s5+s14], $0x40, s7, s14, $0xb8;
	v63 =	vld [tilespmem:$0x0]  }
0x8b: {  	s7 =	smov.u32 s6  }
0x8c: {  	p0 =	sne.s32 s6, $0x12000;
	s6 =	sadd.s32 $0xC00, s6;
	_ =	swait.ge [sflag:s23], $0x2000  }
0x8d: {  	s7 =	sshra.s32 s7, $0x2;
	[sflag:s23] =	ssyncset.done $0x0  }
0x8e: {  	s11 =	sadd.s32 $0x5400, s7;
	[sflag:s23] =	ssyncadd.s32 $0xFFFFE000  }
0x8f: {  	[spmem:s3] =	stream.indirect.scatter.add.f32 [tilespmem:s15], [sflag:$0x7], $0x40, s11, s14, $0xb8;
	v63 =	vld [tilespmem:$0x0]  }
0x90: {  	_ =	swait.ge [sflag:s24], $0x2000  }
0x91: {  	[sflag:s24] =	ssyncset.done $0x0  }
0x92: {  	s11 =	sadd.s32 $0x580, s7;
	[sflag:s24] =	ssyncadd.s32 $0xFFFFE000  }
0x93: {  	[tilespmem:s25], [sflag:$0x6] =	stream.indirect.gather [hbm4b:s5+s14], $0x40, s11, s14, $0xb8;
	v63 =	vld [tilespmem:$0x0]  }
0x94: {  	_ =	swait.ge [sflag:s26], $0x2000  }
0x95: {  	[sflag:s26] =	ssyncset.done $0x0  }
0x96: {  	s11 =	sadd.s32 $0x5480, s7;
	[sflag:s26] =	ssyncadd.s32 $0xFFFFE000  }
0x97: {  	[spmem:s3] =	stream.indirect.scatter.add.f32 [tilespmem:s16], [sflag:$0x8], $0x40, s11, s14, $0xb8;
	v63 =	vld [tilespmem:$0x0]  }
0x98: {  	_ =	swait.ge [sflag:s29], $0x2000  }
0x99: {  	[sflag:s29] =	ssyncset.done $0x0  }
0x9a: {  	s11 =	sadd.s32 $0x600, s7;
	[sflag:s29] =	ssyncadd.s32 $0xFFFFE000  }
0x9b: {  	[tilespmem:s15], [sflag:$0x1] =	stream.indirect.gather [hbm4b:s5+s14], $0x40, s11, s14, $0xb8;
	v63 =	vld [tilespmem:$0x0]  }
0x9c: {  	_ =	swait.ge [sflag:s31], $0x2000  }
0x9d: {  	[sflag:s31] =	ssyncset.done $0x0  }
0x9e: {  	s11 =	sadd.s32 $0x5500, s7;
	[sflag:s31] =	ssyncadd.s32 $0xFFFFE000  }
0x9f: {  	[spmem:s3] =	stream.indirect.scatter.add.f32 [tilespmem:s18], [sflag:$0x9], $0x40, s11, s14, $0xb8;
	v63 =	vld [tilespmem:$0x0]  }
0xa0: {  	_ =	swait.ge [sflag:s0], $0x2000  }
0xa1: {  	[sflag:s0] =	ssyncset.done $0x0  }
0xa2: {  	s11 =	sadd.s32 $0x680, s7;
	[sflag:s0] =	ssyncadd.s32 $0xFFFFE000  }
0xa3: {  	[tilespmem:s16], [sflag:$0x2] =	stream.indirect.gather [hbm4b:s5+s14], $0x40, s11, s14, $0xb8;
	v63 =	vld [tilespmem:$0x0]  }
0xa4: {  	_ =	swait.ge [sflag:s17], $0x2000  }
0xa5: {  	[sflag:s17] =	ssyncset.done $0x0  }
0xa6: {  	s11 =	sadd.s32 $0x5580, s7;
	[sflag:s17] =	ssyncadd.s32 $0xFFFFE000  }
0xa7: {  	[spmem:s3] =	stream.indirect.scatter.add.f32 [tilespmem:s20], [sflag:$0xA], $0x40, s11, s14, $0xb8;
	v63 =	vld [tilespmem:$0x0]  }
0xa8: {  	_ =	swait.ge [sflag:s21], $0x2000  }
0xa9: {  	[sflag:s21] =	ssyncset.done $0x0  }
0xaa: {  	s11 =	sadd.s32 $0x700, s7;
	[sflag:s21] =	ssyncadd.s32 $0xFFFFE000  }
0xab: {  	[tilespmem:s18], [sflag:$0x3] =	stream.indirect.gather [hbm4b:s5+s14], $0x40, s11, s14, $0xb8;
	v63 =	vld [tilespmem:$0x0]  }
0xac: {  	_ =	swait.ge [sflag:s28], $0x2000  }
0xad: {  	[sflag:s28] =	ssyncset.done $0x0  }
0xae: {  	s11 =	sadd.s32 $0x5600, s7;
	[sflag:s28] =	ssyncadd.s32 $0xFFFFE000  }
0xaf: {  	[spmem:s3] =	stream.indirect.scatter.add.f32 [tilespmem:s22], [sflag:$0xB], $0x40, s11, s14, $0xb8;
	v63 =	vld [tilespmem:$0x0]  }
0xb0: {  	_ =	swait.ge [sflag:s1], $0x2000  }
0xb1: {  	[sflag:s1] =	ssyncset.done $0x0  }
0xb2: {  	s11 =	sadd.s32 $0x780, s7;
	[sflag:s1] =	ssyncadd.s32 $0xFFFFE000  }
0xb3: {  	[tilespmem:s20], [sflag:$0x4] =	stream.indirect.gather [hbm4b:s5+s14], $0x40, s11, s14, $0xb8;
	v63 =	vld [tilespmem:$0x0]  }
0xb4: {  	_ =	swait.ge [sflag:s19], $0x2000  }
0xb5: {  	[sflag:s19] =	ssyncset.done $0x0  }
.Ltmp0:
0xb6: {  	s11 =	sadd.s32 $0x5680, s7;
	[sflag:s19] =	ssyncadd.s32 $0xFFFFE000;
	(pc) =	sbr.rel @p0 .LBB2_2-.Ltmp0, $4  }
0xb7: {  	[spmem:s3] =	stream.indirect.scatter.add.f32 [tilespmem:s25], [sflag:$0xC], $0x40, s11, s14, $0xb8;
	v63 =	vld [tilespmem:$0x0]  }
0xb8: {  	_ =	swait.ge [sflag:s30], $0x2000  }
0xb9: {  	[sflag:s30] =	ssyncset.done $0x0  }
0xba: {  	s7 =	sadd.s32 $0x800, s7;
	[sflag:s30] =	ssyncadd.s32 $0xFFFFE000  }
0xbb: {  	[tilespmem:s22], [sflag:$0x5] =	stream.indirect.gather [hbm4b:s5+s14], $0x40, s7, s14, $0xb8;
	v63 =	vld [tilespmem:$0x0]  }
0xbc: {  	_ =	swait.ge [sflag:s23], $0x2000  }
0xbd: {  	[sflag:s23] =	ssyncset.done $0x0  }
0xbe: {  	s6 =	simm.s32 $0x9F00;
	[sflag:s23] =	ssyncadd.s32 $0xFFFFE000  }
0xbf: {  	[spmem:s3] =	stream.indirect.scatter.add.f32 [tilespmem:s15], [sflag:$0x7], $0x40, s6, s14, $0xb8;
	v63 =	vld [tilespmem:$0x0]  }
0xc0: {  	_ =	swait.ge [sflag:s24], $0x2000  }
0xc1: {  	[sflag:s24] =	ssyncset.done $0x0  }
0xc2: {  	s11 =	simm.s32 $0x5080;
	[sflag:s24] =	ssyncadd.s32 $0xFFFFE000  }
0xc3: {  	[tilespmem:s25], [sflag:$0x6] =	stream.indirect.gather [hbm4b:s5+s14], $0x40, s11, s14, $0xb8;
	v63 =	vld [tilespmem:$0x0]  }
0xc4: {  	_ =	swait.ge [sflag:s26], $0x2000  }
0xc5: {  	[sflag:s26] =	ssyncset.done $0x0  }
0xc6: {  	s7 =	simm.s32 $0x9F80;
	[sflag:s26] =	ssyncadd.s32 $0xFFFFE000  }
0xc7: {  	[spmem:s3] =	stream.indirect.scatter.add.f32 [tilespmem:s16], [sflag:$0x8], $0x40, s7, s14, $0xb8;
	v63 =	vld [tilespmem:$0x0]  }
0xc8: {  	_ =	swait.ge [sflag:s31], $0x2000  }
0xc9: {  	[sflag:s31] =	ssyncset.done $0x0  }
0xca: {  	s11 =	simm.s32 $0xA000;
	[sflag:s31] =	ssyncadd.s32 $0xFFFFE000  }
0xcb: {  	[spmem:s3] =	stream.indirect.scatter.add.f32 [tilespmem:s18], [sflag:$0x9], $0x40, s11, s14, $0xb8;
	v63 =	vld [tilespmem:$0x0]  }
0xcc: {  	_ =	swait.ge [sflag:s17], $0x2000  }
0xcd: {  	[sflag:s17] =	ssyncset.done $0x0  }
0xce: {  	s7 =	simm.s32 $0xA080;
	[sflag:s17] =	ssyncadd.s32 $0xFFFFE000  }
0xcf: {  	[spmem:s3] =	stream.indirect.scatter.add.f32 [tilespmem:s20], [sflag:$0xA], $0x40, s7, s14, $0xb8;
	v63 =	vld [tilespmem:$0x0]  }
0xd0: {  	_ =	swait.ge [sflag:s28], $0x2000  }
0xd1: {  	[sflag:s28] =	ssyncset.done $0x0  }
0xd2: {  	s11 =	simm.s32 $0xA100;
	[sflag:s28] =	ssyncadd.s32 $0xFFFFE000  }
0xd3: {  	[spmem:s3] =	stream.indirect.scatter.add.f32 [tilespmem:s22], [sflag:$0xB], $0x40, s11, s14, $0xb8;
	v63 =	vld [tilespmem:$0x0]  }
0xd4: {  	_ =	swait.ge [sflag:s19], $0x2000  }
0xd5: {  	[sflag:s19] =	ssyncset.done $0x0  }
0xd6: {  	s7 =	simm.s32 $0xA180;
	[sflag:s19] =	ssyncadd.s32 $0xFFFFE000  }
0xd7: {  	[spmem:s3] =	stream.indirect.scatter.add.f32 [tilespmem:s25], [sflag:$0xC], $0x40, s7, s14, $0xb8;
	v63 =	vld [tilespmem:$0x0]  }
0xd8: {  	_ =	swait.ge [sflag:s29], $0x2000  }
0xd9: {  	[sflag:s29] =	ssyncset.done $0x0  }
0xda: {  	[sflag:s29] =	ssyncadd.s32 $0xFFFFE000  }
0xdb: {  	_ =	swait.ge [sflag:s0], $0x2000  }
0xdc: {  	[sflag:s0] =	ssyncset.done $0x0  }
0xdd: {  	[sflag:s0] =	ssyncadd.s32 $0xFFFFE000  }
0xde: {  	_ =	swait.ge [sflag:s21], $0x2000  }
0xdf: {  	[sflag:s21] =	ssyncset.done $0x0  }
0xe0: {  	[sflag:s21] =	ssyncadd.s32 $0xFFFFE000  }
0xe1: {  	_ =	swait.ge [sflag:s1], $0x2000  }
0xe2: {  	[sflag:s1] =	ssyncset.done $0x0  }
0xe3: {  	[sflag:s1] =	ssyncadd.s32 $0xFFFFE000  }
0xe4: {  	_ =	swait.ge [sflag:s30], $0x2000  }
0xe5: {  	[sflag:s30] =	ssyncset.done $0x0  }
0xe6: {  	[sflag:s30] =	ssyncadd.s32 $0xFFFFE000  }
0xe7: {  	_ =	swait.ge [sflag:s24], $0x2000  }
0xe8: {  	s2 =	sadd.s32 $0x1, s2;
	[sflag:s24] =	ssyncset.done $0x0  }
0xe9: {  	p0 =	sne.s32 s2, s9;
	[sflag:s24] =	ssyncadd.s32 $0xFFFFE000  }
.Ltmp1:
0xea: {  	s11 =	simm.s32 $0x10;
	[bflag:$0x0] =	sbarrier.arrive $0xFFFF;
	(pc) =	sbr.rel @p0 .LBB2_1-.Ltmp1, $4  }
0xeb: {  	[hbm:s8@s11], [sflag:s12] =	dma.strided [spmem:s13@s0], $0x13C0, s23, $0x8   }
0xec: {  	_ =	swait.ge [sflag:s10], $0x13C0  }
0xed: {  	[sflag:s10] =	ssyncset.done $0x0  }
0xee: {  	[sflag:s10] =	ssyncadd.s32 $0xFFFFEC40  }
0xef: {  	_ =	sfence.sel $0x180000  }
0xf0: {  	[bflag:$0x0] =	sbarrier.arrive $0xFFFF  }
0xf1: {  	_ =	strace $0x9000004A  }
0xf2: {  	s0 =	stileid.u32;
	[bflag:$0x2] =	sbarrier.arrive $0xFFFF  }
0xf3: {  	p0 =	sne.s32 s0, $0x0;
	s0 =	rddreg [dreg:$0x3]  }
0xf4: {  	s0 =	sadd.s32 @!p0 $0x100000, s0  }
0xf5: {  	[sflag:s0] =	ssyncadd.tile.s32 @!p0 $0x1;
	_ =	shalt  }
.Lfunc_end2:
_tile_overlayer_lowered:
.L_overlay_start_2:
0xf6: {  	(tag) =	ssettag $0x2  }
0xf7: {  	s0 =	rddreg [dreg:$0x0];
	s2 =	stileid.u32  }
0xf8: {  	s1 =	rddreg [dreg:$0x1];
	p0 =	sne.s32 s2, $0x0  }
0xf9: {  	s3 =	rddreg [dreg:$0x2];
	[bflag:$0x3] =	sbarrier.arrive $0xFFFF;
	s2 =	simm.s32 @!p0 $0x1C0D  }
0xfa: {  	[timem:s3], [sflag:s2] =	dma.local @!p0 [hbm:s0], s1  }
0xfb: {  	s0 =	simm.s32 @!p0 $0xD  }
0xfc: {  	_ =	swait.ge @!p0 [sflag:s0], s1  }
0xfd: {  	s1 =	ssub.s32 @!p0 $0x0, s1;
	[sflag:s0] =	ssyncset.done @!p0 $0x0  }
0xfe: {  	[sflag:s0] =	ssyncadd.s32 @!p0 s1  }
0xff: {  	[bflag:$0x3] =	sbarrier.arrive $0xFFFF  }
0x100: {  	_ =	shalt  }

// kernel: kernel.14.cloned.1.call-start
scs
__scs_entry_jumppad:
0x0: {  	(pc) =	sbr.rel $0x88, $3  }
0x1: {  	(tag) =	ssettag $0x0;
	lr =	simm.s32 $0x1  }
0x2: {  	[smem:$0x3F9B] =	sst lr;
	_ =	strace $0xD0000000  }
0x3: {  	_ = 	snop  }
0x4: {  	_ = 	snop  }
0x5: {  	_ = 	snop  }
0x6: {  	_ = 	snop  }
0x7: {  	_ = 	snop  }
__scs_overlays_trampoline_lowered:
0x8: {  	[smem:$0x3FAA] =	sst s0  }
0x9: {  	[smem:$0x3FAB] =	sst s1  }
0xa: {  	[smem:$0x3FAC] =	sst s2  }
0xb: {  	[smem:$0x3FAD] =	sst s3  }
0xc: {  	[smem:$0x3FAE] =	sst s4  }
0xd: {  	[smem:$0x3FAF] =	sst s5  }
0xe: {  	[smem:$0x3FB0] =	sst s6  }
0xf: {  	[smem:$0x3FB1] =	sst s7  }
0x10: {  	[smem:$0x3FB2] =	sst s8  }
0x11: {  	[smem:$0x3FB3] =	sst s9;
	s0 =	simm.s32 @!p0 $0x0  }
0x12: {  	s1 =	sld [smem:$0x3F99];
	s0 =	simm.s32 @p0 $0x1  }
0x13: {  	[smem:$0x3FB4] =	sst s0;
	s0 =	simm.s32 @!p1 $0x0  }
0x14: {  	s2 =	sld [smem:$0x3F98];
	s0 =	simm.s32 @p1 $0x1  }
0x15: {  	[smem:$0x3FB5] =	sst s0;
	s0 =	simm.s32 @!p2 $0x0  }
0x16: {  	s3 =	sld [smem:$0x3FDB];
	s0 =	simm.s32 @p2 $0x1  }
0x17: {  	s4 =	simm.s32 $0x1BF5;
	[smem:$0x3FB7] =	sst s0  }
0x18: {  	s0 =	sld [smem:$0x3F9A];
	_ =	swait.ge [sflag:s4], $0x0  }
0x19: {  	s7 =	sld [smem:$0x3F9B]  }
0x1a: {  	s8 =	sadd.s32 $0xFFFFE003, lr  }
0x1b: {  	s9 =	sadd.s32 $0xFFFFFEF7, lr;
	s5 =	simm.s32 $0xFFFFFFFF;
	p2 =	slt.u32 s8, $0xFFFFF086  }
0x1c: {  	p1 =	slt.u32 s9, $0xF7A;
	s5 =	simm.s32 @!p2 $0x0  }
0x1d: {  	s5 =	simm.s32 @p1 $0x1;
	p0 =	seq.s32 s7, s2  }
0x1e: {  	s7 =	smul.u32 @!p0 $0xF7A, s2;
	p2 =	seq.s32 @!p0 s5, $0x0  }
0x1f: {  	s9 =	smul.u32 $0xF7A, s1;
	s8 =	simm.s32 @!p0 $0x1BF5;
	p2 =	por !p2, p0  }
0x20: {  	[sflag:s8] =	ssyncset.s32 @!p0 $0xFFFFF086;
	s6 =	sadd.s32 @!p0 s3, s7;
	s7 =	simm.s32 @!p0 $0x108  }
0x21: {  	s3 =	sadd.s32 s3, s9;
	s6 =	sadd.s32 @!p0 $0x88, s6;
	s7 =	simm.s32 @p2 $0x1082  }
0x22: {  	[simem:s7], [sflag:s8] =	dma.local @!p0 [hbm:s6], $0xF7A  }
0x23: {  	s9 =	sor.u32 $0xD0000000, s2;
	s6 =	simm.s32 $0x108;
	_ =	swait.ge @!p0 [sflag:s8], $0x0  }
0x24: {  	s3 =	sadd.s32 $0x88, s3;
	s6 =	simm.s32 @!p1 $0x1082;
	[sflag:s4] =	ssyncset.s32 $0xFFFFF086  }
0x25: {  	[simem:s6], [sflag:s4] =	dma.local [hbm:s3], $0xF7A  }
0x26: {  	[smem:$0x3F9B] =	sst s1;
	(tag) =	ssettag s2;
	_ =	strace s9  }
0x27: {  	s1 =	sld [smem:$0x3FAB]  }
0x28: {  	s2 =	sld [smem:$0x3FAC]  }
0x29: {  	s4 =	sld [smem:$0x3FAE]  }
0x2a: {  	p0 =	seq.s32 s5, $0x0;
	s5 =	sld [smem:$0x3FAF]  }
0x2b: {  	s6 =	sld [smem:$0x3FB0]  }
0x2c: {  	s7 =	sld [smem:$0x3FB1]  }
0x2d: {  	s3 =	simm.s32 $0x108;
	s8 =	sld [smem:$0x3FB2]  }
0x2e: {  	s3 =	simm.s32 @!p0 $0x1082;
	s9 =	sld [smem:$0x3FB3]  }
0x2f: {  	lr =	sadd.s32 s0, s3;
	s0 =	sld [smem:$0x3FAA]  }
0x30: {  	s3 =	sld [smem:$0x3FAD]  }
0x31: {  	[smem:$0x3FB6] =	sst s10  }
0x32: {  	s10 =	sld [smem:$0x3FB4];
	_ =	sdelay $0x3  }
0x33: {  	p0 =	seq.s32 s10, $0x1;
	s10 =	sld [smem:$0x3FB6];
	_ =	sdelay $0x3  }
0x34: {  	[smem:$0x3FB6] =	sst s10  }
0x35: {  	s10 =	sld [smem:$0x3FB5];
	_ =	sdelay $0x3  }
0x36: {  	p1 =	seq.s32 s10, $0x1;
	s10 =	sld [smem:$0x3FB6];
	_ =	sdelay $0x3  }
0x37: {  	[smem:$0x3FB6] =	sst s10  }
0x38: {  	s10 =	sld [smem:$0x3FB7]  }
0x39: {  	_ = 	snop;
	(pc) =	sbr.ind lr, $3  }
0x3a: {  	_ = 	snop  }
0x3b: {  	_ = 	snop  }
0x3c: {  	p2 =	seq.s32 s10, $0x1;
	s10 =	sld [smem:$0x3FB6]  }
0x3d: {  	_ =	shalt  }
0x3e: {  	_ =	shalt  }
0x3f: {  	_ =	shalt  }
0x40: {  	_ =	shalt  }
0x41: {  	_ =	shalt  }
0x42: {  	_ =	shalt  }
0x43: {  	_ =	shalt  }
0x44: {  	_ =	shalt  }
0x45: {  	_ =	shalt  }
0x46: {  	_ =	shalt  }
0x47: {  	_ =	shalt  }
0x48: {  	_ =	shalt  }
0x49: {  	_ =	shalt  }
0x4a: {  	_ =	shalt  }
0x4b: {  	_ =	shalt  }
0x4c: {  	_ =	shalt  }
0x4d: {  	_ =	shalt  }
0x4e: {  	_ =	shalt  }
0x4f: {  	_ =	shalt  }
0x50: {  	_ =	shalt  }
0x51: {  	_ =	shalt  }
0x52: {  	_ =	shalt  }
0x53: {  	_ =	shalt  }
0x54: {  	_ =	shalt  }
0x55: {  	_ =	shalt  }
0x56: {  	_ =	shalt  }
0x57: {  	_ =	shalt  }
0x58: {  	_ =	shalt  }
0x59: {  	_ =	shalt  }
0x5a: {  	_ =	shalt  }
0x5b: {  	_ =	shalt  }
0x5c: {  	_ =	shalt  }
0x5d: {  	_ =	shalt  }
0x5e: {  	_ =	shalt  }
0x5f: {  	_ =	shalt  }
0x60: {  	_ =	shalt  }
0x61: {  	_ =	shalt  }
0x62: {  	_ =	shalt  }
0x63: {  	_ =	shalt  }
0x64: {  	_ =	shalt  }
0x65: {  	_ =	shalt  }
0x66: {  	_ =	shalt  }
0x67: {  	_ =	shalt  }
0x68: {  	_ =	shalt  }
0x69: {  	_ =	shalt  }
0x6a: {  	_ =	shalt  }
0x6b: {  	_ =	shalt  }
0x6c: {  	_ =	shalt  }
0x6d: {  	_ =	shalt  }
0x6e: {  	_ =	shalt  }
0x6f: {  	_ =	shalt  }
0x70: {  	_ =	shalt  }
0x71: {  	_ =	shalt  }
0x72: {  	_ =	shalt  }
0x73: {  	_ =	shalt  }
0x74: {  	_ =	shalt  }
0x75: {  	_ =	shalt  }
0x76: {  	_ =	shalt  }
0x77: {  	_ =	shalt  }
0x78: {  	_ =	shalt  }
0x79: {  	_ =	shalt  }
0x7a: {  	_ =	shalt  }
0x7b: {  	_ =	shalt  }
0x7c: {  	_ =	shalt  }
0x7d: {  	_ =	shalt  }
0x7e: {  	_ =	shalt  }
0x7f: {  	_ =	shalt  }
0x80: {  	_ =	shalt  }
0x81: {  	_ =	shalt  }
0x82: {  	_ =	shalt  }
0x83: {  	_ =	shalt  }
0x84: {  	_ =	shalt  }
0x85: {  	_ =	shalt  }
0x86: {  	_ =	shalt  }
0x87: {  	_ =	shalt  }
.Lfunc_end0:
.L_simem_size_0:
called_computation.2_lowered:
.L_overlay_start_0:
0x88: {  	s2 =	sld [smem:$0x3FD9]  }
0x89: {  	s3 =	sld [smem:$0x3FFE];
	_ =	sdelay $0x1  }
0x8a: {  	s1 =	srdreg.scid  }
0x8b: {  	s0 =	sand.u32 $0x1, s1  }
0x8c: {  	s17 =	sshll.u32 s0, $0xA;
	s2 =	sadd.s32 s3, s2  }
0x8d: {  	s2 =	sadd.s32 s2, s17  }
0x8e: {  	[smem:$0x3FC2] =	sst s2  }
0x8f: {  	_ = 	snop  }
0x90: {  	s2 =	sld [smem:$0x3FD0];
	(tm) =	ssettm $0x1  }
0x91: {  	s18 =	sld [smem:$0x3FFB];
	_ =	sdelay $0x3  }
0x92: {  	_ =	strace s18  }
0x93: {  	s3 =	sld [smem:$0x3FFC];
	_ =	sdelay $0x3  }
0x94: {  	_ =	strace s3  }
0x95: {  	s3 =	sld [smem:$0x3FFD];
	_ =	sdelay $0x3  }
0x96: {  	_ =	strace s3  }
0x97: {  	_ =	strace $0x8FFFFFFF  }
0x98: {  	s19 =	sld [smem:$0x3FDB];
	_ =	sdelay $0x1  }
0x99: {  	s4 =	simm.s32 $_scs_section_size  }
0x9a: {  	s5 =	simm.s32 $_size__tile_overlayer_lowered;
	s6 =	simm.s32 $_tile_overlayer_lowered  }
0x9b: {  	s22 =	simm.s32 $0x1BFF;
	s21 =	sshll.u32 s6, $0x1;
	s3 =	sadd.s32 s4, s19  }
0x9c: {  	s7 =	simm.s32 $0x0;
	s20 =	sshll.u32 s5, $0x1;
	s5 =	sadd.s32 s21, s3  }
0x9d: {  	[timem:s7], [sflag:s22] =	dma.local [hbm:s5], s20  }
0x9e: {  	_ =	swait.ge [sflag:s22], s20  }
0x9f: {  	s4 =	ssub.s32 $0x0, s20;
	[sflag:s22] =	ssyncset.done $0x0  }
0xa0: {  	[sflag:s22] =	ssyncadd.s32 s4;
	_ =	sdelay $0x1  }
0xa1: {  	s23 =	simm.s32 $0x1B8B  }
0xa2: {  	_ =	swait.ge [sflag:s23], $0x1  }
0xa3: {  	[sflag:s23] =	ssyncset.done $0x0  }
0xa4: {  	s25 =	simm.s32 $0x1B8E;
	s24 =	sld [smem:$0x3FFE];
	[sflag:s23] =	ssyncadd.s32 $0xFFFFFFFF  }
0xa5: {  	s26 =	simm.s32 $execute0_lowered;
	[smem:$0x3FD2] =	sst s25  }
0xa6: {  	s5 =	sshll.u32 s26, $0x1;
	_ =	strace $0x8000004C;
	[dreg:$0x1] =	wrdreg $0xFFFFFFFF  }
0xa7: {  	s28 =	simm.s32 $_size_execute0_lowered;
	s3 =	sadd.s32 s3, s5;
	[dreg:$0x0] =	wrdreg $0x0  }
0xa8: {  	s5 =	sshll.u32 s28, $0x1;
	[dreg:$0x2] =	wrdreg s3  }
0xa9: {  	[dreg:$0x3] =	wrdreg s5  }
0xaa: {  	[dreg:$0x4] =	wrdreg $0xC0  }
0xab: {  	_ =	task [dreg:s7], $0x5FFFF  }
0xac: {  	[dreg:$0x1] =	wrdreg $0xFFFFFFFF  }
0xad: {  	[dreg:$0x0] =	wrdreg $0x60  }
0xae: {  	[dreg:$0x2] =	wrdreg s2  }
0xaf: {  	[dreg:$0x3] =	wrdreg s24  }
0xb0: {  	[dreg:$0x4] =	wrdreg $0x102000  }
0xb1: {  	[dreg:$0x5] =	wrdreg $0x9  }
0xb2: {  	_ =	task.clear_ibuf [dreg:s7], $0x6FFFF;
	_ =	strace $0x9000004C  }
0xb3: {  	s29 =	simm.s32 $0x9;
	_ =	strace $0x8000004E  }
0xb4: {  	_ =	swait.ge [sflag:s29], $0x1  }
0xb5: {  	[sflag:s29] =	ssyncadd.s32 $0xFFFFFFFF  }
0xb6: {  	_ =	strace $0x9000004E  }
0xb7: {  	_ =	sfence  }
0xb8: {  	s30 =	sld [smem:$0x0];
	_ =	sdelay $0x2  }
0xb9: {  	s31 =	sshll.u32 s1, $0xD;
	s1 =	sshrl.u32 s1, $0x2  }
0xba: {  	s3 =	sand.u32 $0x4000, s31;
	s1 =	sadd.s32 s1, s30  }
0xbb: {  	s0 =	sor.u32 s3, s0;
	s1 =	sshll.u32 s1, $0x11  }
0xbc: {  	s0 =	sor.u32 s1, s0  }
0xbd: {  	s0 =	sadd.s32 $0x8F2B, s0  }
0xbe: {  	[sflag:s0] =	ssyncadd.remote.s32 $0x1  }
0xbf: {  	_ =	sfence.sel $0xFFFF  }
0xc0: {  	[dreg:$0x0] =	wrdreg $0xFFFFFFFF;
	(pc) =	sbr.abs _section_cstart, $3  }
0xc1: {  	[dreg:$0x1] =	wrdreg $0xFFFFFFFF  }
0xc2: {  	_ =	task.clear_ibuf [dreg:s7], $0x2FFFF;
	_ =	strace $0x9FFFFFFF  }
0xc3: {  	(tm) =	ssettm $0x7FFFFFFF  }
tec
execute0_lowered:
.L_overlay_start_1:
0x0: {  	(tag) =	ssettag $0x1  }
0x1: {  	s1 =	rddreg [dreg:$0x0];
	s0 =	srdreg.scid  }
0x2: {  	s11 =	stileid.u32;
	s2 =	rddreg [dreg:$0x1]  }
0x3: {  	s3 =	rddreg [dreg:$0x2];
	s4 =	simm.s32 $0x0;
	s10 =	simm.s32 $0xD  }
0x4: {  	s14 =	simm.s32 $0x80;
	s15 =	simm.s32 $0xA200;
	s16 =	simm.s32 $0xB200  }
0x5: {  	s18 =	simm.s32 $0xC200;
	s20 =	simm.s32 $0xD200;
	s22 =	simm.s32 $0xE200  }
0x6: {  	s29 =	simm.s32 $0x7;
	s31 =	simm.s32 $0x3;
	s19 =	simm.s32 $0x4  }
0x7: {  	s30 =	simm.s32 $0x5;
	s17 =	simm.s32 $0xA;
	s28 =	simm.s32 $0x6  }
0x8: {  	s21 =	simm.s32 $0xB;
	s0 =	sand.u32 $0x1, s0;
	s5 =	smul.u32 $0x5100, s11  }
0x9: {  	[smem:$0x7FF] =	sst s4;
	s7 =	smul.u32 $0x13C00, s11;
	s9 =	sadd.s32 $0x20800, s2  }
0xa: {  	s26 =	sshll.u32 s11, $0x6;
	s6 =	smul.u32 $0x51000, s0;
	_ =	strace $0x8000004D  }
0xb: {  	s8 =	sshll.u32 s0, $0x5;
	s0 =	ssub.s32 $0x2, s0;
	[dreg:$0x4] =	wrdreg s9  }
0xc: {  	s12 =	sor.u32 $0x1C0D, s26;
	s26 =	simm.s32 $0x2;
	s8 =	sor.u32 s8, s7  }
0xd: {  	s23 =	sshrl.u32 s0, $0x1;
	s24 =	sshrl.u32 s7, $0x2;
	s6 =	sadd.s32 s5, s6  }
0xe: {  	s5 =	sshrl.u32 s5, $0x3;
	s8 =	sshrl.u32 s8, $0x3;
	s0 =	ssub.s32 s0, s23  }
0xf: {  	s25 =	sadd.s32 s24, s3;
	s23 =	simm.s32 $0x1;
	s24 =	simm.s32 $0x9  }
0x10: {  	s6 =	sshrl.u32 s6, $0x3;
	s5 =	sadd.s32 s5, s2;
	s9 =	smax.u32 s0, $0x1  }
0x11: {  	s13 =	sshrl.u32 s25, $0x3;
	s25 =	simm.s32 $0xF200;
	s0 =	simm.s32 $0x8  }
0x12: {  	s6 =	sadd.s32 s6, s2;
	s2 =	sadd.s32 s8, s2;
	s5 =	sadd.s32 $0x1A00, s5  }
0x13: {  	s6 =	sadd.s32 $0xC400, s6;
	[dreg:$0x6] =	wrdreg s5;
	s8 =	sadd.s32 $0x21200, s2  }
0x14: {  	s2 =	simm.s32 $0xC;
	s5 =	simm.s32 $0x0;
	[dreg:$0x5] =	wrdreg s6  }
.LBB2_1:
0x15: {  	s6 =	rddreg [dreg:$0x5]  }
0x16: {  	[tilespmem:s4], [sflag:$0xD] =	stream.linear.gather [hbm4b:s6+s4], $0x5100, $0x38;
	[tilespmem:$0x15100] =	vst v63  }
0x17: {  	_ =	swait.ge [sflag:s10], $0x5100  }
0x18: {  	[sflag:s10] =	ssyncset.done $0x0  }
0x19: {  	s7 =	simm.s32 $0x5100;
	s11 =	rddreg [dreg:$0x6];
	[sflag:s10] =	ssyncadd.s32 $0xFFFFAF00  }
0x1a: {  	[tilespmem:s7], [sflag:$0xD] =	stream.linear.gather [hbm4b:s11+s4], $0x5100, $0x38;
	[tilespmem:$0x15100] =	vst v63  }
0x1b: {  	_ =	swait.ge [sflag:s10], $0x5100  }
0x1c: {  	[sflag:s10] =	ssyncset.done $0x0  }
0x1d: {  	s11 =	rddreg [dreg:$0x4];
	[sflag:s10] =	ssyncadd.s32 $0xFFFFAF00  }
0x1e: {  	[spmem:s13], [sflag:s12] =	dma.local [hbm:s11], $0x9E0  }
0x1f: {  	_ =	swait.ge [sflag:s10], $0x9E0  }
0x20: {  	[sflag:s10] =	ssyncset.done $0x0  }
0x21: {  	[sflag:s10] =	ssyncadd.s32 $0xFFFFF620  }
0x22: {  	[bflag:$0x0] =	sbarrier.arrive $0xFFFF  }
0x23: {  	[tilespmem:s15], [sflag:$0x1] =	stream.indirect.gather [hbm4b:s1+s14], $0x20, s4, s14, $0xb8;
	[tilespmem:$0x15100] =	vst v63  }
0x24: {  	_ = 	snop  }
0x25: {  	[tilespmem:s16], [sflag:$0x2] =	stream.indirect.gather [hbm4b:s1+s14], $0x20, s14, s14, $0xb8;
	[tilespmem:$0x15100] =	vst v63  }
0x26: {  	s11 =	simm.s32 $0x100  }
0x27: {  	[tilespmem:s18], [sflag:$0x3] =	stream.indirect.gather [hbm4b:s1+s14], $0x20, s11, s14, $0xb8;
	[tilespmem:$0x15100] =	vst v63  }
0x28: {  	s11 =	simm.s32 $0x180  }
0x29: {  	[tilespmem:s20], [sflag:$0x4] =	stream.indirect.gather [hbm4b:s1+s14], $0x20, s11, s14, $0xb8;
	[tilespmem:$0x15100] =	vst v63  }
0x2a: {  	s11 =	simm.s32 $0x200  }
0x2b: {  	[tilespmem:s22], [sflag:$0x5] =	stream.indirect.gather [hbm4b:s1+s14], $0x20, s11, s14, $0xb8;
	[tilespmem:$0x15100] =	vst v63  }
0x2c: {  	_ =	swait.ge [sflag:s23], $0x1000  }
0x2d: {  	[sflag:s23] =	ssyncset.done $0x0  }
0x2e: {  	[sflag:s23] =	ssyncadd.s32 $0xFFFFF000  }
0x2f: {  	[spmem:s3] =	stream.indirect.scatter.add.f32 [tilespmem:s15], [sflag:$0x7], $0x20, s7, s14, $0xb8;
	[tilespmem:$0x15100] =	vst v63  }
0x30: {  	s7 =	simm.s32 $0x280  }
0x31: {  	[tilespmem:s25], [sflag:$0x6] =	stream.indirect.gather [hbm4b:s1+s14], $0x20, s7, s14, $0xb8;
	[tilespmem:$0x15100] =	vst v63  }
0x32: {  	_ =	swait.ge [sflag:s26], $0x1000  }
0x33: {  	[sflag:s26] =	ssyncset.done $0x0  }
0x34: {  	s11 =	simm.s32 $0x5180;
	[sflag:s26] =	ssyncadd.s32 $0xFFFFF000  }
0x35: {  	[spmem:s3] =	stream.indirect.scatter.add.f32 [tilespmem:s16], [sflag:$0x8], $0x20, s11, s14, $0xb8;
	[tilespmem:$0x15100] =	vst v63  }
0x36: {  	_ =	swait.ge [sflag:s29], $0x1000  }
0x37: {  	[sflag:s29] =	ssyncset.done $0x0  }
0x38: {  	s7 =	simm.s32 $0x300;
	[sflag:s29] =	ssyncadd.s32 $0xFFFFF000  }
0x39: {  	[tilespmem:s15], [sflag:$0x1] =	stream.indirect.gather [hbm4b:s1+s14], $0x20, s7, s14, $0xb8;
	[tilespmem:$0x15100] =	vst v63  }
0x3a: {  	_ =	swait.ge [sflag:s31], $0x1000  }
0x3b: {  	[sflag:s31] =	ssyncset.done $0x0  }
0x3c: {  	s11 =	simm.s32 $0x5200;
	[sflag:s31] =	ssyncadd.s32 $0xFFFFF000  }
0x3d: {  	[spmem:s3] =	stream.indirect.scatter.add.f32 [tilespmem:s18], [sflag:$0x9], $0x20, s11, s14, $0xb8;
	[tilespmem:$0x15100] =	vst v63  }
0x3e: {  	_ =	swait.ge [sflag:s0], $0x1000  }
0x3f: {  	[sflag:s0] =	ssyncset.done $0x0  }
0x40: {  	s7 =	simm.s32 $0x380;
	[sflag:s0] =	ssyncadd.s32 $0xFFFFF000  }
0x41: {  	[tilespmem:s16], [sflag:$0x2] =	stream.indirect.gather [hbm4b:s1+s14], $0x20, s7, s14, $0xb8;
	[tilespmem:$0x15100] =	vst v63  }
0x42: {  	_ =	swait.ge [sflag:s19], $0x1000  }
0x43: {  	[sflag:s19] =	ssyncset.done $0x0  }
0x44: {  	s11 =	simm.s32 $0x5280;
	[sflag:s19] =	ssyncadd.s32 $0xFFFFF000  }
0x45: {  	[spmem:s3] =	stream.indirect.scatter.add.f32 [tilespmem:s20], [sflag:$0xA], $0x20, s11, s14, $0xb8;
	[tilespmem:$0x15100] =	vst v63  }
0x46: {  	_ =	swait.ge [sflag:s24], $0x1000  }
0x47: {  	[sflag:s24] =	ssyncset.done $0x0  }
0x48: {  	s7 =	simm.s32 $0x400;
	[sflag:s24] =	ssyncadd.s32 $0xFFFFF000  }
0x49: {  	[tilespmem:s18], [sflag:$0x3] =	stream.indirect.gather [hbm4b:s1+s14], $0x20, s7, s14, $0xb8;
	[tilespmem:$0x15100] =	vst v63  }
0x4a: {  	_ =	swait.ge [sflag:s30], $0x1000  }
0x4b: {  	[sflag:s30] =	ssyncset.done $0x0  }
0x4c: {  	s11 =	simm.s32 $0x5300;
	[sflag:s30] =	ssyncadd.s32 $0xFFFFF000  }
0x4d: {  	[spmem:s3] =	stream.indirect.scatter.add.f32 [tilespmem:s22], [sflag:$0xB], $0x20, s11, s14, $0xb8;
	[tilespmem:$0x15100] =	vst v63  }
0x4e: {  	_ =	swait.ge [sflag:s17], $0x1000  }
0x4f: {  	[sflag:s17] =	ssyncset.done $0x0  }
0x50: {  	s7 =	simm.s32 $0x480;
	[sflag:s17] =	ssyncadd.s32 $0xFFFFF000  }
0x51: {  	[tilespmem:s20], [sflag:$0x4] =	stream.indirect.gather [hbm4b:s1+s14], $0x20, s7, s14, $0xb8;
	[tilespmem:$0x15100] =	vst v63  }
0x52: {  	_ =	swait.ge [sflag:s28], $0x1000  }
0x53: {  	[sflag:s28] =	ssyncset.done $0x0  }
0x54: {  	s11 =	simm.s32 $0x5380;
	[sflag:s28] =	ssyncadd.s32 $0xFFFFF000  }
0x55: {  	[spmem:s3] =	stream.indirect.scatter.add.f32 [tilespmem:s25], [sflag:$0xC], $0x20, s11, s14, $0xb8;
	[tilespmem:$0x15100] =	vst v63  }
0x56: {  	_ =	swait.ge [sflag:s21], $0x1000  }
0x57: {  	[sflag:s21] =	ssyncset.done $0x0  }
0x58: {  	s7 =	simm.s32 $0x500;
	[sflag:s21] =	ssyncadd.s32 $0xFFFFF000  }
0x59: {  	[tilespmem:s22], [sflag:$0x5] =	stream.indirect.gather [hbm4b:s1+s14], $0x20, s7, s14, $0xb8;
	[tilespmem:$0x15100] =	vst v63  }
0x5a: {  	_ =	swait.ge [sflag:s23], $0x1000  }
0x5b: {  	[sflag:s23] =	ssyncset.done $0x0  }
0x5c: {  	s11 =	simm.s32 $0x5400;
	[sflag:s23] =	ssyncadd.s32 $0xFFFFF000  }
0x5d: {  	[spmem:s3] =	stream.indirect.scatter.add.f32 [tilespmem:s15], [sflag:$0x7], $0x20, s11, s14, $0xb8;
	[tilespmem:$0x15100] =	vst v63  }
0x5e: {  	_ =	swait.ge [sflag:s2], $0x1000  }
0x5f: {  	[sflag:s2] =	ssyncset.done $0x0  }
0x60: {  	s7 =	simm.s32 $0x580;
	[sflag:s2] =	ssyncadd.s32 $0xFFFFF000  }
0x61: {  	[tilespmem:s25], [sflag:$0x6] =	stream.indirect.gather [hbm4b:s1+s14], $0x20, s7, s14, $0xb8;
	[tilespmem:$0x15100] =	vst v63  }
0x62: {  	_ =	swait.ge [sflag:s26], $0x1000  }
0x63: {  	[sflag:s26] =	ssyncset.done $0x0  }
0x64: {  	s11 =	simm.s32 $0x5480;
	[sflag:s26] =	ssyncadd.s32 $0xFFFFF000  }
0x65: {  	[spmem:s3] =	stream.indirect.scatter.add.f32 [tilespmem:s16], [sflag:$0x8], $0x20, s11, s14, $0xb8;
	[tilespmem:$0x15100] =	vst v63  }
0x66: {  	_ =	swait.ge [sflag:s29], $0x1000  }
0x67: {  	[sflag:s29] =	ssyncset.done $0x0  }
0x68: {  	s7 =	simm.s32 $0x600;
	[sflag:s29] =	ssyncadd.s32 $0xFFFFF000  }
0x69: {  	[tilespmem:s15], [sflag:$0x1] =	stream.indirect.gather [hbm4b:s1+s14], $0x20, s7, s14, $0xb8;
	[tilespmem:$0x15100] =	vst v63  }
0x6a: {  	_ =	swait.ge [sflag:s31], $0x1000  }
0x6b: {  	[sflag:s31] =	ssyncset.done $0x0  }
0x6c: {  	s11 =	simm.s32 $0x5500;
	[sflag:s31] =	ssyncadd.s32 $0xFFFFF000  }
0x6d: {  	[spmem:s3] =	stream.indirect.scatter.add.f32 [tilespmem:s18], [sflag:$0x9], $0x20, s11, s14, $0xb8;
	[tilespmem:$0x15100] =	vst v63  }
0x6e: {  	_ =	swait.ge [sflag:s0], $0x1000  }
0x6f: {  	[sflag:s0] =	ssyncset.done $0x0  }
0x70: {  	s7 =	simm.s32 $0x680;
	[sflag:s0] =	ssyncadd.s32 $0xFFFFF000  }
0x71: {  	[tilespmem:s16], [sflag:$0x2] =	stream.indirect.gather [hbm4b:s1+s14], $0x20, s7, s14, $0xb8;
	[tilespmem:$0x15100] =	vst v63  }
0x72: {  	_ =	swait.ge [sflag:s19], $0x1000  }
0x73: {  	[sflag:s19] =	ssyncset.done $0x0  }
0x74: {  	s11 =	simm.s32 $0x5580;
	[sflag:s19] =	ssyncadd.s32 $0xFFFFF000  }
0x75: {  	[spmem:s3] =	stream.indirect.scatter.add.f32 [tilespmem:s20], [sflag:$0xA], $0x20, s11, s14, $0xb8;
	[tilespmem:$0x15100] =	vst v63  }
0x76: {  	_ =	swait.ge [sflag:s24], $0x1000  }
0x77: {  	[sflag:s24] =	ssyncset.done $0x0  }
0x78: {  	s7 =	simm.s32 $0x700;
	[sflag:s24] =	ssyncadd.s32 $0xFFFFF000  }
0x79: {  	[tilespmem:s18], [sflag:$0x3] =	stream.indirect.gather [hbm4b:s1+s14], $0x20, s7, s14, $0xb8;
	[tilespmem:$0x15100] =	vst v63  }
0x7a: {  	_ =	swait.ge [sflag:s30], $0x1000  }
0x7b: {  	[sflag:s30] =	ssyncset.done $0x0  }
0x7c: {  	s11 =	simm.s32 $0x5600;
	[sflag:s30] =	ssyncadd.s32 $0xFFFFF000  }
0x7d: {  	[spmem:s3] =	stream.indirect.scatter.add.f32 [tilespmem:s22], [sflag:$0xB], $0x20, s11, s14, $0xb8;
	[tilespmem:$0x15100] =	vst v63  }
0x7e: {  	_ =	swait.ge [sflag:s17], $0x1000  }
0x7f: {  	[sflag:s17] =	ssyncset.done $0x0  }
0x80: {  	s7 =	simm.s32 $0x780;
	[sflag:s17] =	ssyncadd.s32 $0xFFFFF000  }
0x81: {  	[tilespmem:s20], [sflag:$0x4] =	stream.indirect.gather [hbm4b:s1+s14], $0x20, s7, s14, $0xb8;
	[tilespmem:$0x15100] =	vst v63  }
0x82: {  	_ =	swait.ge [sflag:s28], $0x1000  }
0x83: {  	[sflag:s28] =	ssyncset.done $0x0  }
0x84: {  	s11 =	simm.s32 $0x5680;
	[sflag:s28] =	ssyncadd.s32 $0xFFFFF000  }
0x85: {  	[spmem:s3] =	stream.indirect.scatter.add.f32 [tilespmem:s25], [sflag:$0xC], $0x20, s11, s14, $0xb8;
	[tilespmem:$0x15100] =	vst v63  }
0x86: {  	_ =	swait.ge [sflag:s21], $0x1000  }
0x87: {  	[sflag:s21] =	ssyncset.done $0x0  }
0x88: {  	s6 =	simm.s32 $0xC00;
	s7 =	simm.s32 $0x800;
	[sflag:s21] =	ssyncadd.s32 $0xFFFFF000  }
.LBB2_2:
0x89: {  	[tilespmem:s22], [sflag:$0x5] =	stream.indirect.gather [hbm4b:s1+s14], $0x20, s7, s14, $0xb8;
	[tilespmem:$0x15100] =	vst v63  }
0x8a: {  	s7 =	smov.u32 s6  }
0x8b: {  	p0 =	sne.s32 s6, $0x12000;
	s6 =	sadd.s32 $0xC00, s6;
	_ =	swait.ge [sflag:s23], $0x1000  }
0x8c: {  	s7 =	sshra.s32 s7, $0x2;
	[sflag:s23] =	ssyncset.done $0x0  }
0x8d: {  	s11 =	sadd.s32 $0x5400, s7;
	[sflag:s23] =	ssyncadd.s32 $0xFFFFF000  }
0x8e: {  	[spmem:s3] =	stream.indirect.scatter.add.f32 [tilespmem:s15], [sflag:$0x7], $0x20, s11, s14, $0xb8;
	[tilespmem:$0x15100] =	vst v63  }
0x8f: {  	_ =	swait.ge [sflag:s2], $0x1000  }
0x90: {  	[sflag:s2] =	ssyncset.done $0x0  }
0x91: {  	s11 =	sadd.s32 $0x580, s7;
	[sflag:s2] =	ssyncadd.s32 $0xFFFFF000  }
0x92: {  	[tilespmem:s25], [sflag:$0x6] =	stream.indirect.gather [hbm4b:s1+s14], $0x20, s11, s14, $0xb8;
	[tilespmem:$0x15100] =	vst v63  }
0x93: {  	_ =	swait.ge [sflag:s26], $0x1000  }
0x94: {  	[sflag:s26] =	ssyncset.done $0x0  }
0x95: {  	s11 =	sadd.s32 $0x5480, s7;
	[sflag:s26] =	ssyncadd.s32 $0xFFFFF000  }
0x96: {  	[spmem:s3] =	stream.indirect.scatter.add.f32 [tilespmem:s16], [sflag:$0x8], $0x20, s11, s14, $0xb8;
	[tilespmem:$0x15100] =	vst v63  }
0x97: {  	_ =	swait.ge [sflag:s29], $0x1000  }
0x98: {  	[sflag:s29] =	ssyncset.done $0x0  }
0x99: {  	s11 =	sadd.s32 $0x600, s7;
	[sflag:s29] =	ssyncadd.s32 $0xFFFFF000  }
0x9a: {  	[tilespmem:s15], [sflag:$0x1] =	stream.indirect.gather [hbm4b:s1+s14], $0x20, s11, s14, $0xb8;
	[tilespmem:$0x15100] =	vst v63  }
0x9b: {  	_ =	swait.ge [sflag:s31], $0x1000  }
0x9c: {  	[sflag:s31] =	ssyncset.done $0x0  }
0x9d: {  	s11 =	sadd.s32 $0x5500, s7;
	[sflag:s31] =	ssyncadd.s32 $0xFFFFF000  }
0x9e: {  	[spmem:s3] =	stream.indirect.scatter.add.f32 [tilespmem:s18], [sflag:$0x9], $0x20, s11, s14, $0xb8;
	[tilespmem:$0x15100] =	vst v63  }
0x9f: {  	_ =	swait.ge [sflag:s0], $0x1000  }
0xa0: {  	[sflag:s0] =	ssyncset.done $0x0  }
0xa1: {  	s11 =	sadd.s32 $0x680, s7;
	[sflag:s0] =	ssyncadd.s32 $0xFFFFF000  }
0xa2: {  	[tilespmem:s16], [sflag:$0x2] =	stream.indirect.gather [hbm4b:s1+s14], $0x20, s11, s14, $0xb8;
	[tilespmem:$0x15100] =	vst v63  }
0xa3: {  	_ =	swait.ge [sflag:s19], $0x1000  }
0xa4: {  	[sflag:s19] =	ssyncset.done $0x0  }
0xa5: {  	s11 =	sadd.s32 $0x5580, s7;
	[sflag:s19] =	ssyncadd.s32 $0xFFFFF000  }
0xa6: {  	[spmem:s3] =	stream.indirect.scatter.add.f32 [tilespmem:s20], [sflag:$0xA], $0x20, s11, s14, $0xb8;
	[tilespmem:$0x15100] =	vst v63  }
0xa7: {  	_ =	swait.ge [sflag:s24], $0x1000  }
0xa8: {  	[sflag:s24] =	ssyncset.done $0x0  }
0xa9: {  	s11 =	sadd.s32 $0x700, s7;
	[sflag:s24] =	ssyncadd.s32 $0xFFFFF000  }
0xaa: {  	[tilespmem:s18], [sflag:$0x3] =	stream.indirect.gather [hbm4b:s1+s14], $0x20, s11, s14, $0xb8;
	[tilespmem:$0x15100] =	vst v63  }
0xab: {  	_ =	swait.ge [sflag:s30], $0x1000  }
0xac: {  	[sflag:s30] =	ssyncset.done $0x0  }
0xad: {  	s11 =	sadd.s32 $0x5600, s7;
	[sflag:s30] =	ssyncadd.s32 $0xFFFFF000  }
0xae: {  	[spmem:s3] =	stream.indirect.scatter.add.f32 [tilespmem:s22], [sflag:$0xB], $0x20, s11, s14, $0xb8;
	[tilespmem:$0x15100] =	vst v63  }
0xaf: {  	_ =	swait.ge [sflag:s17], $0x1000  }
0xb0: {  	[sflag:s17] =	ssyncset.done $0x0  }
0xb1: {  	s11 =	sadd.s32 $0x780, s7;
	[sflag:s17] =	ssyncadd.s32 $0xFFFFF000  }
0xb2: {  	[tilespmem:s20], [sflag:$0x4] =	stream.indirect.gather [hbm4b:s1+s14], $0x20, s11, s14, $0xb8;
	[tilespmem:$0x15100] =	vst v63  }
0xb3: {  	_ =	swait.ge [sflag:s28], $0x1000  }
0xb4: {  	[sflag:s28] =	ssyncset.done $0x0  }
.Ltmp0:
0xb5: {  	s11 =	sadd.s32 $0x5680, s7;
	[sflag:s28] =	ssyncadd.s32 $0xFFFFF000;
	(pc) =	sbr.rel @p0 .LBB2_2-.Ltmp0, $4  }
0xb6: {  	[spmem:s3] =	stream.indirect.scatter.add.f32 [tilespmem:s25], [sflag:$0xC], $0x20, s11, s14, $0xb8;
	[tilespmem:$0x15100] =	vst v63  }
0xb7: {  	_ =	swait.ge [sflag:s21], $0x1000  }
0xb8: {  	[sflag:s21] =	ssyncset.done $0x0  }
0xb9: {  	s7 =	sadd.s32 $0x800, s7;
	[sflag:s21] =	ssyncadd.s32 $0xFFFFF000  }
0xba: {  	[tilespmem:s22], [sflag:$0x5] =	stream.indirect.gather [hbm4b:s1+s14], $0x20, s7, s14, $0xb8;
	[tilespmem:$0x15100] =	vst v63  }
0xbb: {  	_ =	swait.ge [sflag:s23], $0x1000  }
0xbc: {  	[sflag:s23] =	ssyncset.done $0x0  }
0xbd: {  	s6 =	simm.s32 $0x9F00;
	[sflag:s23] =	ssyncadd.s32 $0xFFFFF000  }
0xbe: {  	[spmem:s3] =	stream.indirect.scatter.add.f32 [tilespmem:s15], [sflag:$0x7], $0x20, s6, s14, $0xb8;
	[tilespmem:$0x15100] =	vst v63  }
0xbf: {  	_ =	swait.ge [sflag:s2], $0x1000  }
0xc0: {  	[sflag:s2] =	ssyncset.done $0x0  }
0xc1: {  	s11 =	simm.s32 $0x5080;
	[sflag:s2] =	ssyncadd.s32 $0xFFFFF000  }
0xc2: {  	[tilespmem:s25], [sflag:$0x6] =	stream.indirect.gather [hbm4b:s1+s14], $0x20, s11, s14, $0xb8;
	[tilespmem:$0x15100] =	vst v63  }
0xc3: {  	_ =	swait.ge [sflag:s26], $0x1000  }
0xc4: {  	[sflag:s26] =	ssyncset.done $0x0  }
0xc5: {  	s7 =	simm.s32 $0x9F80;
	[sflag:s26] =	ssyncadd.s32 $0xFFFFF000  }
0xc6: {  	[spmem:s3] =	stream.indirect.scatter.add.f32 [tilespmem:s16], [sflag:$0x8], $0x20, s7, s14, $0xb8;
	[tilespmem:$0x15100] =	vst v63  }
0xc7: {  	_ =	swait.ge [sflag:s31], $0x1000  }
0xc8: {  	[sflag:s31] =	ssyncset.done $0x0  }
0xc9: {  	s11 =	simm.s32 $0xA000;
	[sflag:s31] =	ssyncadd.s32 $0xFFFFF000  }
0xca: {  	[spmem:s3] =	stream.indirect.scatter.add.f32 [tilespmem:s18], [sflag:$0x9], $0x20, s11, s14, $0xb8;
	[tilespmem:$0x15100] =	vst v63  }
0xcb: {  	_ =	swait.ge [sflag:s19], $0x1000  }
0xcc: {  	[sflag:s19] =	ssyncset.done $0x0  }
0xcd: {  	s7 =	simm.s32 $0xA080;
	[sflag:s19] =	ssyncadd.s32 $0xFFFFF000  }
0xce: {  	[spmem:s3] =	stream.indirect.scatter.add.f32 [tilespmem:s20], [sflag:$0xA], $0x20, s7, s14, $0xb8;
	[tilespmem:$0x15100] =	vst v63  }
0xcf: {  	_ =	swait.ge [sflag:s30], $0x1000  }
0xd0: {  	[sflag:s30] =	ssyncset.done $0x0  }
0xd1: {  	s11 =	simm.s32 $0xA100;
	[sflag:s30] =	ssyncadd.s32 $0xFFFFF000  }
0xd2: {  	[spmem:s3] =	stream.indirect.scatter.add.f32 [tilespmem:s22], [sflag:$0xB], $0x20, s11, s14, $0xb8;
	[tilespmem:$0x15100] =	vst v63  }
0xd3: {  	_ =	swait.ge [sflag:s28], $0x1000  }
0xd4: {  	[sflag:s28] =	ssyncset.done $0x0  }
0xd5: {  	s7 =	simm.s32 $0xA180;
	[sflag:s28] =	ssyncadd.s32 $0xFFFFF000  }
0xd6: {  	[spmem:s3] =	stream.indirect.scatter.add.f32 [tilespmem:s25], [sflag:$0xC], $0x20, s7, s14, $0xb8;
	[tilespmem:$0x15100] =	vst v63  }
0xd7: {  	_ =	swait.ge [sflag:s29], $0x1000  }
0xd8: {  	[sflag:s29] =	ssyncset.done $0x0  }
0xd9: {  	[sflag:s29] =	ssyncadd.s32 $0xFFFFF000  }
0xda: {  	_ =	swait.ge [sflag:s0], $0x1000  }
0xdb: {  	[sflag:s0] =	ssyncset.done $0x0  }
0xdc: {  	[sflag:s0] =	ssyncadd.s32 $0xFFFFF000  }
0xdd: {  	_ =	swait.ge [sflag:s24], $0x1000  }
0xde: {  	[sflag:s24] =	ssyncset.done $0x0  }
0xdf: {  	[sflag:s24] =	ssyncadd.s32 $0xFFFFF000  }
0xe0: {  	_ =	swait.ge [sflag:s17], $0x1000  }
0xe1: {  	[sflag:s17] =	ssyncset.done $0x0  }
0xe2: {  	[sflag:s17] =	ssyncadd.s32 $0xFFFFF000  }
0xe3: {  	_ =	swait.ge [sflag:s21], $0x1000  }
0xe4: {  	[sflag:s21] =	ssyncset.done $0x0  }
0xe5: {  	[sflag:s21] =	ssyncadd.s32 $0xFFFFF000  }
0xe6: {  	_ =	swait.ge [sflag:s2], $0x1000  }
0xe7: {  	s5 =	sadd.s32 $0x1, s5;
	[sflag:s2] =	ssyncset.done $0x0  }
0xe8: {  	p0 =	sne.s32 s5, s9;
	[sflag:s2] =	ssyncadd.s32 $0xFFFFF000  }
.Ltmp1:
0xe9: {  	s11 =	simm.s32 $0x10;
	[bflag:$0x0] =	sbarrier.arrive $0xFFFF;
	(pc) =	sbr.rel @p0 .LBB2_1-.Ltmp1, $4  }
0xea: {  	[hbm:s8@s11], [sflag:s12] =	dma.strided [spmem:s13@s19], $0x9E0, s23, $0x4   }
0xeb: {  	_ =	swait.ge [sflag:s10], $0x9E0  }
0xec: {  	[sflag:s10] =	ssyncset.done $0x0  }
0xed: {  	[sflag:s10] =	ssyncadd.s32 $0xFFFFF620  }
0xee: {  	_ =	sfence.sel $0x180000  }
0xef: {  	[bflag:$0x0] =	sbarrier.arrive $0xFFFF  }
0xf0: {  	_ =	strace $0x9000004D  }
0xf1: {  	s0 =	stileid.u32;
	[bflag:$0x2] =	sbarrier.arrive $0xFFFF  }
0xf2: {  	p0 =	sne.s32 s0, $0x0;
	s0 =	rddreg [dreg:$0x3]  }
0xf3: {  	s0 =	sadd.s32 @!p0 $0x100000, s0  }
0xf4: {  	[sflag:s0] =	ssyncadd.tile.s32 @!p0 $0x1;
	_ =	shalt  }
.Lfunc_end2:
_tile_overlayer_lowered:
.L_overlay_start_2:
0xf5: {  	(tag) =	ssettag $0x2  }
0xf6: {  	s0 =	rddreg [dreg:$0x0];
	s2 =	stileid.u32  }
0xf7: {  	s1 =	rddreg [dreg:$0x1];
	p0 =	sne.s32 s2, $0x0  }
0xf8: {  	s3 =	rddreg [dreg:$0x2];
	[bflag:$0x3] =	sbarrier.arrive $0xFFFF;
	s2 =	simm.s32 @!p0 $0x1C0D  }
0xf9: {  	[timem:s3], [sflag:s2] =	dma.local @!p0 [hbm:s0], s1  }
0xfa: {  	s0 =	simm.s32 @!p0 $0xD  }
0xfb: {  	_ =	swait.ge @!p0 [sflag:s0], s1  }
0xfc: {  	s1 =	ssub.s32 @!p0 $0x0, s1;
	[sflag:s0] =	ssyncset.done @!p0 $0x0  }
0xfd: {  	[sflag:s0] =	ssyncadd.s32 @!p0 s1  }
0xfe: {  	[bflag:$0x3] =	sbarrier.arrive $0xFFFF  }
0xff: {  	_ =	shalt  }

// kernel: kernel.8.cloned.1.call-start
scs
__scs_entry_jumppad:
0x0: {  	(pc) =	sbr.rel $0x88, $3  }
0x1: {  	(tag) =	ssettag $0x0;
	lr =	simm.s32 $0x1  }
0x2: {  	[smem:$0x3F9B] =	sst lr;
	_ =	strace $0xD0000000  }
0x3: {  	_ = 	snop  }
0x4: {  	_ = 	snop  }
0x5: {  	_ = 	snop  }
0x6: {  	_ = 	snop  }
0x7: {  	_ = 	snop  }
__scs_overlays_trampoline_lowered:
0x8: {  	[smem:$0x3FAA] =	sst s0  }
0x9: {  	[smem:$0x3FAB] =	sst s1  }
0xa: {  	[smem:$0x3FAC] =	sst s2  }
0xb: {  	[smem:$0x3FAD] =	sst s3  }
0xc: {  	[smem:$0x3FAE] =	sst s4  }
0xd: {  	[smem:$0x3FAF] =	sst s5  }
0xe: {  	[smem:$0x3FB0] =	sst s6  }
0xf: {  	[smem:$0x3FB1] =	sst s7  }
0x10: {  	[smem:$0x3FB2] =	sst s8  }
0x11: {  	[smem:$0x3FB3] =	sst s9;
	s0 =	simm.s32 @!p0 $0x0  }
0x12: {  	s1 =	sld [smem:$0x3F99];
	s0 =	simm.s32 @p0 $0x1  }
0x13: {  	[smem:$0x3FB4] =	sst s0;
	s0 =	simm.s32 @!p1 $0x0  }
0x14: {  	s2 =	sld [smem:$0x3F98];
	s0 =	simm.s32 @p1 $0x1  }
0x15: {  	[smem:$0x3FB5] =	sst s0;
	s0 =	simm.s32 @!p2 $0x0  }
0x16: {  	s3 =	sld [smem:$0x3FDB];
	s0 =	simm.s32 @p2 $0x1  }
0x17: {  	s4 =	simm.s32 $0x1BF5;
	[smem:$0x3FB7] =	sst s0  }
0x18: {  	s0 =	sld [smem:$0x3F9A];
	_ =	swait.ge [sflag:s4], $0x0  }
0x19: {  	s7 =	sld [smem:$0x3F9B]  }
0x1a: {  	s8 =	sadd.s32 $0xFFFFE003, lr  }
0x1b: {  	s9 =	sadd.s32 $0xFFFFFEF7, lr;
	s5 =	simm.s32 $0xFFFFFFFF;
	p2 =	slt.u32 s8, $0xFFFFF086  }
0x1c: {  	p1 =	slt.u32 s9, $0xF7A;
	s5 =	simm.s32 @!p2 $0x0  }
0x1d: {  	s5 =	simm.s32 @p1 $0x1;
	p0 =	seq.s32 s7, s2  }
0x1e: {  	s7 =	smul.u32 @!p0 $0xF7A, s2;
	p2 =	seq.s32 @!p0 s5, $0x0  }
0x1f: {  	s9 =	smul.u32 $0xF7A, s1;
	s8 =	simm.s32 @!p0 $0x1BF5;
	p2 =	por !p2, p0  }
0x20: {  	[sflag:s8] =	ssyncset.s32 @!p0 $0xFFFFF086;
	s6 =	sadd.s32 @!p0 s3, s7;
	s7 =	simm.s32 @!p0 $0x108  }
0x21: {  	s3 =	sadd.s32 s3, s9;
	s6 =	sadd.s32 @!p0 $0x88, s6;
	s7 =	simm.s32 @p2 $0x1082  }
0x22: {  	[simem:s7], [sflag:s8] =	dma.local @!p0 [hbm:s6], $0xF7A  }
0x23: {  	s9 =	sor.u32 $0xD0000000, s2;
	s6 =	simm.s32 $0x108;
	_ =	swait.ge @!p0 [sflag:s8], $0x0  }
0x24: {  	s3 =	sadd.s32 $0x88, s3;
	s6 =	simm.s32 @!p1 $0x1082;
	[sflag:s4] =	ssyncset.s32 $0xFFFFF086  }
0x25: {  	[simem:s6], [sflag:s4] =	dma.local [hbm:s3], $0xF7A  }
0x26: {  	[smem:$0x3F9B] =	sst s1;
	(tag) =	ssettag s2;
	_ =	strace s9  }
0x27: {  	s1 =	sld [smem:$0x3FAB]  }
0x28: {  	s2 =	sld [smem:$0x3FAC]  }
0x29: {  	s4 =	sld [smem:$0x3FAE]  }
0x2a: {  	p0 =	seq.s32 s5, $0x0;
	s5 =	sld [smem:$0x3FAF]  }
0x2b: {  	s6 =	sld [smem:$0x3FB0]  }
0x2c: {  	s7 =	sld [smem:$0x3FB1]  }
0x2d: {  	s3 =	simm.s32 $0x108;
	s8 =	sld [smem:$0x3FB2]  }
0x2e: {  	s3 =	simm.s32 @!p0 $0x1082;
	s9 =	sld [smem:$0x3FB3]  }
0x2f: {  	lr =	sadd.s32 s0, s3;
	s0 =	sld [smem:$0x3FAA]  }
0x30: {  	s3 =	sld [smem:$0x3FAD]  }
0x31: {  	[smem:$0x3FB6] =	sst s10  }
0x32: {  	s10 =	sld [smem:$0x3FB4];
	_ =	sdelay $0x3  }
0x33: {  	p0 =	seq.s32 s10, $0x1;
	s10 =	sld [smem:$0x3FB6];
	_ =	sdelay $0x3  }
0x34: {  	[smem:$0x3FB6] =	sst s10  }
0x35: {  	s10 =	sld [smem:$0x3FB5];
	_ =	sdelay $0x3  }
0x36: {  	p1 =	seq.s32 s10, $0x1;
	s10 =	sld [smem:$0x3FB6];
	_ =	sdelay $0x3  }
0x37: {  	[smem:$0x3FB6] =	sst s10  }
0x38: {  	s10 =	sld [smem:$0x3FB7]  }
0x39: {  	_ = 	snop;
	(pc) =	sbr.ind lr, $3  }
0x3a: {  	_ = 	snop  }
0x3b: {  	_ = 	snop  }
0x3c: {  	p2 =	seq.s32 s10, $0x1;
	s10 =	sld [smem:$0x3FB6]  }
0x3d: {  	_ =	shalt  }
0x3e: {  	_ =	shalt  }
0x3f: {  	_ =	shalt  }
0x40: {  	_ =	shalt  }
0x41: {  	_ =	shalt  }
0x42: {  	_ =	shalt  }
0x43: {  	_ =	shalt  }
0x44: {  	_ =	shalt  }
0x45: {  	_ =	shalt  }
0x46: {  	_ =	shalt  }
0x47: {  	_ =	shalt  }
0x48: {  	_ =	shalt  }
0x49: {  	_ =	shalt  }
0x4a: {  	_ =	shalt  }
0x4b: {  	_ =	shalt  }
0x4c: {  	_ =	shalt  }
0x4d: {  	_ =	shalt  }
0x4e: {  	_ =	shalt  }
0x4f: {  	_ =	shalt  }
0x50: {  	_ =	shalt  }
0x51: {  	_ =	shalt  }
0x52: {  	_ =	shalt  }
0x53: {  	_ =	shalt  }
0x54: {  	_ =	shalt  }
0x55: {  	_ =	shalt  }
0x56: {  	_ =	shalt  }
0x57: {  	_ =	shalt  }
0x58: {  	_ =	shalt  }
0x59: {  	_ =	shalt  }
0x5a: {  	_ =	shalt  }
0x5b: {  	_ =	shalt  }
0x5c: {  	_ =	shalt  }
0x5d: {  	_ =	shalt  }
0x5e: {  	_ =	shalt  }
0x5f: {  	_ =	shalt  }
0x60: {  	_ =	shalt  }
0x61: {  	_ =	shalt  }
0x62: {  	_ =	shalt  }
0x63: {  	_ =	shalt  }
0x64: {  	_ =	shalt  }
0x65: {  	_ =	shalt  }
0x66: {  	_ =	shalt  }
0x67: {  	_ =	shalt  }
0x68: {  	_ =	shalt  }
0x69: {  	_ =	shalt  }
0x6a: {  	_ =	shalt  }
0x6b: {  	_ =	shalt  }
0x6c: {  	_ =	shalt  }
0x6d: {  	_ =	shalt  }
0x6e: {  	_ =	shalt  }
0x6f: {  	_ =	shalt  }
0x70: {  	_ =	shalt  }
0x71: {  	_ =	shalt  }
0x72: {  	_ =	shalt  }
0x73: {  	_ =	shalt  }
0x74: {  	_ =	shalt  }
0x75: {  	_ =	shalt  }
0x76: {  	_ =	shalt  }
0x77: {  	_ =	shalt  }
0x78: {  	_ =	shalt  }
0x79: {  	_ =	shalt  }
0x7a: {  	_ =	shalt  }
0x7b: {  	_ =	shalt  }
0x7c: {  	_ =	shalt  }
0x7d: {  	_ =	shalt  }
0x7e: {  	_ =	shalt  }
0x7f: {  	_ =	shalt  }
0x80: {  	_ =	shalt  }
0x81: {  	_ =	shalt  }
0x82: {  	_ =	shalt  }
0x83: {  	_ =	shalt  }
0x84: {  	_ =	shalt  }
0x85: {  	_ =	shalt  }
0x86: {  	_ =	shalt  }
0x87: {  	_ =	shalt  }
.Lfunc_end0:
.L_simem_size_0:
called_computation_lowered:
.L_overlay_start_0:
0x88: {  	s2 =	sld [smem:$0x3FD9]  }
0x89: {  	s3 =	sld [smem:$0x3FFE];
	_ =	sdelay $0x1  }
0x8a: {  	s1 =	srdreg.scid  }
0x8b: {  	s0 =	sand.u32 $0x1, s1  }
0x8c: {  	s17 =	sshll.u32 s0, $0xA;
	s2 =	sadd.s32 s3, s2  }
0x8d: {  	s2 =	sadd.s32 s2, s17  }
0x8e: {  	[smem:$0x3FC2] =	sst s2  }
0x8f: {  	_ = 	snop  }
0x90: {  	s2 =	sld [smem:$0x3FD0];
	(tm) =	ssettm $0x1  }
0x91: {  	s18 =	sld [smem:$0x3FFB];
	_ =	sdelay $0x3  }
0x92: {  	_ =	strace s18  }
0x93: {  	s3 =	sld [smem:$0x3FFC];
	_ =	sdelay $0x3  }
0x94: {  	_ =	strace s3  }
0x95: {  	s3 =	sld [smem:$0x3FFD];
	_ =	sdelay $0x3  }
0x96: {  	_ =	strace s3  }
0x97: {  	_ =	strace $0x8FFFFFFF  }
0x98: {  	s19 =	sld [smem:$0x3FDB];
	_ =	sdelay $0x1  }
0x99: {  	s4 =	simm.s32 $_scs_section_size  }
0x9a: {  	s5 =	simm.s32 $_size__tile_overlayer_lowered;
	s6 =	simm.s32 $_tile_overlayer_lowered  }
0x9b: {  	s22 =	simm.s32 $0x1BFF;
	s21 =	sshll.u32 s6, $0x1;
	s3 =	sadd.s32 s4, s19  }
0x9c: {  	s7 =	simm.s32 $0x0;
	s20 =	sshll.u32 s5, $0x1;
	s5 =	sadd.s32 s21, s3  }
0x9d: {  	[timem:s7], [sflag:s22] =	dma.local [hbm:s5], s20  }
0x9e: {  	_ =	swait.ge [sflag:s22], s20  }
0x9f: {  	s4 =	ssub.s32 $0x0, s20;
	[sflag:s22] =	ssyncset.done $0x0  }
0xa0: {  	[sflag:s22] =	ssyncadd.s32 s4;
	_ =	sdelay $0x1  }
0xa1: {  	s23 =	simm.s32 $0x1B8B  }
0xa2: {  	_ =	swait.ge [sflag:s23], $0x1  }
0xa3: {  	[sflag:s23] =	ssyncset.done $0x0  }
0xa4: {  	s25 =	simm.s32 $0x1B8E;
	s24 =	sld [smem:$0x3FFE];
	[sflag:s23] =	ssyncadd.s32 $0xFFFFFFFF  }
0xa5: {  	s26 =	simm.s32 $execute0_lowered;
	[smem:$0x3FD2] =	sst s25  }
0xa6: {  	s5 =	sshll.u32 s26, $0x1;
	_ =	strace $0x80000046;
	[dreg:$0x1] =	wrdreg $0xFFFFFFFF  }
0xa7: {  	s28 =	simm.s32 $_size_execute0_lowered;
	s3 =	sadd.s32 s3, s5;
	[dreg:$0x0] =	wrdreg $0x0  }
0xa8: {  	s5 =	sshll.u32 s28, $0x1;
	[dreg:$0x2] =	wrdreg s3  }
0xa9: {  	[dreg:$0x3] =	wrdreg s5  }
0xaa: {  	[dreg:$0x4] =	wrdreg $0xC0  }
0xab: {  	_ =	task [dreg:s7], $0x5FFFF  }
0xac: {  	[dreg:$0x1] =	wrdreg $0xFFFFFFFF  }
0xad: {  	[dreg:$0x0] =	wrdreg $0x60  }
0xae: {  	[dreg:$0x2] =	wrdreg s24  }
0xaf: {  	[dreg:$0x3] =	wrdreg s2  }
0xb0: {  	[dreg:$0x4] =	wrdreg $0x30800  }
0xb1: {  	[dreg:$0x5] =	wrdreg $0x9  }
0xb2: {  	_ =	task.clear_ibuf [dreg:s7], $0x6FFFF;
	_ =	strace $0x90000046  }
0xb3: {  	s29 =	simm.s32 $0x9;
	_ =	strace $0x80000048  }
0xb4: {  	_ =	swait.ge [sflag:s29], $0x1  }
0xb5: {  	[sflag:s29] =	ssyncadd.s32 $0xFFFFFFFF  }
0xb6: {  	_ =	strace $0x90000048  }
0xb7: {  	_ =	sfence  }
0xb8: {  	s30 =	sld [smem:$0x0];
	_ =	sdelay $0x2  }
0xb9: {  	s31 =	sshll.u32 s1, $0xD;
	s1 =	sshrl.u32 s1, $0x2  }
0xba: {  	s3 =	sand.u32 $0x4000, s31;
	s1 =	sadd.s32 s1, s30  }
0xbb: {  	s0 =	sor.u32 s3, s0;
	s1 =	sshll.u32 s1, $0x11  }
0xbc: {  	s0 =	sor.u32 s1, s0  }
0xbd: {  	s0 =	sadd.s32 $0x8F2B, s0  }
0xbe: {  	[sflag:s0] =	ssyncadd.remote.s32 $0x1  }
0xbf: {  	_ =	sfence.sel $0xFFFF  }
0xc0: {  	[dreg:$0x0] =	wrdreg $0xFFFFFFFF;
	(pc) =	sbr.abs _section_cstart, $3  }
0xc1: {  	[dreg:$0x1] =	wrdreg $0xFFFFFFFF  }
0xc2: {  	_ =	task.clear_ibuf [dreg:s7], $0x2FFFF;
	_ =	strace $0x9FFFFFFF  }
0xc3: {  	(tm) =	ssettm $0x7FFFFFFF  }
tec
execute0_lowered:
.L_overlay_start_1:
0x0: {  	(tag) =	ssettag $0x1  }
0x1: {  	s5 =	rddreg [dreg:$0x0]  }
0x2: {  	s1 =	srdreg.scid;
	s7 =	rddreg [dreg:$0x1]  }
0x3: {  	s0 =	stileid.u32;
	s2 =	rddreg [dreg:$0x2]  }
0x4: {  	s3 =	simm.s32 $0x0;
	s13 =	simm.s32 $0x80;
	s14 =	simm.s32 $0x1  }
0x5: {  	s15 =	simm.s32 $0x0;
	s4 =	sand.u32 $0x1, s1;
	s30 =	sshll.u32 s0, $0x1  }
0x6: {  	s8 =	smul.u32 $0x2780, s0;
	[smem:$0x7FF] =	sst s3;
	s31 =	sshll.u32 s0, $0x6  }
0x7: {  	s1 =	sor.u32 s4, s30;
	s9 =	smul.u32 $0x27800, s4;
	s10 =	ssub.s32 $0x2, s4  }
0x8: {  	s4 =	sadd.s32 $0xBC00, s5;
	s6 =	smul.u32 $0x510, s1;
	s1 =	rddreg [dreg:$0x3]  }
0x9: {  	_ =	strace $0x80000047;
	s11 =	sshrl.u32 s10, $0x1;
	s12 =	sadd.s32 s8, s2  }
0xa: {  	s9 =	sadd.s32 s8, s9;
	s10 =	ssub.s32 s10, s11;
	s11 =	sor.u32 $0x1C02, s31  }
0xb: {  	s12 =	sshrl.u32 s12, $0x3;
	s6 =	sadd.s32 s6, s5;
	s5 =	sadd.s32 $0xBE00, s5  }
0xc: {  	s9 =	sshrl.u32 s9, $0x3;
	s8 =	smax.u32 s10, $0x1;
	s10 =	simm.s32 $0x2880  }
0xd: {  	s6 =	sadd.s32 $0x1A00, s6;
	s7 =	sadd.s32 s7, s9;
	s9 =	simm.s32 $0x2  }
.LBB2_1:
0xe: {  	[tilespmem:s3], [sflag:$0x2] =	stream.linear.gather [hbm4b:s6+s3], $0x2880, $0x38;
	[tilespmem:$0x5800] =	vst v63  }
0xf: {  	_ =	swait.ge [sflag:s9], $0x2880  }
0x10: {  	[sflag:s9] =	ssyncset.done $0x0  }
0x11: {  	[sflag:s9] =	ssyncadd.s32 $0xFFFFD780  }
0x12: {  	[tilespmem:s10], [sflag:$0x2] =	stream.linear.gather [hbm4b:s4+s3], $0x800, $0x38;
	[tilespmem:$0x5800] =	vst v63  }
0x13: {  	_ =	swait.ge [sflag:s9], $0x800  }
0x14: {  	[sflag:s9] =	ssyncset.done $0x0  }
0x15: {  	[sflag:s9] =	ssyncadd.s32 $0xFFFFF800  }
0x16: {  	[spmem:s12], [sflag:s11] =	dma.local [hbm:s5], $0x4F0  }
0x17: {  	_ =	swait.ge [sflag:s9], $0x4F0  }
0x18: {  	[sflag:s9] =	ssyncset.done $0x0  }
0x19: {  	[sflag:s9] =	ssyncadd.s32 $0xFFFFFB10  }
0x1a: {  	s16 =	simm.s32 $0x0;
	[bflag:$0x0] =	sbarrier.arrive $0xFFFF  }
.LBB2_2:
0x1b: {  	p0 =	sne.s32 s16, $0xA000  }
.Ltmp0:
0x1c: {  	_ = 	snop;
	(pc) =	sbr.rel @p0 .LBB2_2-.Ltmp0, $3  }
0x1d: {  	_ =	sdelay $0x1  }
0x1e: {  	s17 =	sshra.s32 s16, $0x2;
	s16 =	sadd.s32 $0x200, s16  }
0x1f: {  	[spmem:s2] =	stream.indirect.scatter.add.f32 [tilespmem:s10], [sflag:$0x1], $0x10, s17, s13, $0xb8;
	[tilespmem:$0x5800] =	vst v63  }
0x20: {  	_ =	swait.ge [sflag:s14], $0x800  }
0x21: {  	s16 =	simm.s32 $0x50;
	[sflag:s14] =	ssyncset.done $0x0  }
.LBB2_4:
0x22: {  	p0 =	sne.s32 s16, $0x1;
	s16 =	sadd.s32 $0xFFFFFFFF, s16;
	[sflag:s14] =	ssyncadd.s32 $0xFFFFF800  }
.Ltmp1:
0x23: {  	(pc) =	sbr.rel @p0 .LBB2_4-.Ltmp1, $3  }
0x24: {  	_ =	sdelay $0x1  }
0x25: {  	_ =	swait.ge [sflag:s14], $0x800  }
0x26: {  	[sflag:s14] =	ssyncset.done $0x0  }
0x27: {  	s15 =	sadd.s32 $0x1, s15  }
0x28: {  	[sflag:s14] =	ssyncadd.s32 $0xFFFFF800;
	p0 =	sne.s32 s15, s8  }
.Ltmp2:
0x29: {  	[bflag:$0x0] =	sbarrier.arrive $0xFFFF;
	(pc) =	sbr.rel @p0 .LBB2_1-.Ltmp2, $4  }
0x2a: {  	[hbm:s7], [sflag:s11] =	dma.local [spmem:s12], $0x4F0  }
0x2b: {  	_ =	swait.ge [sflag:s9], $0x4F0  }
0x2c: {  	[sflag:s9] =	ssyncset.done $0x0  }
0x2d: {  	[sflag:s9] =	ssyncadd.s32 $0xFFFFFB10  }
0x2e: {  	_ =	sfence.sel $0x180000  }
0x2f: {  	[bflag:$0x0] =	sbarrier.arrive $0xFFFF  }
0x30: {  	p0 =	sne.s32 s0, $0x0;
	_ =	strace $0x90000047  }
0x31: {  	s0 =	sadd.s32 @!p0 $0x100000, s1;
	[bflag:$0x2] =	sbarrier.arrive $0xFFFF  }
0x32: {  	[sflag:s0] =	ssyncadd.tile.s32 @!p0 $0x1;
	_ =	shalt  }
.Lfunc_end2:
_tile_overlayer_lowered:
.L_overlay_start_2:
0x33: {  	(tag) =	ssettag $0x2  }
0x34: {  	s0 =	rddreg [dreg:$0x0];
	s2 =	stileid.u32  }
0x35: {  	s1 =	rddreg [dreg:$0x1];
	p0 =	sne.s32 s2, $0x0  }
0x36: {  	s3 =	rddreg [dreg:$0x2];
	[bflag:$0x3] =	sbarrier.arrive $0xFFFF;
	s2 =	simm.s32 @!p0 $0x1C02  }
0x37: {  	[timem:s3], [sflag:s2] =	dma.local @!p0 [hbm:s0], s1  }
0x38: {  	s0 =	simm.s32 @!p0 $0x2  }
0x39: {  	_ =	swait.ge @!p0 [sflag:s0], s1  }
0x3a: {  	s1 =	ssub.s32 @!p0 $0x0, s1;
	[sflag:s0] =	ssyncset.done @!p0 $0x0  }
0x3b: {  	[sflag:s0] =	ssyncadd.s32 @!p0 s1  }
0x3c: {  	[bflag:$0x3] =	sbarrier.arrive $0xFFFF  }
0x3d: {  	_ =	shalt  }

</sc_bundles>
